<compile_context>
chip_gen: v7x
topology: tpu7x:2x2x1
jax: 0.10.2.dev20260603
libtpu: 0.0.44.dev20260713+nightly
codegen_flags: <defaults>
</compile_context>

<pallas_src>
import functools

import jax
import jax.numpy as jnp
from jax import lax
from jax.experimental import pallas as pl
from jax.experimental.pallas import tpu as pltpu
from jax.experimental.pallas import tpu_sc as plsc

F32 = jnp.float32
HI = jax.lax.Precision.HIGHEST
I32 = jnp.int32

NC = 2
NS = 16
LANES = 16
NW = NC * NS

G = 64
PAD_G = 64.0

NB = 1024
NPAD = 50176
NBLK = NPAD // NB

E_PAD = 819200
EPW = E_PAD // NW
CK = 1280
KG = 64
DKG = 2 * KG
CB = CK + DKG + LANES

RID_CAP = 4 * NPAD
NP = 9
SCROWS = 12160
ACC_ROWS = 12288
TROWS = ACC_ROWS // NS
ZROWS = 48
CROWS = SCROWS // NS
RTOT_E = NP * NC * SCROWS


def _edge_scalar_sc(xf, src_p, rid_p):
    mesh = plsc.VectorSubcoreMesh(
        core_axis_name="c", subcore_axis_name="s", num_cores=NC,
        num_subcores=NS)
    zslice = RID_CAP // NS

    @functools.partial(
        pl.kernel,
        out_type=(jax.ShapeDtypeStruct((NC, RID_CAP), F32),
                  jax.ShapeDtypeStruct((NC, RID_CAP), F32)),
        mesh=mesh,
        scratch_types=[
            pltpu.VMEM((CK,), I32),
            pltpu.VMEM((CK,), I32),
            pltpu.VMEM((CK,), F32),
            pltpu.VMEM((CK,), F32),
            pltpu.VMEM_SHARED((RID_CAP,), F32),
            pltpu.VMEM_SHARED((RID_CAP,), F32),
            pltpu.SemaphoreType.DMA,
        ],
    )
    def k(x_hbm, src_hbm, rid_hbm, z_hbm, outv_hbm, outc_hbm,
          src_v, rid_v, val_v, ones_v, accv, accc, sem):
        c = lax.axis_index("c")
        s = lax.axis_index("s")
        wid = s * NC + c

        pltpu.sync_copy(z_hbm.at[pl.ds(s * zslice, zslice)],
                        accv.at[pl.ds(s * zslice, zslice)])
        pltpu.sync_copy(z_hbm.at[pl.ds(s * zslice, zslice)],
                        accc.at[pl.ds(s * zslice, zslice)])

        def fill(i, _):
            ones_v[pl.ds(i * LANES, LANES)] = jnp.full((LANES,), 1.0, F32)
            return 0
        lax.fori_loop(0, CK // LANES, fill, 0)
        plsc.subcore_barrier()

        def step(i, _):
            base = wid * EPW + i * CK
            pltpu.sync_copy(src_hbm.at[pl.ds(base, CK)], src_v)
            pltpu.sync_copy(rid_hbm.at[pl.ds(base, CK)], rid_v)
            pltpu.async_copy(x_hbm.at[src_v], val_v, sem).wait()
            pltpu.sync_copy(val_v, accv.at[rid_v], add=True)
            pltpu.sync_copy(ones_v, accc.at[rid_v], add=True)
            return 0
        lax.fori_loop(0, EPW // CK, step, 0)
        plsc.subcore_barrier()

        pltpu.sync_copy(accv.at[pl.ds(s * zslice, zslice)],
                        outv_hbm.at[c, pl.ds(s * zslice, zslice)])
        pltpu.sync_copy(accc.at[pl.ds(s * zslice, zslice)],
                        outc_hbm.at[c, pl.ds(s * zslice, zslice)])

    zeros = jnp.zeros((RID_CAP,), F32)
    return k(xf, src_p, rid_p, zeros)


def _edge_rows_sc(h1, edges2):
    mesh = plsc.VectorSubcoreMesh(
        core_axis_name="c", subcore_axis_name="s", num_cores=NC,
        num_subcores=NS)

    @functools.partial(
        pl.kernel,
        out_type=jax.ShapeDtypeStruct((RTOT_E, 128), F32),
        mesh=mesh,
        scratch_types=[
            pltpu.VMEM((CB,), I32),
            pltpu.VMEM((CB,), I32),
            pltpu.VMEM((2, CK), I32),
            pltpu.VMEM((2, CK), I32),
            pltpu.VMEM((KG,), I32),
            pltpu.VMEM((KG,), I32),
            pltpu.VMEM((KG,), I32),
            pltpu.VMEM((KG,), I32),
            pltpu.VMEM((KG, 128), F32),
            pltpu.VMEM((KG, 128), F32),
            pltpu.VMEM((ZROWS, 128), F32),
            pltpu.VMEM_SHARED((ACC_ROWS, 128), F32),
            pltpu.SemaphoreType.DMA,
            pltpu.SemaphoreType.DMA,
            pltpu.SemaphoreType.DMA,
            pltpu.SemaphoreType.DMA,
        ],
        compiler_params=pltpu.CompilerParams(needs_layout_passes=False),
    )
    def k(h_hbm, e_hbm, out_hbm,
          src_c, lid_c, eb0, eb1, idxg0, idxs0, idxg1, idxs1,
          rows0, rows1, zrows, acc, sem0, sem1, semA, semB):
        c = lax.axis_index("c")
        s = lax.axis_index("s")
        ept = E_PAD // NS

        def zfill(i, _):
            for kk in range(128 // LANES):
                zrows[i, pl.ds(kk * LANES, LANES)] = (
                    jnp.zeros((LANES,), F32))
            return 0
        lax.fori_loop(0, ZROWS, zfill, 0)
        iot = lax.iota(I32, LANES)

        def drain(t, _):
            def cp(j, _):
                idxg0[pl.ds(j * LANES, LANES)] = (
                    src_c[pl.ds(t * DKG + j * LANES, LANES)])
                idxs0[pl.ds(j * LANES, LANES)] = (
                    lid_c[pl.ds(t * DKG + j * LANES, LANES)])
                idxg1[pl.ds(j * LANES, LANES)] = (
                    src_c[pl.ds(t * DKG + KG + j * LANES, LANES)])
                idxs1[pl.ds(j * LANES, LANES)] = (
                    lid_c[pl.ds(t * DKG + KG + j * LANES, LANES)])
                return 0
            lax.fori_loop(0, KG // LANES, cp, 0)
            d0 = pltpu.async_copy(h_hbm.at[idxg0], rows0, sem0)
            d1 = pltpu.async_copy(h_hbm.at[idxg1], rows1, sem1)
            d0.wait()
            pltpu.sync_copy(rows0, acc.at[idxs0], add=True)
            d1.wait()
            pltpu.sync_copy(rows1, acc.at[idxs1], add=True)
            return 0

        def pass_body(p, _):
            r0 = (p * NC + c) * SCROWS

            def zero_acc(kk, _):
                pltpu.sync_copy(
                    zrows, acc.at[pl.ds(s * TROWS + kk * ZROWS, ZROWS)])
                return 0
            lax.fori_loop(0, TROWS // ZROWS, zero_acc, 0)
            plsc.subcore_barrier()

            nchunks = (E_PAD // NS) // CK

            def stage_slice(i):
                ii = jnp.minimum(i, nchunks - 1)
                return e_hbm.at[:, pl.ds(s * ept + ii * CK, CK)]

            def compact(eb, off):
                def vec(j, off):
                    rv = eb[0, pl.ds(j * LANES, LANES)]
                    sv = eb[1, pl.ds(j * LANES, LANES)]
                    lid = rv - r0
                    m = (lid >= 0) & (lid < SCROWS)
                    cs = plsc.cumsum(jnp.where(m, 1.0, 0.0))
                    pos = off + cs.astype(I32) - 1
                    plsc.store_scatter(lid_c, [pos], lid, mask=m)
                    plsc.store_scatter(src_c, [pos], sv, mask=m)
                    return off + cs[LANES - 1].astype(I32)
                off = lax.fori_loop(0, CK // LANES, vec, off)

                nfull = off // DKG
                lax.fori_loop(0, nfull, drain, 0)
                rem = off - nfull * DKG

                def mv(kk, _):
                    lid_c[pl.ds(kk * LANES, LANES)] = (
                        lid_c[pl.ds(nfull * DKG + kk * LANES, LANES)])
                    src_c[pl.ds(kk * LANES, LANES)] = (
                        src_c[pl.ds(nfull * DKG + kk * LANES, LANES)])
                    return 0
                lax.fori_loop(0, (rem + LANES - 1) // LANES, mv, 0)
                return rem

            pltpu.async_copy(stage_slice(0), eb0, semA)

            def chunk2(i2, off):
                pltpu.make_async_copy(stage_slice(2 * i2), eb0, semA).wait()
                pltpu.async_copy(stage_slice(2 * i2 + 1), eb1, semB)
                off = compact(eb0, off)
                pltpu.make_async_copy(
                    stage_slice(2 * i2 + 1), eb1, semB).wait()
                pltpu.async_copy(stage_slice(2 * i2 + 2), eb0, semA)
                return compact(eb1, off)
            off = lax.fori_loop(0, nchunks // 2, chunk2, jnp.zeros((), I32))
            pltpu.make_async_copy(stage_slice(nchunks - 1), eb0, semA).wait()

            for kk in range(DKG // LANES):
                pos = off + kk * LANES + iot
                plsc.store_scatter(
                    lid_c, [pos], jnp.full((LANES,), SCROWS, I32))
                plsc.store_scatter(
                    src_c, [pos], jnp.zeros((LANES,), I32))
            lax.fori_loop(0, (off + DKG - 1) // DKG, drain, 0)
            plsc.subcore_barrier()

            pltpu.sync_copy(acc.at[pl.ds(s * CROWS, CROWS)],
                            out_hbm.at[pl.ds(r0 + s * CROWS, CROWS)])
            plsc.subcore_barrier()
            return 0
        lax.fori_loop(0, NP, pass_body, 0)

    return k(h1, edges2)


def _iota_row(width):
    return lax.broadcasted_iota(I32, (1, width), 1).astype(F32)


def _tc_layer1(xp, svr, scr, bcol, brow, w1m, r1, b1r):
    def body(x_ref, sv_ref, sc_ref, bc_ref, br_ref, w_ref, r_ref, b_ref,
             z_ref, s1_ref, s2_ref, cg_ref):
        i = pl.program_id(0)
        xb = x_ref[...]
        sv = sv_ref[0] + sv_ref[1]
        scnt = sc_ref[0] + sc_ref[1]
        mean = sv / jnp.maximum(scnt, 1.0)
        z = (xb * r_ref[...]
             + jnp.dot(mean, w_ref[...], preferred_element_type=F32, precision=HI)
             + b_ref[...])
        z_ref[...] = z
        oht = (br_ref[...] == lax.broadcasted_iota(I32, (G, NB), 0).astype(F32)
               ).astype(F32)
        s1c = jnp.dot(oht, z, preferred_element_type=F32, precision=HI)
        s2c = jnp.dot(oht, z * z, preferred_element_type=F32, precision=HI)
        cgc = jnp.dot(oht, jnp.ones_like(z), preferred_element_type=F32, precision=HI)

        @pl.when(i == 0)
        def _():
            s1_ref[...] = jnp.zeros_like(s1_ref)
            s2_ref[...] = jnp.zeros_like(s2_ref)
            cg_ref[...] = jnp.zeros_like(cg_ref)
        s1_ref[...] += s1c
        s2_ref[...] += s2c
        cg_ref[...] += cgc

    full = lambda shape: pl.BlockSpec(shape, lambda i: tuple(0 for _ in shape))
    return pl.pallas_call(
        body,
        grid=(NBLK,),
        in_specs=[
            pl.BlockSpec((NB, 1), lambda i: (i, 0)),
            pl.BlockSpec((2, NB, 4), lambda i: (0, i, 0)),
            pl.BlockSpec((2, NB, 4), lambda i: (0, i, 0)),
            pl.BlockSpec((NB, 1), lambda i: (i, 0)),
            pl.BlockSpec((1, NB), lambda i: (0, i)),
            full((4, 128)),
            full((1, 128)),
            full((1, 128)),
        ],
        out_specs=[
            pl.BlockSpec((NB, 128), lambda i: (i, 0)),
            full((G, 128)),
            full((G, 128)),
            full((G, 128)),
        ],
        out_shape=[
            jax.ShapeDtypeStruct((NPAD, 128), F32),
            jax.ShapeDtypeStruct((G, 128), F32),
            jax.ShapeDtypeStruct((G, 128), F32),
            jax.ShapeDtypeStruct((G, 128), F32),
        ],
    )(xp, svr, scr, bcol, brow, w1m, r1, b1r)


def _tc_norm_params(s1, s2, cg, gw, gb, ga, width):
    def body(s1_ref, s2_ref, cg_ref, gw_ref, gb_ref, ga_ref, a_ref, b_ref):
        c = jnp.maximum(cg_ref[...], 1.0)
        m = s1_ref[...] / c
        a = ga_ref[...]
        var = s2_ref[...] / c - (2.0 * a - a * a) * m * m
        aa = gw_ref[...] * lax.rsqrt(var + 1e-5)
        a_ref[...] = aa
        b_ref[...] = gb_ref[...] - aa * a * m

    full = lambda shape: pl.BlockSpec(shape, lambda: tuple(0 for _ in shape))
    return pl.pallas_call(
        body,
        in_specs=[full((G, width))] * 3 + [full((1, width))] * 3,
        out_specs=[full((G, width))] * 2,
        out_shape=[jax.ShapeDtypeStruct((G, width), F32)] * 2,
    )(s1, s2, cg, gw, gb, ga)


def _tc_apply_relu(z1, bcol, a1, b1n):
    def body(z_ref, bc_ref, a_ref, b_ref, h_ref):
        oh = (bc_ref[...] == _iota_row(G)).astype(F32)
        an = jnp.dot(oh, a_ref[...], preferred_element_type=F32, precision=HI)
        bn = jnp.dot(oh, b_ref[...], preferred_element_type=F32, precision=HI)
        h_ref[...] = jnp.maximum(an * z_ref[...] + bn, 0.0)

    full = lambda shape: pl.BlockSpec(shape, lambda i: tuple(0 for _ in shape))
    return pl.pallas_call(
        body,
        grid=(NBLK,),
        in_specs=[
            pl.BlockSpec((NB, 128), lambda i: (i, 0)),
            pl.BlockSpec((NB, 1), lambda i: (i, 0)),
            full((G, 128)),
            full((G, 128)),
        ],
        out_specs=pl.BlockSpec((NB, 128), lambda i: (i, 0)),
        out_shape=jax.ShapeDtypeStruct((NPAD, 128), F32),
    )(z1, bcol, a1, b1n)


def _tc_layer2(h1, accr, scr, bcol, brow, expand, r2, w2s, b2r):
    def body(h_ref, acc_ref, sc_ref, bc_ref, br_ref, e_ref, r_ref, w_ref,
             b_ref, z_ref, s1_ref, s2_ref, cg_ref):
        i = pl.program_id(0)
        cnt = sc_ref[0] + sc_ref[1]
        recip = 1.0 / jnp.maximum(cnt, 1.0)
        rb = jnp.dot(recip, e_ref[...], preferred_element_type=F32, precision=HI)
        mean = acc_ref[...] * rb
        z = (jnp.dot(h_ref[...], r_ref[...], preferred_element_type=F32)
             + jnp.dot(mean, w_ref[...], preferred_element_type=F32)
             + b_ref[...])
        z_ref[...] = z
        oht = (br_ref[...] == lax.broadcasted_iota(I32, (G, NB), 0).astype(F32)
               ).astype(F32)
        s1c = jnp.dot(oht, z, preferred_element_type=F32, precision=HI)
        s2c = jnp.dot(oht, z * z, preferred_element_type=F32, precision=HI)
        cgc = jnp.dot(oht, jnp.ones_like(z), preferred_element_type=F32, precision=HI)

        @pl.when(i == 0)
        def _():
            s1_ref[...] = jnp.zeros_like(s1_ref)
            s2_ref[...] = jnp.zeros_like(s2_ref)
            cg_ref[...] = jnp.zeros_like(cg_ref)
        s1_ref[...] += s1c
        s2_ref[...] += s2c
        cg_ref[...] += cgc

    full = lambda shape: pl.BlockSpec(shape, lambda i: tuple(0 for _ in shape))
    return pl.pallas_call(
        body,
        grid=(NBLK,),
        in_specs=[
            pl.BlockSpec((NB, 128), lambda i: (i, 0)),
            pl.BlockSpec((NB, 512), lambda i: (i, 0)),
            pl.BlockSpec((2, NB, 4), lambda i: (0, i, 0)),
            pl.BlockSpec((NB, 1), lambda i: (i, 0)),
            pl.BlockSpec((1, NB), lambda i: (0, i)),
            full((4, 512)),
            full((128, 256)),
            full((512, 256)),
            full((1, 256)),
        ],
        out_specs=[
            pl.BlockSpec((NB, 256), lambda i: (i, 0)),
            full((G, 256)),
            full((G, 256)),
            full((G, 256)),
        ],
        out_shape=[
            jax.ShapeDtypeStruct((NPAD, 256), F32),
            jax.ShapeDtypeStruct((G, 256), F32),
            jax.ShapeDtypeStruct((G, 256), F32),
            jax.ShapeDtypeStruct((G, 256), F32),
        ],
    )(h1, accr, scr, bcol, brow, expand, r2, w2s, b2r)


def _tc_final(z2, bcol, brow, a2, b2n, cg2, lw, lb):
    def body(z_ref, bc_ref, br_ref, a_ref, b_ref, cg_ref, lw_ref, lb_ref,
             out_ref, p_acc):
        i = pl.program_id(0)

        @pl.when(i == 0)
        def _():
            p_acc[...] = jnp.zeros_like(p_acc)
        oh = (bc_ref[...] == _iota_row(G)).astype(F32)
        an = jnp.dot(oh, a_ref[...], preferred_element_type=F32, precision=HI)
        bn = jnp.dot(oh, b_ref[...], preferred_element_type=F32, precision=HI)
        h = jnp.maximum(an * z_ref[...] + bn, 0.0)
        oht = (br_ref[...] == lax.broadcasted_iota(I32, (G, NB), 0).astype(F32)
               ).astype(F32)
        p_acc[...] += jnp.dot(oht, h, preferred_element_type=F32, precision=HI)

        @pl.when(i == NBLK - 1)
        def _():
            pooled = p_acc[...] / jnp.maximum(cg_ref[...], 1.0)
            out_ref[...] = (jnp.dot(pooled, lw_ref[...],
                                    preferred_element_type=F32, precision=HI)
                            + lb_ref[...])

    full = lambda shape: pl.BlockSpec(shape, lambda i: tuple(0 for _ in shape))
    return pl.pallas_call(
        body,
        grid=(NBLK,),
        in_specs=[
            pl.BlockSpec((NB, 256), lambda i: (i, 0)),
            pl.BlockSpec((NB, 1), lambda i: (i, 0)),
            pl.BlockSpec((1, NB), lambda i: (0, i)),
            full((G, 256)),
            full((G, 256)),
            full((G, 256)),
            full((256, 10)),
            full((1, 10)),
        ],
        out_specs=full((G, 10)),
        out_shape=jax.ShapeDtypeStruct((G, 10), F32),
        scratch_shapes=[pltpu.VMEM((G, 256), F32)],
    )(z2, bcol, brow, a2, b2n, cg2, lw, lb)


def kernel(x, edge_index, edge_type, batch, w1, root1, b1, w2, root2, b2,
           g1w, g1b, g1a, g2w, g2b, g2a, lin_w, lin_b):
    n = x.shape[0]
    e = edge_index.shape[1]

    src = edge_index[0].astype(I32)
    rid = (edge_index[1] * 4 + edge_type).astype(I32)
    src_p = jnp.concatenate([src, jnp.zeros((E_PAD - e,), I32)])
    rid_p = jnp.concatenate([rid, jnp.full((E_PAD - e,), 4 * n, I32)])

    xf = x[:, 0].astype(F32)
    xp = jnp.pad(x.astype(F32), ((0, NPAD - n), (0, 0)))
    bf = batch.astype(F32)
    bcol = jnp.pad(bf, (0, NPAD - n), constant_values=PAD_G)[:, None]
    brow = bcol.reshape(1, NPAD)

    w1m = w1[:, 0, :].astype(F32)
    r1 = root1.astype(F32)
    b1r = b1.reshape(1, -1).astype(F32)
    w2s = w2.reshape(4 * 128, 256).astype(F32)
    b2r = b2.reshape(1, -1).astype(F32)
    expand = jnp.kron(jnp.eye(4, dtype=F32), jnp.ones((1, 128), F32))

    outv, outc = _edge_scalar_sc(xf, src_p, rid_p)
    svr = outv.reshape(NC, NPAD, 4)
    scr = outc.reshape(NC, NPAD, 4)

    z1, s1, s2, cg = _tc_layer1(xp, svr, scr, bcol, brow, w1m, r1, b1r)
    a1, b1n = _tc_norm_params(s1, s2, cg, g1w.reshape(1, -1),
                              g1b.reshape(1, -1), g1a.reshape(1, -1), 128)
    h1 = _tc_apply_relu(z1, bcol, a1, b1n)

    acc = _edge_rows_sc(h1, jnp.stack([rid_p, src_p]))
    accr = acc.reshape(RTOT_E // 4, 512)

    z2, s1b, s2b, cg2 = _tc_layer2(h1, accr, scr, bcol, brow, expand,
                                   root2.astype(F32), w2s, b2r)
    a2, b2n = _tc_norm_params(s1b, s2b, cg2, g2w.reshape(1, -1),
                              g2b.reshape(1, -1), g2a.reshape(1, -1), 256)

    return _tc_final(z2, bcol, brow, a2, b2n, cg2,
                     lin_w.astype(F32), lin_b.reshape(1, -1).astype(F32))

# --- scband reference (transcript-rebuilt; emitter-appended) ---
"""Pipeline reference for scband-mnistrgcn-8632884265024 (READ-ONLY COPY).

The authoritative reference and input builder live on the scoring server;
editing this copy changes nothing except your own understanding.
"""

import jax, jax.numpy as jnp
import numpy as np

N = 50000
E = 800000
R = 4
G = 64
F_IN = 1
H = 128
H2 = 256
C = 10


def setup_inputs(seed: int = 0):
    key = jax.random.key(seed)
    ks = jax.random.split(key, 16)
    x = jax.random.normal(ks[0], (N, F_IN), dtype=jnp.float32)
    edge_index = jax.random.randint(ks[1], (2, E), 0, N)
    edge_type = jax.random.randint(ks[2], (E,), 0, R)
    batch = jnp.sort(jax.random.randint(ks[3], (N,), 0, G))
    w1 = jax.random.normal(ks[4], (R, F_IN, H), dtype=jnp.float32) * 0.1
    root1 = jax.random.normal(ks[5], (F_IN, H), dtype=jnp.float32) * 0.1
    b1 = jnp.zeros((H,), jnp.float32)
    w2 = jax.random.normal(ks[6], (R, H, H2), dtype=jnp.float32) * 0.05
    root2 = jax.random.normal(ks[7], (H, H2), dtype=jnp.float32) * 0.05
    b2 = jnp.zeros((H2,), jnp.float32)
    g1w = jnp.ones((H,), jnp.float32)
    g1b = jnp.zeros((H,), jnp.float32)
    g1a = jnp.ones((H,), jnp.float32)
    g2w = jnp.ones((H2,), jnp.float32)
    g2b = jnp.zeros((H2,), jnp.float32)
    g2a = jnp.ones((H2,), jnp.float32)
    lin_w = jax.random.normal(ks[8], (H2, C), dtype=jnp.float32) * 0.05
    lin_b = jnp.zeros((C,), jnp.float32)
    return dict(x=x, edge_index=edge_index, edge_type=edge_type, batch=batch,
                w1=w1, root1=root1, b1=b1, w2=w2, root2=root2, b2=b2,
                g1w=g1w, g1b=g1b, g1a=g1a, g2w=g2w, g2b=g2b, g2a=g2a,
                lin_w=lin_w, lin_b=lin_b)


def _rgcn(x, edge_index, edge_type, w, root, bias):
    # RGCNConv with mean aggregation per relation + root weight + bias
    src, dst = edge_index[0], edge_index[1]
    xj = x[src]
    out = x @ root + bias
    for r in range(R):
        m = (edge_type == r).astype(x.dtype)[:, None]
        s = jax.ops.segment_sum(xj * m, dst, num_segments=N)
        cnt = jax.ops.segment_sum(m, dst, num_segments=N)
        mean = s / jnp.maximum(cnt, 1.0)
        out = out + mean @ w[r]
    return out


def _graphnorm(x, batch, gamma, beta, alpha):
    ones = jnp.ones((x.shape[0], 1), x.dtype)
    cnt = jnp.maximum(jax.ops.segment_sum(ones, batch, num_segments=G), 1.0)
    mean = jax.ops.segment_sum(x, batch, num_segments=G) / cnt
    sub = x - alpha * mean[batch]
    var = jax.ops.segment_sum(sub * sub, batch, num_segments=G) / cnt
    return gamma * sub / jnp.sqrt(var[batch] + 1e-5) + beta


def reference(x, edge_index, edge_type, batch, w1, root1, b1, w2, root2, b2,
              g1w, g1b, g1a, g2w, g2b, g2a, lin_w, lin_b):
    h = _rgcn(x, edge_index, edge_type, w1, root1, b1)
    h = _graphnorm(h, batch, g1w, g1b, g1a)
    h = jax.nn.relu(h)
    h = _rgcn(h, edge_index, edge_type, w2, root2, b2)
    h = _graphnorm(h, batch, g2w, g2b, g2a)
    h = jax.nn.relu(h)
    ones = jnp.ones((h.shape[0], 1), h.dtype)
    cnt = jnp.maximum(jax.ops.segment_sum(ones, batch, num_segments=G), 1.0)
    pooled = jax.ops.segment_sum(h, batch, num_segments=G) / cnt
    # dropout is identity in eval mode
    return pooled @ lin_w + lin_b

if __name__ == "__main__":
    import jax
    _d = setup_inputs()
    print(jax.jit(kernel)(*tuple(_d.values())))

</pallas_src>

<mosaic_0001>
#map = affine_map<(d0, d1) -> (0)>
#map1 = affine_map<(d0, d1) -> (0, 0)>
module attributes {stable_mosaic.version = 14 : i64} {
  func.func @k(%arg0: i32, %arg1: i32, %arg2: memref<50000xf32, #tpu.memory_space<hbm>>, %arg3: memref<819200xi32, #tpu.memory_space<hbm>>, %arg4: memref<819200xi32, #tpu.memory_space<hbm>>, %arg5: memref<200704xf32, #tpu.memory_space<hbm>>, %arg6: memref<2x200704xf32, #tpu.memory_space<hbm>>, %arg7: memref<2x200704xf32, #tpu.memory_space<hbm>>, %arg8: memref<1280xi32, #tpu.memory_space<vmem>>, %arg9: memref<1280xi32, #tpu.memory_space<vmem>>, %arg10: memref<1280xf32, #tpu.memory_space<vmem>>, %arg11: memref<1280xf32, #tpu.memory_space<vmem>>, %arg12: memref<200704xf32, #tpu.memory_space<vmem_shared>>, %arg13: memref<200704xf32, #tpu.memory_space<vmem_shared>>, %arg14: memref<!tpu.dma_semaphore, #tpu.memory_space<semaphore_mem>>) attributes {dimension_semantics = [#tpu.dimension_semantics<core_parallel>, #tpu.dimension_semantics<subcore_parallel>], iteration_bounds = array<i64: 2, 16>, scalar_prefetch = 0 : i64, scratch_operands = 7 : i64, tpu.core_type = #tpu.core_type<sc_vector_subcore>, window_params = [{transform_indices = #map}, {transform_indices = #map}, {transform_indices = #map}, {transform_indices = #map}, {transform_indices = #map1}, {transform_indices = #map1}]} {
    %mul3A = arith.constant 2 : i32
    %mul3A_0 = arith.muli %arg1, %mul3A : i32
    %add3A = arith.addi %mul3A_0, %arg0 : i32
    %mul3A_1 = arith.constant 12544 : i32
    %mul3A_2 = arith.muli %arg1, %mul3A_1 : i32
    %mul3A_3 = arith.constant 12544 : i32
    %mul3A_4 = arith.muli %arg1, %mul3A_3 : i32
    "tpu.region"() ({
      %run_scoped3A = tpu.sem_alloc : memref<!tpu.dma_semaphore, #tpu.memory_space<semaphore_mem>>
      %dma_start3A = tpu.memref_slice %arg12[%mul3A_4] : memref<200704xf32, #tpu.memory_space<vmem_shared>> -> memref<12544xf32, #tpu.memory_space<vmem_shared>>
      %dma_start3A_31 = tpu.memref_slice %arg5[%mul3A_2] : memref<200704xf32, #tpu.memory_space<hbm>> -> memref<12544xf32, #tpu.memory_space<hbm>>
      tpu.enqueue_dma source(%dma_start3A_31 : memref<12544xf32, #tpu.memory_space<hbm>>) target(%dma_start3A : memref<12544xf32, #tpu.memory_space<vmem_shared>>) target_semaphore(%run_scoped3A : memref<!tpu.dma_semaphore, #tpu.memory_space<semaphore_mem>>)
      %dma_wait3A = tpu.memref_slice %arg12[%mul3A_4] : memref<200704xf32, #tpu.memory_space<vmem_shared>> -> memref<12544xf32, #tpu.memory_space<vmem_shared>>
      %dma_wait3A_32 = tpu.memref_slice %arg5[%mul3A_2] : memref<200704xf32, #tpu.memory_space<hbm>> -> memref<12544xf32, #tpu.memory_space<hbm>>
      tpu.wait_dma2 semaphore(%run_scoped3A : memref<!tpu.dma_semaphore, #tpu.memory_space<semaphore_mem>>) src(%dma_wait3A_32 : memref<12544xf32, #tpu.memory_space<hbm>>) dst(%dma_wait3A : memref<12544xf32, #tpu.memory_space<vmem_shared>>)
      tpu.yield
    }) : () -> ()
    %mul3A_5 = arith.constant 12544 : i32
    %mul3A_6 = arith.muli %arg1, %mul3A_5 : i32
    %mul3A_7 = arith.constant 12544 : i32
    %mul3A_8 = arith.muli %arg1, %mul3A_7 : i32
    "tpu.region"() ({
      %run_scoped3A = tpu.sem_alloc : memref<!tpu.dma_semaphore, #tpu.memory_space<semaphore_mem>>
      %dma_start3A = tpu.memref_slice %arg13[%mul3A_8] : memref<200704xf32, #tpu.memory_space<vmem_shared>> -> memref<12544xf32, #tpu.memory_space<vmem_shared>>
      %dma_start3A_31 = tpu.memref_slice %arg5[%mul3A_6] : memref<200704xf32, #tpu.memory_space<hbm>> -> memref<12544xf32, #tpu.memory_space<hbm>>
      tpu.enqueue_dma source(%dma_start3A_31 : memref<12544xf32, #tpu.memory_space<hbm>>) target(%dma_start3A : memref<12544xf32, #tpu.memory_space<vmem_shared>>) target_semaphore(%run_scoped3A : memref<!tpu.dma_semaphore, #tpu.memory_space<semaphore_mem>>)
      %dma_wait3A = tpu.memref_slice %arg13[%mul3A_8] : memref<200704xf32, #tpu.memory_space<vmem_shared>> -> memref<12544xf32, #tpu.memory_space<vmem_shared>>
      %dma_wait3A_32 = tpu.memref_slice %arg5[%mul3A_6] : memref<200704xf32, #tpu.memory_space<hbm>> -> memref<12544xf32, #tpu.memory_space<hbm>>
      tpu.wait_dma2 semaphore(%run_scoped3A : memref<!tpu.dma_semaphore, #tpu.memory_space<semaphore_mem>>) src(%dma_wait3A_32 : memref<12544xf32, #tpu.memory_space<hbm>>) dst(%dma_wait3A : memref<12544xf32, #tpu.memory_space<vmem_shared>>)
      tpu.yield
    }) : () -> ()
    %scan3A = arith.constant 0 : i32
    %scan3A_9 = arith.constant 0 : i32
    %scan3A_10 = arith.constant 80 : i32
    %scan3A_11 = arith.addi %scan3A_9, %scan3A_10 : i32
    %scan3A_12 = arith.constant 1 : i32
    %scan3A_13 = scf.for %scan3A_31 = %scan3A_9 to %scan3A_11 step %scan3A_12 iter_args(%scan3A_32 = %scan3A) -> (i32)  : i32 {
      %broadcast_in_dim3A = arith.constant 1.000000e+00 : f32
      %broadcast_in_dim3A_33 = vector.broadcast %broadcast_in_dim3A : f32 to vector<16xf32>
      %mul3A_34 = arith.constant 16 : i32
      %mul3A_35 = arith.muli %scan3A_31, %mul3A_34 : i32
      %swap3A = arith.index_cast %mul3A_35 : i32 to index
      %swap3A_36 = tpu.vector_load %arg11[%swap3A] {strides = array<i32>} : memref<1280xf32, #tpu.memory_space<vmem>>, vector<16xf32>,
      %swap3A_37 = vector.shape_cast %swap3A_36 : vector<16xf32> to vector<16xf32>
      %swap3A_38 = vector.shape_cast %broadcast_in_dim3A_33 : vector<16xf32> to vector<16xf32>
      tpu.vector_store %arg11[%swap3A], %swap3A_38 {strides = array<i32>} : memref<1280xf32, #tpu.memory_space<vmem>>, vector<16xf32>,
      %scan3A_39 = arith.constant 0 : i32
      scf.yield %scan3A_39 : i32
    }
    %scan3A_14 = arith.constant 80 : i32
    %barrier3A = arith.constant 0 : index
    tpu.barrier barrier_id(%barrier3A)
    %scan3A_15 = arith.constant 0 : i32
    %scan3A_16 = arith.constant 0 : i32
    %scan3A_17 = arith.constant 20 : i32
    %scan3A_18 = arith.addi %scan3A_16, %scan3A_17 : i32
    %scan3A_19 = arith.constant 1 : i32
    %scan3A_20 = scf.for %scan3A_31 = %scan3A_16 to %scan3A_18 step %scan3A_19 iter_args(%scan3A_32 = %scan3A_15) -> (i32)  : i32 {
      %mul3A_33 = arith.constant 25600 : i32
      %mul3A_34 = arith.muli %add3A, %mul3A_33 : i32
      %mul3A_35 = arith.constant 1280 : i32
      %mul3A_36 = arith.muli %scan3A_31, %mul3A_35 : i32
      %add3A_37 = arith.addi %mul3A_34, %mul3A_36 : i32
      "tpu.region"() ({
        %run_scoped3A = tpu.sem_alloc : memref<!tpu.dma_semaphore, #tpu.memory_space<semaphore_mem>>
        %dma_start3A_41 = tpu.memref_slice %arg3[%add3A_37] : memref<819200xi32, #tpu.memory_space<hbm>> -> memref<1280xi32, #tpu.memory_space<hbm>>
        %dma_start3A_42 = tpu.memref_slice %arg3[%add3A_37] : memref<819200xi32, #tpu.memory_space<hbm>> -> memref<1280xi32, #tpu.memory_space<hbm>>
        tpu.enqueue_dma source(%dma_start3A_42 : memref<1280xi32, #tpu.memory_space<hbm>>) target(%arg8 : memref<1280xi32, #tpu.memory_space<vmem>>) target_semaphore(%run_scoped3A : memref<!tpu.dma_semaphore, #tpu.memory_space<semaphore_mem>>)
        %dma_wait3A_43 = tpu.memref_slice %arg3[%add3A_37] : memref<819200xi32, #tpu.memory_space<hbm>> -> memref<1280xi32, #tpu.memory_space<hbm>>
        %dma_wait3A_44 = tpu.memref_slice %arg3[%add3A_37] : memref<819200xi32, #tpu.memory_space<hbm>> -> memref<1280xi32, #tpu.memory_space<hbm>>
        tpu.wait_dma2 semaphore(%run_scoped3A : memref<!tpu.dma_semaphore, #tpu.memory_space<semaphore_mem>>) src(%dma_wait3A_44 : memref<1280xi32, #tpu.memory_space<hbm>>) dst(%arg8 : memref<1280xi32, #tpu.memory_space<vmem>>)
        tpu.yield
      }) : () -> ()
      "tpu.region"() ({
        %run_scoped3A = tpu.sem_alloc : memref<!tpu.dma_semaphore, #tpu.memory_space<semaphore_mem>>
        %dma_start3A_41 = tpu.memref_slice %arg4[%add3A_37] : memref<819200xi32, #tpu.memory_space<hbm>> -> memref<1280xi32, #tpu.memory_space<hbm>>
        %dma_start3A_42 = tpu.memref_slice %arg4[%add3A_37] : memref<819200xi32, #tpu.memory_space<hbm>> -> memref<1280xi32, #tpu.memory_space<hbm>>
        tpu.enqueue_dma source(%dma_start3A_42 : memref<1280xi32, #tpu.memory_space<hbm>>) target(%arg9 : memref<1280xi32, #tpu.memory_space<vmem>>) target_semaphore(%run_scoped3A : memref<!tpu.dma_semaphore, #tpu.memory_space<semaphore_mem>>)
        %dma_wait3A_43 = tpu.memref_slice %arg4[%add3A_37] : memref<819200xi32, #tpu.memory_space<hbm>> -> memref<1280xi32, #tpu.memory_space<hbm>>
        %dma_wait3A_44 = tpu.memref_slice %arg4[%add3A_37] : memref<819200xi32, #tpu.memory_space<hbm>> -> memref<1280xi32, #tpu.memory_space<hbm>>
        tpu.wait_dma2 semaphore(%run_scoped3A : memref<!tpu.dma_semaphore, #tpu.memory_space<semaphore_mem>>) src(%dma_wait3A_44 : memref<1280xi32, #tpu.memory_space<hbm>>) dst(%arg9 : memref<1280xi32, #tpu.memory_space<vmem>>)
        tpu.yield
      }) : () -> ()
      %dma_start3A = arith.constant 0 : i32
      %dma_start3A_38 = tpu.memref_slice %arg2[%dma_start3A] : memref<50000xf32, #tpu.memory_space<hbm>> -> memref<50000xf32, #tpu.memory_space<hbm>>
      tpu.enqueue_indirect_dma source(%dma_start3A_38 : memref<50000xf32, #tpu.memory_space<hbm>>) target(%arg10 : memref<1280xf32, #tpu.memory_space<vmem>>) offsets(%arg8 : memref<1280xi32, #tpu.memory_space<vmem>>) semaphore(%arg14 : memref<!tpu.dma_semaphore, #tpu.memory_space<semaphore_mem>>)
      %dma_wait3A = arith.constant 0 : i32
      %dma_wait3A_39 = tpu.memref_slice %arg2[%dma_wait3A] : memref<50000xf32, #tpu.memory_space<hbm>> -> memref<50000xf32, #tpu.memory_space<hbm>>
      tpu.wait_indirect_dma semaphore(%arg14 : memref<!tpu.dma_semaphore, #tpu.memory_space<semaphore_mem>>) src(%dma_wait3A_39 : memref<50000xf32, #tpu.memory_space<hbm>>) dst(%arg10 : memref<1280xf32, #tpu.memory_space<vmem>>)
      "tpu.region"() ({
        %run_scoped3A = tpu.sem_alloc : memref<!tpu.dma_semaphore, #tpu.memory_space<semaphore_mem>>
        %dma_start3A_41 = arith.constant 0 : i32
        %dma_start3A_42 = tpu.memref_slice %arg12[%dma_start3A_41] : memref<200704xf32, #tpu.memory_space<vmem_shared>> -> memref<200704xf32, #tpu.memory_space<vmem_shared>>
        tpu.enqueue_indirect_dma source(%arg10 : memref<1280xf32, #tpu.memory_space<vmem>>) target(%dma_start3A_42 : memref<200704xf32, #tpu.memory_space<vmem_shared>>) offsets(%arg9 : memref<1280xi32, #tpu.memory_space<vmem>>) semaphore(%run_scoped3A : memref<!tpu.dma_semaphore, #tpu.memory_space<semaphore_mem>>) {add = true}
        %dma_wait3A_43 = arith.constant 0 : i32
        %dma_wait3A_44 = tpu.memref_slice %arg12[%dma_wait3A_43] : memref<200704xf32, #tpu.memory_space<vmem_shared>> -> memref<200704xf32, #tpu.memory_space<vmem_shared>>
        tpu.wait_indirect_dma semaphore(%run_scoped3A : memref<!tpu.dma_semaphore, #tpu.memory_space<semaphore_mem>>) src(%arg10 : memref<1280xf32, #tpu.memory_space<vmem>>) dst(%dma_wait3A_44 : memref<200704xf32, #tpu.memory_space<vmem_shared>>)
        tpu.yield
      }) : () -> ()
      "tpu.region"() ({
        %run_scoped3A = tpu.sem_alloc : memref<!tpu.dma_semaphore, #tpu.memory_space<semaphore_mem>>
        %dma_start3A_41 = arith.constant 0 : i32
        %dma_start3A_42 = tpu.memref_slice %arg13[%dma_start3A_41] : memref<200704xf32, #tpu.memory_space<vmem_shared>> -> memref<200704xf32, #tpu.memory_space<vmem_shared>>
        tpu.enqueue_indirect_dma source(%arg11 : memref<1280xf32, #tpu.memory_space<vmem>>) target(%dma_start3A_42 : memref<200704xf32, #tpu.memory_space<vmem_shared>>) offsets(%arg9 : memref<1280xi32, #tpu.memory_space<vmem>>) semaphore(%run_scoped3A : memref<!tpu.dma_semaphore, #tpu.memory_space<semaphore_mem>>) {add = true}
        %dma_wait3A_43 = arith.constant 0 : i32
        %dma_wait3A_44 = tpu.memref_slice %arg13[%dma_wait3A_43] : memref<200704xf32, #tpu.memory_space<vmem_shared>> -> memref<200704xf32, #tpu.memory_space<vmem_shared>>
        tpu.wait_indirect_dma semaphore(%run_scoped3A : memref<!tpu.dma_semaphore, #tpu.memory_space<semaphore_mem>>) src(%arg11 : memref<1280xf32, #tpu.memory_space<vmem>>) dst(%dma_wait3A_44 : memref<200704xf32, #tpu.memory_space<vmem_shared>>)
        tpu.yield
      }) : () -> ()
      %scan3A_40 = arith.constant 0 : i32
      scf.yield %scan3A_40 : i32
    }
    %scan3A_21 = arith.constant 20 : i32
    %barrier3A_22 = arith.constant 0 : index
    tpu.barrier barrier_id(%barrier3A_22)
    %mul3A_23 = arith.constant 12544 : i32
    %mul3A_24 = arith.muli %arg1, %mul3A_23 : i32
    %mul3A_25 = arith.constant 12544 : i32
    %mul3A_26 = arith.muli %arg1, %mul3A_25 : i32
    "tpu.region"() ({
      %run_scoped3A = tpu.sem_alloc : memref<!tpu.dma_semaphore, #tpu.memory_space<semaphore_mem>>
      %dma_start3A = tpu.memref_slice %arg6[%arg0, %mul3A_26] : memref<2x200704xf32, #tpu.memory_space<hbm>> -> memref<1x12544xf32, #tpu.memory_space<hbm>>
      %dma_start3A_31 = tpu.memref_squeeze %dma_start3A : memref<1x12544xf32, #tpu.memory_space<hbm>> -> memref<12544xf32, #tpu.memory_space<hbm>>
      %dma_start3A_32 = tpu.memref_slice %arg12[%mul3A_24] : memref<200704xf32, #tpu.memory_space<vmem_shared>> -> memref<12544xf32, #tpu.memory_space<vmem_shared>>
      tpu.enqueue_dma source(%dma_start3A_32 : memref<12544xf32, #tpu.memory_space<vmem_shared>>) target(%dma_start3A_31 : memref<12544xf32, #tpu.memory_space<hbm>>) target_semaphore(%run_scoped3A : memref<!tpu.dma_semaphore, #tpu.memory_space<semaphore_mem>>)
      %dma_wait3A = tpu.memref_slice %arg6[%arg0, %mul3A_26] : memref<2x200704xf32, #tpu.memory_space<hbm>> -> memref<1x12544xf32, #tpu.memory_space<hbm>>
      %dma_wait3A_33 = tpu.memref_squeeze %dma_wait3A : memref<1x12544xf32, #tpu.memory_space<hbm>> -> memref<12544xf32, #tpu.memory_space<hbm>>
      %dma_wait3A_34 = tpu.memref_slice %arg12[%mul3A_24] : memref<200704xf32, #tpu.memory_space<vmem_shared>> -> memref<12544xf32, #tpu.memory_space<vmem_shared>>
      tpu.wait_dma2 semaphore(%run_scoped3A : memref<!tpu.dma_semaphore, #tpu.memory_space<semaphore_mem>>) src(%dma_wait3A_34 : memref<12544xf32, #tpu.memory_space<vmem_shared>>) dst(%dma_wait3A_33 : memref<12544xf32, #tpu.memory_space<hbm>>)
      tpu.yield
    }) : () -> ()
    %mul3A_27 = arith.constant 12544 : i32
    %mul3A_28 = arith.muli %arg1, %mul3A_27 : i32
    %mul3A_29 = arith.constant 12544 : i32
    %mul3A_30 = arith.muli %arg1, %mul3A_29 : i32
    "tpu.region"() ({
      %run_scoped3A = tpu.sem_alloc : memref<!tpu.dma_semaphore, #tpu.memory_space<semaphore_mem>>
      %dma_start3A = tpu.memref_slice %arg7[%arg0, %mul3A_30] : memref<2x200704xf32, #tpu.memory_space<hbm>> -> memref<1x12544xf32, #tpu.memory_space<hbm>>
      %dma_start3A_31 = tpu.memref_squeeze %dma_start3A : memref<1x12544xf32, #tpu.memory_space<hbm>> -> memref<12544xf32, #tpu.memory_space<hbm>>
      %dma_start3A_32 = tpu.memref_slice %arg13[%mul3A_28] : memref<200704xf32, #tpu.memory_space<vmem_shared>> -> memref<12544xf32, #tpu.memory_space<vmem_shared>>
      tpu.enqueue_dma source(%dma_start3A_32 : memref<12544xf32, #tpu.memory_space<vmem_shared>>) target(%dma_start3A_31 : memref<12544xf32, #tpu.memory_space<hbm>>) target_semaphore(%run_scoped3A : memref<!tpu.dma_semaphore, #tpu.memory_space<semaphore_mem>>)
      %dma_wait3A = tpu.memref_slice %arg7[%arg0, %mul3A_30] : memref<2x200704xf32, #tpu.memory_space<hbm>> -> memref<1x12544xf32, #tpu.memory_space<hbm>>
      %dma_wait3A_33 = tpu.memref_squeeze %dma_wait3A : memref<1x12544xf32, #tpu.memory_space<hbm>> -> memref<12544xf32, #tpu.memory_space<hbm>>
      %dma_wait3A_34 = tpu.memref_slice %arg13[%mul3A_28] : memref<200704xf32, #tpu.memory_space<vmem_shared>> -> memref<12544xf32, #tpu.memory_space<vmem_shared>>
      tpu.wait_dma2 semaphore(%run_scoped3A : memref<!tpu.dma_semaphore, #tpu.memory_space<semaphore_mem>>) src(%dma_wait3A_34 : memref<12544xf32, #tpu.memory_space<vmem_shared>>) dst(%dma_wait3A_33 : memref<12544xf32, #tpu.memory_space<hbm>>)
      tpu.yield
    }) : () -> ()
    return
  }
}

#map = affine_map<(d0, d1) -> (0, 0)>
module attributes {stable_mosaic.version = 14 : i64} {
  func.func @k(%arg0: i32, %arg1: i32, %arg2: memref<50176x128xf32, #tpu.memory_space<hbm>>, %arg3: memref<2x819200xi32, #tpu.memory_space<hbm>>, %arg4: memref<218880x128xf32, #tpu.memory_space<hbm>>, %arg5: memref<1424xi32, #tpu.memory_space<vmem>>, %arg6: memref<1424xi32, #tpu.memory_space<vmem>>, %arg7: memref<2x1280xi32, #tpu.memory_space<vmem>>, %arg8: memref<2x1280xi32, #tpu.memory_space<vmem>>, %arg9: memref<64xi32, #tpu.memory_space<vmem>>, %arg10: memref<64xi32, #tpu.memory_space<vmem>>, %arg11: memref<64xi32, #tpu.memory_space<vmem>>, %arg12: memref<64xi32, #tpu.memory_space<vmem>>, %arg13: memref<64x128xf32, #tpu.memory_space<vmem>>, %arg14: memref<64x128xf32, #tpu.memory_space<vmem>>, %arg15: memref<48x128xf32, #tpu.memory_space<vmem>>, %arg16: memref<12288x128xf32, #tpu.memory_space<vmem_shared>>, %arg17: memref<!tpu.dma_semaphore, #tpu.memory_space<semaphore_mem>>, %arg18: memref<!tpu.dma_semaphore, #tpu.memory_space<semaphore_mem>>, %arg19: memref<!tpu.dma_semaphore, #tpu.memory_space<semaphore_mem>>, %arg20: memref<!tpu.dma_semaphore, #tpu.memory_space<semaphore_mem>>) attributes {dimension_semantics = [#tpu.dimension_semantics<core_parallel>, #tpu.dimension_semantics<subcore_parallel>], iteration_bounds = array<i64: 2, 16>, scalar_prefetch = 0 : i64, scratch_operands = 16 : i64, tpu.core_type = #tpu.core_type<sc_vector_subcore>, window_params = [{transform_indices = #map}, {transform_indices = #map}, {transform_indices = #map}]} {
    %scan3A = arith.constant 0 : i32
    %scan3A_0 = arith.constant 0 : i32
    %scan3A_1 = arith.constant 48 : i32
    %scan3A_2 = arith.addi %scan3A_0, %scan3A_1 : i32
    %scan3A_3 = arith.constant 1 : i32
    %scan3A_4 = scf.for %scan3A_13 = %scan3A_0 to %scan3A_2 step %scan3A_3 iter_args(%scan3A_14 = %scan3A) -> (i32)  : i32 {
      %broadcast_in_dim3A = arith.constant 0.000000e+00 : f32
      %broadcast_in_dim3A_15 = vector.broadcast %broadcast_in_dim3A : f32 to vector<16xf32>
      %swap3A = arith.index_cast %scan3A_13 : i32 to index
      %swap3A_16 = arith.constant 0 : index
      %swap3A_17 = tpu.vector_load %arg15[%swap3A, %swap3A_16] {strides = array<i32>} : memref<48x128xf32, #tpu.memory_space<vmem>>, vector<16xf32>,
      tpu.vector_store %arg15[%swap3A, %swap3A_16], %broadcast_in_dim3A_15 {strides = array<i32>} : memref<48x128xf32, #tpu.memory_space<vmem>>, vector<16xf32>,
      %broadcast_in_dim3A_18 = arith.constant 0.000000e+00 : f32
      %broadcast_in_dim3A_19 = vector.broadcast %broadcast_in_dim3A_18 : f32 to vector<16xf32>
      %swap3A_20 = arith.index_cast %scan3A_13 : i32 to index
      %swap3A_21 = arith.constant 16 : index
      %swap3A_22 = tpu.vector_load %arg15[%swap3A_20, %swap3A_21] {strides = array<i32>} : memref<48x128xf32, #tpu.memory_space<vmem>>, vector<16xf32>,
      tpu.vector_store %arg15[%swap3A_20, %swap3A_21], %broadcast_in_dim3A_19 {strides = array<i32>} : memref<48x128xf32, #tpu.memory_space<vmem>>, vector<16xf32>,
      %broadcast_in_dim3A_23 = arith.constant 0.000000e+00 : f32
      %broadcast_in_dim3A_24 = vector.broadcast %broadcast_in_dim3A_23 : f32 to vector<16xf32>
      %swap3A_25 = arith.index_cast %scan3A_13 : i32 to index
      %swap3A_26 = arith.constant 32 : index
      %swap3A_27 = tpu.vector_load %arg15[%swap3A_25, %swap3A_26] {strides = array<i32>} : memref<48x128xf32, #tpu.memory_space<vmem>>, vector<16xf32>,
      tpu.vector_store %arg15[%swap3A_25, %swap3A_26], %broadcast_in_dim3A_24 {strides = array<i32>} : memref<48x128xf32, #tpu.memory_space<vmem>>, vector<16xf32>,
      %broadcast_in_dim3A_28 = arith.constant 0.000000e+00 : f32
      %broadcast_in_dim3A_29 = vector.broadcast %broadcast_in_dim3A_28 : f32 to vector<16xf32>
      %swap3A_30 = arith.index_cast %scan3A_13 : i32 to index
      %swap3A_31 = arith.constant 48 : index
      %swap3A_32 = tpu.vector_load %arg15[%swap3A_30, %swap3A_31] {strides = array<i32>} : memref<48x128xf32, #tpu.memory_space<vmem>>, vector<16xf32>,
      tpu.vector_store %arg15[%swap3A_30, %swap3A_31], %broadcast_in_dim3A_29 {strides = array<i32>} : memref<48x128xf32, #tpu.memory_space<vmem>>, vector<16xf32>,
      %broadcast_in_dim3A_33 = arith.constant 0.000000e+00 : f32
      %broadcast_in_dim3A_34 = vector.broadcast %broadcast_in_dim3A_33 : f32 to vector<16xf32>
      %swap3A_35 = arith.index_cast %scan3A_13 : i32 to index
      %swap3A_36 = arith.constant 64 : index
      %swap3A_37 = tpu.vector_load %arg15[%swap3A_35, %swap3A_36] {strides = array<i32>} : memref<48x128xf32, #tpu.memory_space<vmem>>, vector<16xf32>,
      tpu.vector_store %arg15[%swap3A_35, %swap3A_36], %broadcast_in_dim3A_34 {strides = array<i32>} : memref<48x128xf32, #tpu.memory_space<vmem>>, vector<16xf32>,
      %broadcast_in_dim3A_38 = arith.constant 0.000000e+00 : f32
      %broadcast_in_dim3A_39 = vector.broadcast %broadcast_in_dim3A_38 : f32 to vector<16xf32>
      %swap3A_40 = arith.index_cast %scan3A_13 : i32 to index
      %swap3A_41 = arith.constant 80 : index
      %swap3A_42 = tpu.vector_load %arg15[%swap3A_40, %swap3A_41] {strides = array<i32>} : memref<48x128xf32, #tpu.memory_space<vmem>>, vector<16xf32>,
      tpu.vector_store %arg15[%swap3A_40, %swap3A_41], %broadcast_in_dim3A_39 {strides = array<i32>} : memref<48x128xf32, #tpu.memory_space<vmem>>, vector<16xf32>,
      %broadcast_in_dim3A_43 = arith.constant 0.000000e+00 : f32
      %broadcast_in_dim3A_44 = vector.broadcast %broadcast_in_dim3A_43 : f32 to vector<16xf32>
      %swap3A_45 = arith.index_cast %scan3A_13 : i32 to index
      %swap3A_46 = arith.constant 96 : index
      %swap3A_47 = tpu.vector_load %arg15[%swap3A_45, %swap3A_46] {strides = array<i32>} : memref<48x128xf32, #tpu.memory_space<vmem>>, vector<16xf32>,
      tpu.vector_store %arg15[%swap3A_45, %swap3A_46], %broadcast_in_dim3A_44 {strides = array<i32>} : memref<48x128xf32, #tpu.memory_space<vmem>>, vector<16xf32>,
      %broadcast_in_dim3A_48 = arith.constant 0.000000e+00 : f32
      %broadcast_in_dim3A_49 = vector.broadcast %broadcast_in_dim3A_48 : f32 to vector<16xf32>
      %swap3A_50 = arith.index_cast %scan3A_13 : i32 to index
      %swap3A_51 = arith.constant 112 : index
      %swap3A_52 = tpu.vector_load %arg15[%swap3A_50, %swap3A_51] {strides = array<i32>} : memref<48x128xf32, #tpu.memory_space<vmem>>, vector<16xf32>,
      tpu.vector_store %arg15[%swap3A_50, %swap3A_51], %broadcast_in_dim3A_49 {strides = array<i32>} : memref<48x128xf32, #tpu.memory_space<vmem>>, vector<16xf32>,
      %scan3A_53 = arith.constant 0 : i32
      scf.yield %scan3A_53 : i32
    }
    %scan3A_5 = arith.constant 48 : i32
    %iota3A = tpu.iota {dimensions = array<i32: 0>} : vector<16xi32>
    %scan3A_6 = arith.constant 0 : i32
    %scan3A_7 = arith.constant 0 : i32
    %scan3A_8 = arith.constant 9 : i32
    %scan3A_9 = arith.addi %scan3A_7, %scan3A_8 : i32
    %scan3A_10 = arith.constant 1 : i32
    %scan3A_11 = scf.for %scan3A_13 = %scan3A_7 to %scan3A_9 step %scan3A_10 iter_args(%scan3A_14 = %scan3A_6) -> (i32)  : i32 {
      %mul3A = arith.constant 2 : i32
      %mul3A_15 = arith.muli %scan3A_13, %mul3A : i32
      %add3A = arith.addi %mul3A_15, %arg0 : i32
      %mul3A_16 = arith.constant 12160 : i32
      %mul3A_17 = arith.muli %add3A, %mul3A_16 : i32
      %scan3A_18 = arith.constant 0 : i32
      %scan3A_19 = arith.constant 0 : i32
      %scan3A_20 = arith.constant 16 : i32
      %scan3A_21 = arith.addi %scan3A_19, %scan3A_20 : i32
      %scan3A_22 = arith.constant 1 : i32
      %scan3A_23 = scf.for %scan3A_155 = %scan3A_19 to %scan3A_21 step %scan3A_22 iter_args(%scan3A_156 = %scan3A_18) -> (i32)  : i32 {
        %mul3A_157 = arith.constant 768 : i32
        %mul3A_158 = arith.muli %arg1, %mul3A_157 : i32
        %mul3A_159 = arith.constant 48 : i32
        %mul3A_160 = arith.muli %scan3A_155, %mul3A_159 : i32
        %add3A_161 = arith.addi %mul3A_158, %mul3A_160 : i32
        "tpu.region"() ({
          %run_scoped3A = tpu.sem_alloc : memref<!tpu.dma_semaphore, #tpu.memory_space<semaphore_mem>>
          %dma_start3A_163 = arith.constant 0 : i32
          %dma_start3A_164 = tpu.memref_slice %arg16[%add3A_161, %dma_start3A_163] : memref<12288x128xf32, #tpu.memory_space<vmem_shared>> -> memref<48x128xf32, #tpu.memory_space<vmem_shared>>
          %dma_start3A_165 = arith.constant 0 : i32
          %dma_start3A_166 = tpu.memref_slice %arg16[%add3A_161, %dma_start3A_165] : memref<12288x128xf32, #tpu.memory_space<vmem_shared>> -> memref<48x128xf32, #tpu.memory_space<vmem_shared>>
          tpu.enqueue_dma source(%arg15 : memref<48x128xf32, #tpu.memory_space<vmem>>) target(%dma_start3A_166 : memref<48x128xf32, #tpu.memory_space<vmem_shared>>) target_semaphore(%run_scoped3A : memref<!tpu.dma_semaphore, #tpu.memory_space<semaphore_mem>>)
          %dma_wait3A_167 = arith.constant 0 : i32
          %dma_wait3A_168 = tpu.memref_slice %arg16[%add3A_161, %dma_wait3A_167] : memref<12288x128xf32, #tpu.memory_space<vmem_shared>> -> memref<48x128xf32, #tpu.memory_space<vmem_shared>>
          %dma_wait3A_169 = arith.constant 0 : i32
          %dma_wait3A_170 = tpu.memref_slice %arg16[%add3A_161, %dma_wait3A_169] : memref<12288x128xf32, #tpu.memory_space<vmem_shared>> -> memref<48x128xf32, #tpu.memory_space<vmem_shared>>
          tpu.wait_dma2 semaphore(%run_scoped3A : memref<!tpu.dma_semaphore, #tpu.memory_space<semaphore_mem>>) src(%arg15 : memref<48x128xf32, #tpu.memory_space<vmem>>) dst(%dma_wait3A_170 : memref<48x128xf32, #tpu.memory_space<vmem_shared>>)
          tpu.yield
        }) : () -> ()
        %scan3A_162 = arith.constant 0 : i32
        scf.yield %scan3A_162 : i32
      }
      %scan3A_24 = arith.constant 16 : i32
      %barrier3A = arith.constant 0 : index
      tpu.barrier barrier_id(%barrier3A)
      %min3A = arith.constant 0 : i32
      %min3A_25 = arith.constant 39 : i32
      %min3A_26 = arith.minsi %min3A, %min3A_25 : i32
      %mul3A_27 = arith.constant 51200 : i32
      %mul3A_28 = arith.muli %arg1, %mul3A_27 : i32
      %mul3A_29 = arith.constant 1280 : i32
      %mul3A_30 = arith.muli %min3A_26, %mul3A_29 : i32
      %add3A_31 = arith.addi %mul3A_28, %mul3A_30 : i32
      %dma_start3A = arith.constant 0 : i32
      %dma_start3A_32 = tpu.memref_slice %arg3[%dma_start3A, %add3A_31] : memref<2x819200xi32, #tpu.memory_space<hbm>> -> memref<2x1280xi32, #tpu.memory_space<hbm>>
      %dma_start3A_33 = arith.constant 0 : i32
      %dma_start3A_34 = tpu.memref_slice %arg3[%dma_start3A_33, %add3A_31] : memref<2x819200xi32, #tpu.memory_space<hbm>> -> memref<2x1280xi32, #tpu.memory_space<hbm>>
      tpu.enqueue_dma source(%dma_start3A_34 : memref<2x1280xi32, #tpu.memory_space<hbm>>) target(%arg7 : memref<2x1280xi32, #tpu.memory_space<vmem>>) target_semaphore(%arg19 : memref<!tpu.dma_semaphore, #tpu.memory_space<semaphore_mem>>)
      %scan3A_35 = arith.constant 0 : i32
      %scan3A_36 = arith.constant 0 : i32
      %scan3A_37 = arith.constant 20 : i32
      %scan3A_38 = arith.addi %scan3A_36, %scan3A_37 : i32
      %scan3A_39 = arith.constant 1 : i32
      %scan3A_40 = scf.for %scan3A_155 = %scan3A_36 to %scan3A_38 step %scan3A_39 iter_args(%scan3A_156 = %scan3A_35) -> (i32)  : i32 {
        %mul3A_157 = arith.constant 2 : i32
        %mul3A_158 = arith.muli %mul3A_157, %scan3A_155 : i32
        %min3A_159 = arith.constant 39 : i32
        %min3A_160 = arith.minsi %mul3A_158, %min3A_159 : i32
        %mul3A_161 = arith.constant 51200 : i32
        %mul3A_162 = arith.muli %arg1, %mul3A_161 : i32
        %mul3A_163 = arith.constant 1280 : i32
        %mul3A_164 = arith.muli %min3A_160, %mul3A_163 : i32
        %add3A_165 = arith.addi %mul3A_162, %mul3A_164 : i32
        %dma_wait3A_166 = arith.constant 0 : i32
        %dma_wait3A_167 = tpu.memref_slice %arg3[%dma_wait3A_166, %add3A_165] : memref<2x819200xi32, #tpu.memory_space<hbm>> -> memref<2x1280xi32, #tpu.memory_space<hbm>>
        %dma_wait3A_168 = arith.constant 0 : i32
        %dma_wait3A_169 = tpu.memref_slice %arg3[%dma_wait3A_168, %add3A_165] : memref<2x819200xi32, #tpu.memory_space<hbm>> -> memref<2x1280xi32, #tpu.memory_space<hbm>>
        tpu.wait_dma2 semaphore(%arg19 : memref<!tpu.dma_semaphore, #tpu.memory_space<semaphore_mem>>) src(%dma_wait3A_169 : memref<2x1280xi32, #tpu.memory_space<hbm>>) dst(%arg7 : memref<2x1280xi32, #tpu.memory_space<vmem>>)
        %mul3A_170 = arith.constant 2 : i32
        %mul3A_171 = arith.muli %mul3A_170, %scan3A_155 : i32
        %add3A_172 = arith.constant 1 : i32
        %add3A_173 = arith.addi %mul3A_171, %add3A_172 : i32
        %min3A_174 = arith.constant 39 : i32
        %min3A_175 = arith.minsi %add3A_173, %min3A_174 : i32
        %mul3A_176 = arith.constant 51200 : i32
        %mul3A_177 = arith.muli %arg1, %mul3A_176 : i32
        %mul3A_178 = arith.constant 1280 : i32
        %mul3A_179 = arith.muli %min3A_175, %mul3A_178 : i32
        %add3A_180 = arith.addi %mul3A_177, %mul3A_179 : i32
        %dma_start3A_181 = arith.constant 0 : i32
        %dma_start3A_182 = tpu.memref_slice %arg3[%dma_start3A_181, %add3A_180] : memref<2x819200xi32, #tpu.memory_space<hbm>> -> memref<2x1280xi32, #tpu.memory_space<hbm>>
        %dma_start3A_183 = arith.constant 0 : i32
        %dma_start3A_184 = tpu.memref_slice %arg3[%dma_start3A_183, %add3A_180] : memref<2x819200xi32, #tpu.memory_space<hbm>> -> memref<2x1280xi32, #tpu.memory_space<hbm>>
        tpu.enqueue_dma source(%dma_start3A_184 : memref<2x1280xi32, #tpu.memory_space<hbm>>) target(%arg8 : memref<2x1280xi32, #tpu.memory_space<vmem>>) target_semaphore(%arg20 : memref<!tpu.dma_semaphore, #tpu.memory_space<semaphore_mem>>)
        %scan3A_185 = arith.constant 0 : i32
        %scan3A_186 = arith.constant 80 : i32
        %scan3A_187 = arith.addi %scan3A_185, %scan3A_186 : i32
        %scan3A_188 = arith.constant 1 : i32
        %scan3A_189 = scf.for %scan3A_385 = %scan3A_185 to %scan3A_187 step %scan3A_188 iter_args(%scan3A_386 = %scan3A_156) -> (i32)  : i32 {
          %mul3A_387 = arith.constant 16 : i32
          %mul3A_388 = arith.muli %scan3A_385, %mul3A_387 : i32
          %get3A = arith.constant 0 : i32
          %get3A_389 = arith.index_cast %get3A : i32 to index
          %get3A_390 = arith.index_cast %mul3A_388 : i32 to index
          %get3A_391 = tpu.vector_load %arg7[%get3A_389, %get3A_390] {strides = array<i32>} : memref<2x1280xi32, #tpu.memory_space<vmem>>, vector<16xi32>,
          %mul3A_392 = arith.constant 16 : i32
          %mul3A_393 = arith.muli %scan3A_385, %mul3A_392 : i32
          %get3A_394 = arith.constant 1 : i32
          %get3A_395 = arith.index_cast %get3A_394 : i32 to index
          %get3A_396 = arith.index_cast %mul3A_393 : i32 to index
          %get3A_397 = tpu.vector_load %arg7[%get3A_395, %get3A_396] {strides = array<i32>} : memref<2x1280xi32, #tpu.memory_space<vmem>>, vector<16xi32>,
          %sub3A_398 = vector.broadcast %mul3A_17 : i32 to vector<16xi32>
          %sub3A_399 = arith.subi %get3A_391, %sub3A_398 : vector<16xi32>
          %ge3A = arith.constant 0 : i32
          %ge3A_400 = vector.broadcast %ge3A : i32 to vector<16xi32>
          %ge3A_401 = arith.cmpi sge, %sub3A_399, %ge3A_400 : vector<16xi32>
          %lt3A = arith.constant 12160 : i32
          %lt3A_402 = vector.broadcast %lt3A : i32 to vector<16xi32>
          %lt3A_403 = arith.cmpi slt, %sub3A_399, %lt3A_402 : vector<16xi32>
          %and3A_404 = arith.andi %ge3A_401, %lt3A_403 : vector<16xi1>
          %jit3A_405 = arith.constant 1.000000e+00 : f32
          %jit3A_406 = arith.constant 0.000000e+00 : f32
          %broadcast_in_dim3A_407 = vector.broadcast %jit3A_405 : f32 to vector<16xf32>
          %broadcast_in_dim3A_408 = vector.broadcast %jit3A_406 : f32 to vector<16xf32>
          %select_n3A_409 = arith.select %and3A_404, %broadcast_in_dim3A_407, %broadcast_in_dim3A_408 : vector<16xi1>, vector<16xf32>
          %broadcast_in_dim3A_410 = arith.constant true
          %broadcast_in_dim3A_411 = vector.broadcast %broadcast_in_dim3A_410 : i1 to vector<16xi1>
          %masked_cumsum3A = tpu.scan <sum>, %select_n3A_409 masked %broadcast_in_dim3A_411 : vector<16xf32>, vector<16xi1> -> vector<16xf32>
          %convert_element_type3A = arith.fptosi %masked_cumsum3A : vector<16xf32> to vector<16xi32>
          %add3A_412 = vector.broadcast %scan3A_386 : i32 to vector<16xi32>
          %add3A_413 = arith.addi %add3A_412, %convert_element_type3A : vector<16xi32>
          %sub3A_414 = arith.constant 1 : i32
          %sub3A_415 = vector.broadcast %sub3A_414 : i32 to vector<16xi32>
          %sub3A_416 = arith.subi %add3A_413, %sub3A_415 : vector<16xi32>
          tpu.vector_store_idx %arg6[%sub3A_416], %sub3A_399 masked %and3A_404 : memref<1424xi32, #tpu.memory_space<vmem>>[vector<16xi32>], vector<16xi32>, vector<16xi1>
          tpu.vector_store_idx %arg5[%sub3A_416], %get3A_397 masked %and3A_404 : memref<1424xi32, #tpu.memory_space<vmem>>[vector<16xi32>], vector<16xi32>, vector<16xi1>
          %slice3A = vector.extract_strided_slice %masked_cumsum3A {offsets = [15], sizes = [1], strides = [1]} : vector<16xf32> to vector<1xf32>
          %squeeze3A = vector.extract %slice3A[0] : f32 from vector<1xf32>
          %convert_element_type3A_417 = arith.fptosi %squeeze3A : f32 to i32
          %add3A_418 = arith.addi %scan3A_386, %convert_element_type3A_417 : i32
          scf.yield %add3A_418 : i32
        }
        %scan3A_190 = arith.constant 80 : i32
        %jit3A_191 = arith.constant 128 : i32
        %div3A_192 = arith.divsi %scan3A_189, %jit3A_191 : i32
        %sign3A_193 = arith.constant 0 : i32
        %sign3A_194 = arith.cmpi sgt, %scan3A_189, %sign3A_193 : i32
        %sign3A_195 = arith.extui %sign3A_194 : i1 to i32
        %sign3A_196 = arith.constant 0 : i32
        %sign3A_197 = arith.cmpi slt, %scan3A_189, %sign3A_196 : i32
        %sign3A_198 = arith.extui %sign3A_197 : i1 to i32
        %sign3A_199 = arith.subi %sign3A_195, %sign3A_198 : i32
        %sign3A_200 = arith.constant 0 : i32
        %sign3A_201 = arith.cmpi sgt, %jit3A_191, %sign3A_200 : i32
        %sign3A_202 = arith.extui %sign3A_201 : i1 to i32
        %sign3A_203 = arith.constant 0 : i32
        %sign3A_204 = arith.cmpi slt, %jit3A_191, %sign3A_203 : i32
        %sign3A_205 = arith.extui %sign3A_204 : i1 to i32
        %sign3A_206 = arith.subi %sign3A_202, %sign3A_205 : i32
        %ne3A_207 = arith.cmpi ne, %sign3A_199, %sign3A_206 : i32
        %rem3A_208 = arith.remsi %scan3A_189, %jit3A_191 : i32
        %ne3A_209 = arith.constant 0 : i32
        %ne3A_210 = arith.cmpi ne, %rem3A_208, %ne3A_209 : i32
        %and3A_211 = arith.andi %ne3A_207, %ne3A_210 : i1
        %sub3A_212 = arith.constant 1 : i32
        %sub3A_213 = arith.subi %div3A_192, %sub3A_212 : i32
        %select_n3A_214 = arith.select %and3A_211, %sub3A_213, %div3A_192 : i32
        %while3A_215 = arith.constant 0 : i32
        %while3A_216 = arith.constant 0 : i32
        %while3A_217 = arith.subi %select_n3A_214, %while3A_215 : i32
        %while3A_218 = arith.addi %while3A_215, %while3A_217 : i32
        %while3A_219 = arith.constant 1 : i32
        %while3A_220 = arith.divsi %while3A_217, %while3A_219 : i32
        %while3A_221 = arith.muli %while3A_220, %while3A_219 : i32
        %while3A_222 = arith.addi %while3A_215, %while3A_221 : i32
        %while3A_223 = arith.constant 1 : i32
        %while3A_224 = scf.for %while3A_385 = %while3A_215 to %while3A_222 step %while3A_223 iter_args(%while3A_386 = %while3A_216) -> (i32)  : i32 {
          %scan3A_387 = arith.constant 0 : i32
          %scan3A_388 = arith.constant 0 : i32
          %scan3A_389 = arith.constant 4 : i32
          %scan3A_390 = arith.addi %scan3A_388, %scan3A_389 : i32
          %scan3A_391 = arith.constant 1 : i32
          %scan3A_392 = scf.for %scan3A_407 = %scan3A_388 to %scan3A_390 step %scan3A_391 iter_args(%scan3A_408 = %scan3A_387) -> (i32)  : i32 {
            %mul3A_409 = arith.constant 128 : i32
            %mul3A_410 = arith.muli %while3A_385, %mul3A_409 : i32
            %mul3A_411 = arith.constant 16 : i32
            %mul3A_412 = arith.muli %scan3A_407, %mul3A_411 : i32
            %add3A_413 = arith.addi %mul3A_410, %mul3A_412 : i32
            %get3A = arith.index_cast %add3A_413 : i32 to index
            %get3A_414 = tpu.vector_load %arg5[%get3A] {strides = array<i32>} : memref<1424xi32, #tpu.memory_space<vmem>>, vector<16xi32>,
            %mul3A_415 = arith.constant 16 : i32
            %mul3A_416 = arith.muli %scan3A_407, %mul3A_415 : i32
            %swap3A = arith.index_cast %mul3A_416 : i32 to index
            %swap3A_417 = tpu.vector_load %arg9[%swap3A] {strides = array<i32>} : memref<64xi32, #tpu.memory_space<vmem>>, vector<16xi32>,
            tpu.vector_store %arg9[%swap3A], %get3A_414 {strides = array<i32>} : memref<64xi32, #tpu.memory_space<vmem>>, vector<16xi32>,
            %mul3A_418 = arith.constant 128 : i32
            %mul3A_419 = arith.muli %while3A_385, %mul3A_418 : i32
            %mul3A_420 = arith.constant 16 : i32
            %mul3A_421 = arith.muli %scan3A_407, %mul3A_420 : i32
            %add3A_422 = arith.addi %mul3A_419, %mul3A_421 : i32
            %get3A_423 = arith.index_cast %add3A_422 : i32 to index
            %get3A_424 = tpu.vector_load %arg6[%get3A_423] {strides = array<i32>} : memref<1424xi32, #tpu.memory_space<vmem>>, vector<16xi32>,
            %mul3A_425 = arith.constant 16 : i32
            %mul3A_426 = arith.muli %scan3A_407, %mul3A_425 : i32
            %swap3A_427 = arith.index_cast %mul3A_426 : i32 to index
            %swap3A_428 = tpu.vector_load %arg10[%swap3A_427] {strides = array<i32>} : memref<64xi32, #tpu.memory_space<vmem>>, vector<16xi32>,
            tpu.vector_store %arg10[%swap3A_427], %get3A_424 {strides = array<i32>} : memref<64xi32, #tpu.memory_space<vmem>>, vector<16xi32>,
            %mul3A_429 = arith.constant 128 : i32
            %mul3A_430 = arith.muli %while3A_385, %mul3A_429 : i32
            %add3A_431 = arith.constant 64 : i32
            %add3A_432 = arith.addi %mul3A_430, %add3A_431 : i32
            %mul3A_433 = arith.constant 16 : i32
            %mul3A_434 = arith.muli %scan3A_407, %mul3A_433 : i32
            %add3A_435 = arith.addi %add3A_432, %mul3A_434 : i32
            %get3A_436 = arith.index_cast %add3A_435 : i32 to index
            %get3A_437 = tpu.vector_load %arg5[%get3A_436] {strides = array<i32>} : memref<1424xi32, #tpu.memory_space<vmem>>, vector<16xi32>,
            %mul3A_438 = arith.constant 16 : i32
            %mul3A_439 = arith.muli %scan3A_407, %mul3A_438 : i32
            %swap3A_440 = arith.index_cast %mul3A_439 : i32 to index
            %swap3A_441 = tpu.vector_load %arg11[%swap3A_440] {strides = array<i32>} : memref<64xi32, #tpu.memory_space<vmem>>, vector<16xi32>,
            tpu.vector_store %arg11[%swap3A_440], %get3A_437 {strides = array<i32>} : memref<64xi32, #tpu.memory_space<vmem>>, vector<16xi32>,
            %mul3A_442 = arith.constant 128 : i32
            %mul3A_443 = arith.muli %while3A_385, %mul3A_442 : i32
            %add3A_444 = arith.constant 64 : i32
            %add3A_445 = arith.addi %mul3A_443, %add3A_444 : i32
            %mul3A_446 = arith.constant 16 : i32
            %mul3A_447 = arith.muli %scan3A_407, %mul3A_446 : i32
            %add3A_448 = arith.addi %add3A_445, %mul3A_447 : i32
            %get3A_449 = arith.index_cast %add3A_448 : i32 to index
            %get3A_450 = tpu.vector_load %arg6[%get3A_449] {strides = array<i32>} : memref<1424xi32, #tpu.memory_space<vmem>>, vector<16xi32>,
            %mul3A_451 = arith.constant 16 : i32
            %mul3A_452 = arith.muli %scan3A_407, %mul3A_451 : i32
            %swap3A_453 = arith.index_cast %mul3A_452 : i32 to index
            %swap3A_454 = tpu.vector_load %arg12[%swap3A_453] {strides = array<i32>} : memref<64xi32, #tpu.memory_space<vmem>>, vector<16xi32>,
            tpu.vector_store %arg12[%swap3A_453], %get3A_450 {strides = array<i32>} : memref<64xi32, #tpu.memory_space<vmem>>, vector<16xi32>,
            %scan3A_455 = arith.constant 0 : i32
            scf.yield %scan3A_455 : i32
          }
          %scan3A_393 = arith.constant 4 : i32
          %dma_start3A_394 = arith.constant 0 : i32
          %dma_start3A_395 = arith.constant 0 : i32
          %dma_start3A_396 = tpu.memref_slice %arg2[%dma_start3A_394, %dma_start3A_395] : memref<50176x128xf32, #tpu.memory_space<hbm>> -> memref<50176x128xf32, #tpu.memory_space<hbm>>
          tpu.enqueue_indirect_dma source(%dma_start3A_396 : memref<50176x128xf32, #tpu.memory_space<hbm>>) target(%arg13 : memref<64x128xf32, #tpu.memory_space<vmem>>) offsets(%arg9 : memref<64xi32, #tpu.memory_space<vmem>>) semaphore(%arg17 : memref<!tpu.dma_semaphore, #tpu.memory_space<semaphore_mem>>)
          %dma_start3A_397 = arith.constant 0 : i32
          %dma_start3A_398 = arith.constant 0 : i32
          %dma_start3A_399 = tpu.memref_slice %arg2[%dma_start3A_397, %dma_start3A_398] : memref<50176x128xf32, #tpu.memory_space<hbm>> -> memref<50176x128xf32, #tpu.memory_space<hbm>>
          tpu.enqueue_indirect_dma source(%dma_start3A_399 : memref<50176x128xf32, #tpu.memory_space<hbm>>) target(%arg14 : memref<64x128xf32, #tpu.memory_space<vmem>>) offsets(%arg11 : memref<64xi32, #tpu.memory_space<vmem>>) semaphore(%arg18 : memref<!tpu.dma_semaphore, #tpu.memory_space<semaphore_mem>>)
          %dma_wait3A_400 = arith.constant 0 : i32
          %dma_wait3A_401 = arith.constant 0 : i32
          %dma_wait3A_402 = tpu.memref_slice %arg2[%dma_wait3A_400, %dma_wait3A_401] : memref<50176x128xf32, #tpu.memory_space<hbm>> -> memref<50176x128xf32, #tpu.memory_space<hbm>>
          tpu.wait_indirect_dma semaphore(%arg17 : memref<!tpu.dma_semaphore, #tpu.memory_space<semaphore_mem>>) src(%dma_wait3A_402 : memref<50176x128xf32, #tpu.memory_space<hbm>>) dst(%arg13 : memref<64x128xf32, #tpu.memory_space<vmem>>)
          "tpu.region"() ({
            %run_scoped3A = tpu.sem_alloc : memref<!tpu.dma_semaphore, #tpu.memory_space<semaphore_mem>>
            %dma_start3A_407 = arith.constant 0 : i32
            %dma_start3A_408 = arith.constant 0 : i32
            %dma_start3A_409 = tpu.memref_slice %arg16[%dma_start3A_407, %dma_start3A_408] : memref<12288x128xf32, #tpu.memory_space<vmem_shared>> -> memref<12288x128xf32, #tpu.memory_space<vmem_shared>>
            tpu.enqueue_indirect_dma source(%arg13 : memref<64x128xf32, #tpu.memory_space<vmem>>) target(%dma_start3A_409 : memref<12288x128xf32, #tpu.memory_space<vmem_shared>>) offsets(%arg10 : memref<64xi32, #tpu.memory_space<vmem>>) semaphore(%run_scoped3A : memref<!tpu.dma_semaphore, #tpu.memory_space<semaphore_mem>>) {add = true}
            %dma_wait3A_410 = arith.constant 0 : i32
            %dma_wait3A_411 = arith.constant 0 : i32
            %dma_wait3A_412 = tpu.memref_slice %arg16[%dma_wait3A_410, %dma_wait3A_411] : memref<12288x128xf32, #tpu.memory_space<vmem_shared>> -> memref<12288x128xf32, #tpu.memory_space<vmem_shared>>
            tpu.wait_indirect_dma semaphore(%run_scoped3A : memref<!tpu.dma_semaphore, #tpu.memory_space<semaphore_mem>>) src(%arg13 : memref<64x128xf32, #tpu.memory_space<vmem>>) dst(%dma_wait3A_412 : memref<12288x128xf32, #tpu.memory_space<vmem_shared>>)
            tpu.yield
          }) : () -> ()
          %dma_wait3A_403 = arith.constant 0 : i32
          %dma_wait3A_404 = arith.constant 0 : i32
          %dma_wait3A_405 = tpu.memref_slice %arg2[%dma_wait3A_403, %dma_wait3A_404] : memref<50176x128xf32, #tpu.memory_space<hbm>> -> memref<50176x128xf32, #tpu.memory_space<hbm>>
          tpu.wait_indirect_dma semaphore(%arg18 : memref<!tpu.dma_semaphore, #tpu.memory_space<semaphore_mem>>) src(%dma_wait3A_405 : memref<50176x128xf32, #tpu.memory_space<hbm>>) dst(%arg14 : memref<64x128xf32, #tpu.memory_space<vmem>>)
          "tpu.region"() ({
            %run_scoped3A = tpu.sem_alloc : memref<!tpu.dma_semaphore, #tpu.memory_space<semaphore_mem>>
            %dma_start3A_407 = arith.constant 0 : i32
            %dma_start3A_408 = arith.constant 0 : i32
            %dma_start3A_409 = tpu.memref_slice %arg16[%dma_start3A_407, %dma_start3A_408] : memref<12288x128xf32, #tpu.memory_space<vmem_shared>> -> memref<12288x128xf32, #tpu.memory_space<vmem_shared>>
            tpu.enqueue_indirect_dma source(%arg14 : memref<64x128xf32, #tpu.memory_space<vmem>>) target(%dma_start3A_409 : memref<12288x128xf32, #tpu.memory_space<vmem_shared>>) offsets(%arg12 : memref<64xi32, #tpu.memory_space<vmem>>) semaphore(%run_scoped3A : memref<!tpu.dma_semaphore, #tpu.memory_space<semaphore_mem>>) {add = true}
            %dma_wait3A_410 = arith.constant 0 : i32
            %dma_wait3A_411 = arith.constant 0 : i32
            %dma_wait3A_412 = tpu.memref_slice %arg16[%dma_wait3A_410, %dma_wait3A_411] : memref<12288x128xf32, #tpu.memory_space<vmem_shared>> -> memref<12288x128xf32, #tpu.memory_space<vmem_shared>>
            tpu.wait_indirect_dma semaphore(%run_scoped3A : memref<!tpu.dma_semaphore, #tpu.memory_space<semaphore_mem>>) src(%arg14 : memref<64x128xf32, #tpu.memory_space<vmem>>) dst(%dma_wait3A_412 : memref<12288x128xf32, #tpu.memory_space<vmem_shared>>)
            tpu.yield
          }) : () -> ()
          %while3A_406 = arith.constant 0 : i32
          scf.yield %while3A_406 : i32
        }
        %while3A_225 = arith.constant 1 : i32
        %while3A_226 = scf.for %while3A_385 = %while3A_222 to %while3A_218 step %while3A_225 iter_args(%while3A_386 = %while3A_224) -> (i32)  : i32 {
          %scan3A_387 = arith.constant 0 : i32
          %scan3A_388 = arith.constant 0 : i32
          %scan3A_389 = arith.constant 4 : i32
          %scan3A_390 = arith.addi %scan3A_388, %scan3A_389 : i32
          %scan3A_391 = arith.constant 1 : i32
          %scan3A_392 = scf.for %scan3A_407 = %scan3A_388 to %scan3A_390 step %scan3A_391 iter_args(%scan3A_408 = %scan3A_387) -> (i32)  : i32 {
            %mul3A_409 = arith.constant 128 : i32
            %mul3A_410 = arith.muli %while3A_385, %mul3A_409 : i32
            %mul3A_411 = arith.constant 16 : i32
            %mul3A_412 = arith.muli %scan3A_407, %mul3A_411 : i32
            %add3A_413 = arith.addi %mul3A_410, %mul3A_412 : i32
            %get3A = arith.index_cast %add3A_413 : i32 to index
            %get3A_414 = tpu.vector_load %arg5[%get3A] {strides = array<i32>} : memref<1424xi32, #tpu.memory_space<vmem>>, vector<16xi32>,
            %mul3A_415 = arith.constant 16 : i32
            %mul3A_416 = arith.muli %scan3A_407, %mul3A_415 : i32
            %swap3A = arith.index_cast %mul3A_416 : i32 to index
            %swap3A_417 = tpu.vector_load %arg9[%swap3A] {strides = array<i32>} : memref<64xi32, #tpu.memory_space<vmem>>, vector<16xi32>,
            tpu.vector_store %arg9[%swap3A], %get3A_414 {strides = array<i32>} : memref<64xi32, #tpu.memory_space<vmem>>, vector<16xi32>,
            %mul3A_418 = arith.constant 128 : i32
            %mul3A_419 = arith.muli %while3A_385, %mul3A_418 : i32
            %mul3A_420 = arith.constant 16 : i32
            %mul3A_421 = arith.muli %scan3A_407, %mul3A_420 : i32
            %add3A_422 = arith.addi %mul3A_419, %mul3A_421 : i32
            %get3A_423 = arith.index_cast %add3A_422 : i32 to index
            %get3A_424 = tpu.vector_load %arg6[%get3A_423] {strides = array<i32>} : memref<1424xi32, #tpu.memory_space<vmem>>, vector<16xi32>,
            %mul3A_425 = arith.constant 16 : i32
            %mul3A_426 = arith.muli %scan3A_407, %mul3A_425 : i32
            %swap3A_427 = arith.index_cast %mul3A_426 : i32 to index
            %swap3A_428 = tpu.vector_load %arg10[%swap3A_427] {strides = array<i32>} : memref<64xi32, #tpu.memory_space<vmem>>, vector<16xi32>,
            tpu.vector_store %arg10[%swap3A_427], %get3A_424 {strides = array<i32>} : memref<64xi32, #tpu.memory_space<vmem>>, vector<16xi32>,
            %mul3A_429 = arith.constant 128 : i32
            %mul3A_430 = arith.muli %while3A_385, %mul3A_429 : i32
            %add3A_431 = arith.constant 64 : i32
            %add3A_432 = arith.addi %mul3A_430, %add3A_431 : i32
            %mul3A_433 = arith.constant 16 : i32
            %mul3A_434 = arith.muli %scan3A_407, %mul3A_433 : i32
            %add3A_435 = arith.addi %add3A_432, %mul3A_434 : i32
            %get3A_436 = arith.index_cast %add3A_435 : i32 to index
            %get3A_437 = tpu.vector_load %arg5[%get3A_436] {strides = array<i32>} : memref<1424xi32, #tpu.memory_space<vmem>>, vector<16xi32>,
            %mul3A_438 = arith.constant 16 : i32
            %mul3A_439 = arith.muli %scan3A_407, %mul3A_438 : i32
            %swap3A_440 = arith.index_cast %mul3A_439 : i32 to index
            %swap3A_441 = tpu.vector_load %arg11[%swap3A_440] {strides = array<i32>} : memref<64xi32, #tpu.memory_space<vmem>>, vector<16xi32>,
            tpu.vector_store %arg11[%swap3A_440], %get3A_437 {strides = array<i32>} : memref<64xi32, #tpu.memory_space<vmem>>, vector<16xi32>,
            %mul3A_442 = arith.constant 128 : i32
            %mul3A_443 = arith.muli %while3A_385, %mul3A_442 : i32
            %add3A_444 = arith.constant 64 : i32
            %add3A_445 = arith.addi %mul3A_443, %add3A_444 : i32
            %mul3A_446 = arith.constant 16 : i32
            %mul3A_447 = arith.muli %scan3A_407, %mul3A_446 : i32
            %add3A_448 = arith.addi %add3A_445, %mul3A_447 : i32
            %get3A_449 = arith.index_cast %add3A_448 : i32 to index
            %get3A_450 = tpu.vector_load %arg6[%get3A_449] {strides = array<i32>} : memref<1424xi32, #tpu.memory_space<vmem>>, vector<16xi32>,
            %mul3A_451 = arith.constant 16 : i32
            %mul3A_452 = arith.muli %scan3A_407, %mul3A_451 : i32
            %swap3A_453 = arith.index_cast %mul3A_452 : i32 to index
            %swap3A_454 = tpu.vector_load %arg12[%swap3A_453] {strides = array<i32>} : memref<64xi32, #tpu.memory_space<vmem>>, vector<16xi32>,
            tpu.vector_store %arg12[%swap3A_453], %get3A_450 {strides = array<i32>} : memref<64xi32, #tpu.memory_space<vmem>>, vector<16xi32>,
            %scan3A_455 = arith.constant 0 : i32
            scf.yield %scan3A_455 : i32
          }
          %scan3A_393 = arith.constant 4 : i32
          %dma_start3A_394 = arith.constant 0 : i32
          %dma_start3A_395 = arith.constant 0 : i32
          %dma_start3A_396 = tpu.memref_slice %arg2[%dma_start3A_394, %dma_start3A_395] : memref<50176x128xf32, #tpu.memory_space<hbm>> -> memref<50176x128xf32, #tpu.memory_space<hbm>>
          tpu.enqueue_indirect_dma source(%dma_start3A_396 : memref<50176x128xf32, #tpu.memory_space<hbm>>) target(%arg13 : memref<64x128xf32, #tpu.memory_space<vmem>>) offsets(%arg9 : memref<64xi32, #tpu.memory_space<vmem>>) semaphore(%arg17 : memref<!tpu.dma_semaphore, #tpu.memory_space<semaphore_mem>>)
          %dma_start3A_397 = arith.constant 0 : i32
          %dma_start3A_398 = arith.constant 0 : i32
          %dma_start3A_399 = tpu.memref_slice %arg2[%dma_start3A_397, %dma_start3A_398] : memref<50176x128xf32, #tpu.memory_space<hbm>> -> memref<50176x128xf32, #tpu.memory_space<hbm>>
          tpu.enqueue_indirect_dma source(%dma_start3A_399 : memref<50176x128xf32, #tpu.memory_space<hbm>>) target(%arg14 : memref<64x128xf32, #tpu.memory_space<vmem>>) offsets(%arg11 : memref<64xi32, #tpu.memory_space<vmem>>) semaphore(%arg18 : memref<!tpu.dma_semaphore, #tpu.memory_space<semaphore_mem>>)
          %dma_wait3A_400 = arith.constant 0 : i32
          %dma_wait3A_401 = arith.constant 0 : i32
          %dma_wait3A_402 = tpu.memref_slice %arg2[%dma_wait3A_400, %dma_wait3A_401] : memref<50176x128xf32, #tpu.memory_space<hbm>> -> memref<50176x128xf32, #tpu.memory_space<hbm>>
          tpu.wait_indirect_dma semaphore(%arg17 : memref<!tpu.dma_semaphore, #tpu.memory_space<semaphore_mem>>) src(%dma_wait3A_402 : memref<50176x128xf32, #tpu.memory_space<hbm>>) dst(%arg13 : memref<64x128xf32, #tpu.memory_space<vmem>>)
          "tpu.region"() ({
            %run_scoped3A = tpu.sem_alloc : memref<!tpu.dma_semaphore, #tpu.memory_space<semaphore_mem>>
            %dma_start3A_407 = arith.constant 0 : i32
            %dma_start3A_408 = arith.constant 0 : i32
            %dma_start3A_409 = tpu.memref_slice %arg16[%dma_start3A_407, %dma_start3A_408] : memref<12288x128xf32, #tpu.memory_space<vmem_shared>> -> memref<12288x128xf32, #tpu.memory_space<vmem_shared>>
            tpu.enqueue_indirect_dma source(%arg13 : memref<64x128xf32, #tpu.memory_space<vmem>>) target(%dma_start3A_409 : memref<12288x128xf32, #tpu.memory_space<vmem_shared>>) offsets(%arg10 : memref<64xi32, #tpu.memory_space<vmem>>) semaphore(%run_scoped3A : memref<!tpu.dma_semaphore, #tpu.memory_space<semaphore_mem>>) {add = true}
            %dma_wait3A_410 = arith.constant 0 : i32
            %dma_wait3A_411 = arith.constant 0 : i32
            %dma_wait3A_412 = tpu.memref_slice %arg16[%dma_wait3A_410, %dma_wait3A_411] : memref<12288x128xf32, #tpu.memory_space<vmem_shared>> -> memref<12288x128xf32, #tpu.memory_space<vmem_shared>>
            tpu.wait_indirect_dma semaphore(%run_scoped3A : memref<!tpu.dma_semaphore, #tpu.memory_space<semaphore_mem>>) src(%arg13 : memref<64x128xf32, #tpu.memory_space<vmem>>) dst(%dma_wait3A_412 : memref<12288x128xf32, #tpu.memory_space<vmem_shared>>)
            tpu.yield
          }) : () -> ()
          %dma_wait3A_403 = arith.constant 0 : i32
          %dma_wait3A_404 = arith.constant 0 : i32
          %dma_wait3A_405 = tpu.memref_slice %arg2[%dma_wait3A_403, %dma_wait3A_404] : memref<50176x128xf32, #tpu.memory_space<hbm>> -> memref<50176x128xf32, #tpu.memory_space<hbm>>
          tpu.wait_indirect_dma semaphore(%arg18 : memref<!tpu.dma_semaphore, #tpu.memory_space<semaphore_mem>>) src(%dma_wait3A_405 : memref<50176x128xf32, #tpu.memory_space<hbm>>) dst(%arg14 : memref<64x128xf32, #tpu.memory_space<vmem>>)
          "tpu.region"() ({
            %run_scoped3A = tpu.sem_alloc : memref<!tpu.dma_semaphore, #tpu.memory_space<semaphore_mem>>
            %dma_start3A_407 = arith.constant 0 : i32
            %dma_start3A_408 = arith.constant 0 : i32
            %dma_start3A_409 = tpu.memref_slice %arg16[%dma_start3A_407, %dma_start3A_408] : memref<12288x128xf32, #tpu.memory_space<vmem_shared>> -> memref<12288x128xf32, #tpu.memory_space<vmem_shared>>
            tpu.enqueue_indirect_dma source(%arg14 : memref<64x128xf32, #tpu.memory_space<vmem>>) target(%dma_start3A_409 : memref<12288x128xf32, #tpu.memory_space<vmem_shared>>) offsets(%arg12 : memref<64xi32, #tpu.memory_space<vmem>>) semaphore(%run_scoped3A : memref<!tpu.dma_semaphore, #tpu.memory_space<semaphore_mem>>) {add = true}
            %dma_wait3A_410 = arith.constant 0 : i32
            %dma_wait3A_411 = arith.constant 0 : i32
            %dma_wait3A_412 = tpu.memref_slice %arg16[%dma_wait3A_410, %dma_wait3A_411] : memref<12288x128xf32, #tpu.memory_space<vmem_shared>> -> memref<12288x128xf32, #tpu.memory_space<vmem_shared>>
            tpu.wait_indirect_dma semaphore(%run_scoped3A : memref<!tpu.dma_semaphore, #tpu.memory_space<semaphore_mem>>) src(%arg14 : memref<64x128xf32, #tpu.memory_space<vmem>>) dst(%dma_wait3A_412 : memref<12288x128xf32, #tpu.memory_space<vmem_shared>>)
            tpu.yield
          }) : () -> ()
          %while3A_406 = arith.constant 0 : i32
          scf.yield %while3A_406 : i32
        }
        %mul3A_227 = arith.constant 128 : i32
        %mul3A_228 = arith.muli %select_n3A_214, %mul3A_227 : i32
        %sub3A_229 = arith.subi %scan3A_189, %mul3A_228 : i32
        %add3A_230 = arith.constant 16 : i32
        %add3A_231 = arith.addi %sub3A_229, %add3A_230 : i32
        %sub3A_232 = arith.constant 1 : i32
        %sub3A_233 = arith.subi %add3A_231, %sub3A_232 : i32
        %jit3A_234 = arith.constant 16 : i32
        %div3A_235 = arith.divsi %sub3A_233, %jit3A_234 : i32
        %sign3A_236 = arith.constant 0 : i32
        %sign3A_237 = arith.cmpi sgt, %sub3A_233, %sign3A_236 : i32
        %sign3A_238 = arith.extui %sign3A_237 : i1 to i32
        %sign3A_239 = arith.constant 0 : i32
        %sign3A_240 = arith.cmpi slt, %sub3A_233, %sign3A_239 : i32
        %sign3A_241 = arith.extui %sign3A_240 : i1 to i32
        %sign3A_242 = arith.subi %sign3A_238, %sign3A_241 : i32
        %sign3A_243 = arith.constant 0 : i32
        %sign3A_244 = arith.cmpi sgt, %jit3A_234, %sign3A_243 : i32
        %sign3A_245 = arith.extui %sign3A_244 : i1 to i32
        %sign3A_246 = arith.constant 0 : i32
        %sign3A_247 = arith.cmpi slt, %jit3A_234, %sign3A_246 : i32
        %sign3A_248 = arith.extui %sign3A_247 : i1 to i32
        %sign3A_249 = arith.subi %sign3A_245, %sign3A_248 : i32
        %ne3A_250 = arith.cmpi ne, %sign3A_242, %sign3A_249 : i32
        %rem3A_251 = arith.remsi %sub3A_233, %jit3A_234 : i32
        %ne3A_252 = arith.constant 0 : i32
        %ne3A_253 = arith.cmpi ne, %rem3A_251, %ne3A_252 : i32
        %and3A_254 = arith.andi %ne3A_250, %ne3A_253 : i1
        %sub3A_255 = arith.constant 1 : i32
        %sub3A_256 = arith.subi %div3A_235, %sub3A_255 : i32
        %select_n3A_257 = arith.select %and3A_254, %sub3A_256, %div3A_235 : i32
        %while3A_258 = arith.constant 0 : i32
        %while3A_259 = arith.constant 0 : i32
        %while3A_260 = arith.subi %select_n3A_257, %while3A_258 : i32
        %while3A_261 = arith.addi %while3A_258, %while3A_260 : i32
        %while3A_262 = arith.constant 1 : i32
        %while3A_263 = arith.divsi %while3A_260, %while3A_262 : i32
        %while3A_264 = arith.muli %while3A_263, %while3A_262 : i32
        %while3A_265 = arith.addi %while3A_258, %while3A_264 : i32
        %while3A_266 = arith.constant 1 : i32
        %while3A_267 = scf.for %while3A_385 = %while3A_258 to %while3A_265 step %while3A_266 iter_args(%while3A_386 = %while3A_259) -> (i32)  : i32 {
          %mul3A_387 = arith.constant 128 : i32
          %mul3A_388 = arith.muli %select_n3A_214, %mul3A_387 : i32
          %mul3A_389 = arith.constant 16 : i32
          %mul3A_390 = arith.muli %while3A_385, %mul3A_389 : i32
          %add3A_391 = arith.addi %mul3A_388, %mul3A_390 : i32
          %get3A = arith.index_cast %add3A_391 : i32 to index
          %get3A_392 = tpu.vector_load %arg6[%get3A] {strides = array<i32>} : memref<1424xi32, #tpu.memory_space<vmem>>, vector<16xi32>,
          %mul3A_393 = arith.constant 16 : i32
          %mul3A_394 = arith.muli %while3A_385, %mul3A_393 : i32
          %swap3A = arith.index_cast %mul3A_394 : i32 to index
          %swap3A_395 = tpu.vector_load %arg6[%swap3A] {strides = array<i32>} : memref<1424xi32, #tpu.memory_space<vmem>>, vector<16xi32>,
          tpu.vector_store %arg6[%swap3A], %get3A_392 {strides = array<i32>} : memref<1424xi32, #tpu.memory_space<vmem>>, vector<16xi32>,
          %mul3A_396 = arith.constant 128 : i32
          %mul3A_397 = arith.muli %select_n3A_214, %mul3A_396 : i32
          %mul3A_398 = arith.constant 16 : i32
          %mul3A_399 = arith.muli %while3A_385, %mul3A_398 : i32
          %add3A_400 = arith.addi %mul3A_397, %mul3A_399 : i32
          %get3A_401 = arith.index_cast %add3A_400 : i32 to index
          %get3A_402 = tpu.vector_load %arg5[%get3A_401] {strides = array<i32>} : memref<1424xi32, #tpu.memory_space<vmem>>, vector<16xi32>,
          %mul3A_403 = arith.constant 16 : i32
          %mul3A_404 = arith.muli %while3A_385, %mul3A_403 : i32
          %swap3A_405 = arith.index_cast %mul3A_404 : i32 to index
          %swap3A_406 = tpu.vector_load %arg5[%swap3A_405] {strides = array<i32>} : memref<1424xi32, #tpu.memory_space<vmem>>, vector<16xi32>,
          tpu.vector_store %arg5[%swap3A_405], %get3A_402 {strides = array<i32>} : memref<1424xi32, #tpu.memory_space<vmem>>, vector<16xi32>,
          %while3A_407 = arith.constant 0 : i32
          scf.yield %while3A_407 : i32
        }
        %while3A_268 = arith.constant 1 : i32
        %while3A_269 = scf.for %while3A_385 = %while3A_265 to %while3A_261 step %while3A_268 iter_args(%while3A_386 = %while3A_267) -> (i32)  : i32 {
          %mul3A_387 = arith.constant 128 : i32
          %mul3A_388 = arith.muli %select_n3A_214, %mul3A_387 : i32
          %mul3A_389 = arith.constant 16 : i32
          %mul3A_390 = arith.muli %while3A_385, %mul3A_389 : i32
          %add3A_391 = arith.addi %mul3A_388, %mul3A_390 : i32
          %get3A = arith.index_cast %add3A_391 : i32 to index
          %get3A_392 = tpu.vector_load %arg6[%get3A] {strides = array<i32>} : memref<1424xi32, #tpu.memory_space<vmem>>, vector<16xi32>,
          %mul3A_393 = arith.constant 16 : i32
          %mul3A_394 = arith.muli %while3A_385, %mul3A_393 : i32
          %swap3A = arith.index_cast %mul3A_394 : i32 to index
          %swap3A_395 = tpu.vector_load %arg6[%swap3A] {strides = array<i32>} : memref<1424xi32, #tpu.memory_space<vmem>>, vector<16xi32>,
          tpu.vector_store %arg6[%swap3A], %get3A_392 {strides = array<i32>} : memref<1424xi32, #tpu.memory_space<vmem>>, vector<16xi32>,
          %mul3A_396 = arith.constant 128 : i32
          %mul3A_397 = arith.muli %select_n3A_214, %mul3A_396 : i32
          %mul3A_398 = arith.constant 16 : i32
          %mul3A_399 = arith.muli %while3A_385, %mul3A_398 : i32
          %add3A_400 = arith.addi %mul3A_397, %mul3A_399 : i32
          %get3A_401 = arith.index_cast %add3A_400 : i32 to index
          %get3A_402 = tpu.vector_load %arg5[%get3A_401] {strides = array<i32>} : memref<1424xi32, #tpu.memory_space<vmem>>, vector<16xi32>,
          %mul3A_403 = arith.constant 16 : i32
          %mul3A_404 = arith.muli %while3A_385, %mul3A_403 : i32
          %swap3A_405 = arith.index_cast %mul3A_404 : i32 to index
          %swap3A_406 = tpu.vector_load %arg5[%swap3A_405] {strides = array<i32>} : memref<1424xi32, #tpu.memory_space<vmem>>, vector<16xi32>,
          tpu.vector_store %arg5[%swap3A_405], %get3A_402 {strides = array<i32>} : memref<1424xi32, #tpu.memory_space<vmem>>, vector<16xi32>,
          %while3A_407 = arith.constant 0 : i32
          scf.yield %while3A_407 : i32
        }
        %mul3A_270 = arith.constant 2 : i32
        %mul3A_271 = arith.muli %mul3A_270, %scan3A_155 : i32
        %add3A_272 = arith.constant 1 : i32
        %add3A_273 = arith.addi %mul3A_271, %add3A_272 : i32
        %min3A_274 = arith.constant 39 : i32
        %min3A_275 = arith.minsi %add3A_273, %min3A_274 : i32
        %mul3A_276 = arith.constant 51200 : i32
        %mul3A_277 = arith.muli %arg1, %mul3A_276 : i32
        %mul3A_278 = arith.constant 1280 : i32
        %mul3A_279 = arith.muli %min3A_275, %mul3A_278 : i32
        %add3A_280 = arith.addi %mul3A_277, %mul3A_279 : i32
        %dma_wait3A_281 = arith.constant 0 : i32
        %dma_wait3A_282 = tpu.memref_slice %arg3[%dma_wait3A_281, %add3A_280] : memref<2x819200xi32, #tpu.memory_space<hbm>> -> memref<2x1280xi32, #tpu.memory_space<hbm>>
        %dma_wait3A_283 = arith.constant 0 : i32
        %dma_wait3A_284 = tpu.memref_slice %arg3[%dma_wait3A_283, %add3A_280] : memref<2x819200xi32, #tpu.memory_space<hbm>> -> memref<2x1280xi32, #tpu.memory_space<hbm>>
        tpu.wait_dma2 semaphore(%arg20 : memref<!tpu.dma_semaphore, #tpu.memory_space<semaphore_mem>>) src(%dma_wait3A_284 : memref<2x1280xi32, #tpu.memory_space<hbm>>) dst(%arg8 : memref<2x1280xi32, #tpu.memory_space<vmem>>)
        %mul3A_285 = arith.constant 2 : i32
        %mul3A_286 = arith.muli %mul3A_285, %scan3A_155 : i32
        %add3A_287 = arith.constant 2 : i32
        %add3A_288 = arith.addi %mul3A_286, %add3A_287 : i32
        %min3A_289 = arith.constant 39 : i32
        %min3A_290 = arith.minsi %add3A_288, %min3A_289 : i32
        %mul3A_291 = arith.constant 51200 : i32
        %mul3A_292 = arith.muli %arg1, %mul3A_291 : i32
        %mul3A_293 = arith.constant 1280 : i32
        %mul3A_294 = arith.muli %min3A_290, %mul3A_293 : i32
        %add3A_295 = arith.addi %mul3A_292, %mul3A_294 : i32
        %dma_start3A_296 = arith.constant 0 : i32
        %dma_start3A_297 = tpu.memref_slice %arg3[%dma_start3A_296, %add3A_295] : memref<2x819200xi32, #tpu.memory_space<hbm>> -> memref<2x1280xi32, #tpu.memory_space<hbm>>
        %dma_start3A_298 = arith.constant 0 : i32
        %dma_start3A_299 = tpu.memref_slice %arg3[%dma_start3A_298, %add3A_295] : memref<2x819200xi32, #tpu.memory_space<hbm>> -> memref<2x1280xi32, #tpu.memory_space<hbm>>
        tpu.enqueue_dma source(%dma_start3A_299 : memref<2x1280xi32, #tpu.memory_space<hbm>>) target(%arg7 : memref<2x1280xi32, #tpu.memory_space<vmem>>) target_semaphore(%arg19 : memref<!tpu.dma_semaphore, #tpu.memory_space<semaphore_mem>>)
        %scan3A_300 = arith.constant 0 : i32
        %scan3A_301 = arith.constant 80 : i32
        %scan3A_302 = arith.addi %scan3A_300, %scan3A_301 : i32
        %scan3A_303 = arith.constant 1 : i32
        %scan3A_304 = scf.for %scan3A_385 = %scan3A_300 to %scan3A_302 step %scan3A_303 iter_args(%scan3A_386 = %sub3A_229) -> (i32)  : i32 {
          %mul3A_387 = arith.constant 16 : i32
          %mul3A_388 = arith.muli %scan3A_385, %mul3A_387 : i32
          %get3A = arith.constant 0 : i32
          %get3A_389 = arith.index_cast %get3A : i32 to index
          %get3A_390 = arith.index_cast %mul3A_388 : i32 to index
          %get3A_391 = tpu.vector_load %arg8[%get3A_389, %get3A_390] {strides = array<i32>} : memref<2x1280xi32, #tpu.memory_space<vmem>>, vector<16xi32>,
          %mul3A_392 = arith.constant 16 : i32
          %mul3A_393 = arith.muli %scan3A_385, %mul3A_392 : i32
          %get3A_394 = arith.constant 1 : i32
          %get3A_395 = arith.index_cast %get3A_394 : i32 to index
          %get3A_396 = arith.index_cast %mul3A_393 : i32 to index
          %get3A_397 = tpu.vector_load %arg8[%get3A_395, %get3A_396] {strides = array<i32>} : memref<2x1280xi32, #tpu.memory_space<vmem>>, vector<16xi32>,
          %sub3A_398 = vector.broadcast %mul3A_17 : i32 to vector<16xi32>
          %sub3A_399 = arith.subi %get3A_391, %sub3A_398 : vector<16xi32>
          %ge3A = arith.constant 0 : i32
          %ge3A_400 = vector.broadcast %ge3A : i32 to vector<16xi32>
          %ge3A_401 = arith.cmpi sge, %sub3A_399, %ge3A_400 : vector<16xi32>
          %lt3A = arith.constant 12160 : i32
          %lt3A_402 = vector.broadcast %lt3A : i32 to vector<16xi32>
          %lt3A_403 = arith.cmpi slt, %sub3A_399, %lt3A_402 : vector<16xi32>
          %and3A_404 = arith.andi %ge3A_401, %lt3A_403 : vector<16xi1>
          %jit3A_405 = arith.constant 1.000000e+00 : f32
          %jit3A_406 = arith.constant 0.000000e+00 : f32
          %broadcast_in_dim3A_407 = vector.broadcast %jit3A_405 : f32 to vector<16xf32>
          %broadcast_in_dim3A_408 = vector.broadcast %jit3A_406 : f32 to vector<16xf32>
          %select_n3A_409 = arith.select %and3A_404, %broadcast_in_dim3A_407, %broadcast_in_dim3A_408 : vector<16xi1>, vector<16xf32>
          %broadcast_in_dim3A_410 = arith.constant true
          %broadcast_in_dim3A_411 = vector.broadcast %broadcast_in_dim3A_410 : i1 to vector<16xi1>
          %masked_cumsum3A = tpu.scan <sum>, %select_n3A_409 masked %broadcast_in_dim3A_411 : vector<16xf32>, vector<16xi1> -> vector<16xf32>
          %convert_element_type3A = arith.fptosi %masked_cumsum3A : vector<16xf32> to vector<16xi32>
          %add3A_412 = vector.broadcast %scan3A_386 : i32 to vector<16xi32>
          %add3A_413 = arith.addi %add3A_412, %convert_element_type3A : vector<16xi32>
          %sub3A_414 = arith.constant 1 : i32
          %sub3A_415 = vector.broadcast %sub3A_414 : i32 to vector<16xi32>
          %sub3A_416 = arith.subi %add3A_413, %sub3A_415 : vector<16xi32>
          tpu.vector_store_idx %arg6[%sub3A_416], %sub3A_399 masked %and3A_404 : memref<1424xi32, #tpu.memory_space<vmem>>[vector<16xi32>], vector<16xi32>, vector<16xi1>
          tpu.vector_store_idx %arg5[%sub3A_416], %get3A_397 masked %and3A_404 : memref<1424xi32, #tpu.memory_space<vmem>>[vector<16xi32>], vector<16xi32>, vector<16xi1>
          %slice3A = vector.extract_strided_slice %masked_cumsum3A {offsets = [15], sizes = [1], strides = [1]} : vector<16xf32> to vector<1xf32>
          %squeeze3A = vector.extract %slice3A[0] : f32 from vector<1xf32>
          %convert_element_type3A_417 = arith.fptosi %squeeze3A : f32 to i32
          %add3A_418 = arith.addi %scan3A_386, %convert_element_type3A_417 : i32
          scf.yield %add3A_418 : i32
        }
        %scan3A_305 = arith.constant 80 : i32
        %jit3A_306 = arith.constant 128 : i32
        %div3A_307 = arith.divsi %scan3A_304, %jit3A_306 : i32
        %sign3A_308 = arith.constant 0 : i32
        %sign3A_309 = arith.cmpi sgt, %scan3A_304, %sign3A_308 : i32
        %sign3A_310 = arith.extui %sign3A_309 : i1 to i32
        %sign3A_311 = arith.constant 0 : i32
        %sign3A_312 = arith.cmpi slt, %scan3A_304, %sign3A_311 : i32
        %sign3A_313 = arith.extui %sign3A_312 : i1 to i32
        %sign3A_314 = arith.subi %sign3A_310, %sign3A_313 : i32
        %sign3A_315 = arith.constant 0 : i32
        %sign3A_316 = arith.cmpi sgt, %jit3A_306, %sign3A_315 : i32
        %sign3A_317 = arith.extui %sign3A_316 : i1 to i32
        %sign3A_318 = arith.constant 0 : i32
        %sign3A_319 = arith.cmpi slt, %jit3A_306, %sign3A_318 : i32
        %sign3A_320 = arith.extui %sign3A_319 : i1 to i32
        %sign3A_321 = arith.subi %sign3A_317, %sign3A_320 : i32
        %ne3A_322 = arith.cmpi ne, %sign3A_314, %sign3A_321 : i32
        %rem3A_323 = arith.remsi %scan3A_304, %jit3A_306 : i32
        %ne3A_324 = arith.constant 0 : i32
        %ne3A_325 = arith.cmpi ne, %rem3A_323, %ne3A_324 : i32
        %and3A_326 = arith.andi %ne3A_322, %ne3A_325 : i1
        %sub3A_327 = arith.constant 1 : i32
        %sub3A_328 = arith.subi %div3A_307, %sub3A_327 : i32
        %select_n3A_329 = arith.select %and3A_326, %sub3A_328, %div3A_307 : i32
        %while3A_330 = arith.constant 0 : i32
        %while3A_331 = arith.constant 0 : i32
        %while3A_332 = arith.subi %select_n3A_329, %while3A_330 : i32
        %while3A_333 = arith.addi %while3A_330, %while3A_332 : i32
        %while3A_334 = arith.constant 1 : i32
        %while3A_335 = arith.divsi %while3A_332, %while3A_334 : i32
        %while3A_336 = arith.muli %while3A_335, %while3A_334 : i32
        %while3A_337 = arith.addi %while3A_330, %while3A_336 : i32
        %while3A_338 = arith.constant 1 : i32
        %while3A_339 = scf.for %while3A_385 = %while3A_330 to %while3A_337 step %while3A_338 iter_args(%while3A_386 = %while3A_331) -> (i32)  : i32 {
          %scan3A_387 = arith.constant 0 : i32
          %scan3A_388 = arith.constant 0 : i32
          %scan3A_389 = arith.constant 4 : i32
          %scan3A_390 = arith.addi %scan3A_388, %scan3A_389 : i32
          %scan3A_391 = arith.constant 1 : i32
          %scan3A_392 = scf.for %scan3A_407 = %scan3A_388 to %scan3A_390 step %scan3A_391 iter_args(%scan3A_408 = %scan3A_387) -> (i32)  : i32 {
            %mul3A_409 = arith.constant 128 : i32
            %mul3A_410 = arith.muli %while3A_385, %mul3A_409 : i32
            %mul3A_411 = arith.constant 16 : i32
            %mul3A_412 = arith.muli %scan3A_407, %mul3A_411 : i32
            %add3A_413 = arith.addi %mul3A_410, %mul3A_412 : i32
            %get3A = arith.index_cast %add3A_413 : i32 to index
            %get3A_414 = tpu.vector_load %arg5[%get3A] {strides = array<i32>} : memref<1424xi32, #tpu.memory_space<vmem>>, vector<16xi32>,
            %mul3A_415 = arith.constant 16 : i32
            %mul3A_416 = arith.muli %scan3A_407, %mul3A_415 : i32
            %swap3A = arith.index_cast %mul3A_416 : i32 to index
            %swap3A_417 = tpu.vector_load %arg9[%swap3A] {strides = array<i32>} : memref<64xi32, #tpu.memory_space<vmem>>, vector<16xi32>,
            tpu.vector_store %arg9[%swap3A], %get3A_414 {strides = array<i32>} : memref<64xi32, #tpu.memory_space<vmem>>, vector<16xi32>,
            %mul3A_418 = arith.constant 128 : i32
            %mul3A_419 = arith.muli %while3A_385, %mul3A_418 : i32
            %mul3A_420 = arith.constant 16 : i32
            %mul3A_421 = arith.muli %scan3A_407, %mul3A_420 : i32
            %add3A_422 = arith.addi %mul3A_419, %mul3A_421 : i32
            %get3A_423 = arith.index_cast %add3A_422 : i32 to index
            %get3A_424 = tpu.vector_load %arg6[%get3A_423] {strides = array<i32>} : memref<1424xi32, #tpu.memory_space<vmem>>, vector<16xi32>,
            %mul3A_425 = arith.constant 16 : i32
            %mul3A_426 = arith.muli %scan3A_407, %mul3A_425 : i32
            %swap3A_427 = arith.index_cast %mul3A_426 : i32 to index
            %swap3A_428 = tpu.vector_load %arg10[%swap3A_427] {strides = array<i32>} : memref<64xi32, #tpu.memory_space<vmem>>, vector<16xi32>,
            tpu.vector_store %arg10[%swap3A_427], %get3A_424 {strides = array<i32>} : memref<64xi32, #tpu.memory_space<vmem>>, vector<16xi32>,
            %mul3A_429 = arith.constant 128 : i32
            %mul3A_430 = arith.muli %while3A_385, %mul3A_429 : i32
            %add3A_431 = arith.constant 64 : i32
            %add3A_432 = arith.addi %mul3A_430, %add3A_431 : i32
            %mul3A_433 = arith.constant 16 : i32
            %mul3A_434 = arith.muli %scan3A_407, %mul3A_433 : i32
            %add3A_435 = arith.addi %add3A_432, %mul3A_434 : i32
            %get3A_436 = arith.index_cast %add3A_435 : i32 to index
            %get3A_437 = tpu.vector_load %arg5[%get3A_436] {strides = array<i32>} : memref<1424xi32, #tpu.memory_space<vmem>>, vector<16xi32>,
            %mul3A_438 = arith.constant 16 : i32
            %mul3A_439 = arith.muli %scan3A_407, %mul3A_438 : i32
            %swap3A_440 = arith.index_cast %mul3A_439 : i32 to index
            %swap3A_441 = tpu.vector_load %arg11[%swap3A_440] {strides = array<i32>} : memref<64xi32, #tpu.memory_space<vmem>>, vector<16xi32>,
            tpu.vector_store %arg11[%swap3A_440], %get3A_437 {strides = array<i32>} : memref<64xi32, #tpu.memory_space<vmem>>, vector<16xi32>,
            %mul3A_442 = arith.constant 128 : i32
            %mul3A_443 = arith.muli %while3A_385, %mul3A_442 : i32
            %add3A_444 = arith.constant 64 : i32
            %add3A_445 = arith.addi %mul3A_443, %add3A_444 : i32
            %mul3A_446 = arith.constant 16 : i32
            %mul3A_447 = arith.muli %scan3A_407, %mul3A_446 : i32
            %add3A_448 = arith.addi %add3A_445, %mul3A_447 : i32
            %get3A_449 = arith.index_cast %add3A_448 : i32 to index
            %get3A_450 = tpu.vector_load %arg6[%get3A_449] {strides = array<i32>} : memref<1424xi32, #tpu.memory_space<vmem>>, vector<16xi32>,
            %mul3A_451 = arith.constant 16 : i32
            %mul3A_452 = arith.muli %scan3A_407, %mul3A_451 : i32
            %swap3A_453 = arith.index_cast %mul3A_452 : i32 to index
            %swap3A_454 = tpu.vector_load %arg12[%swap3A_453] {strides = array<i32>} : memref<64xi32, #tpu.memory_space<vmem>>, vector<16xi32>,
            tpu.vector_store %arg12[%swap3A_453], %get3A_450 {strides = array<i32>} : memref<64xi32, #tpu.memory_space<vmem>>, vector<16xi32>,
            %scan3A_455 = arith.constant 0 : i32
            scf.yield %scan3A_455 : i32
          }
          %scan3A_393 = arith.constant 4 : i32
          %dma_start3A_394 = arith.constant 0 : i32
          %dma_start3A_395 = arith.constant 0 : i32
          %dma_start3A_396 = tpu.memref_slice %arg2[%dma_start3A_394, %dma_start3A_395] : memref<50176x128xf32, #tpu.memory_space<hbm>> -> memref<50176x128xf32, #tpu.memory_space<hbm>>
          tpu.enqueue_indirect_dma source(%dma_start3A_396 : memref<50176x128xf32, #tpu.memory_space<hbm>>) target(%arg13 : memref<64x128xf32, #tpu.memory_space<vmem>>) offsets(%arg9 : memref<64xi32, #tpu.memory_space<vmem>>) semaphore(%arg17 : memref<!tpu.dma_semaphore, #tpu.memory_space<semaphore_mem>>)
          %dma_start3A_397 = arith.constant 0 : i32
          %dma_start3A_398 = arith.constant 0 : i32
          %dma_start3A_399 = tpu.memref_slice %arg2[%dma_start3A_397, %dma_start3A_398] : memref<50176x128xf32, #tpu.memory_space<hbm>> -> memref<50176x128xf32, #tpu.memory_space<hbm>>
          tpu.enqueue_indirect_dma source(%dma_start3A_399 : memref<50176x128xf32, #tpu.memory_space<hbm>>) target(%arg14 : memref<64x128xf32, #tpu.memory_space<vmem>>) offsets(%arg11 : memref<64xi32, #tpu.memory_space<vmem>>) semaphore(%arg18 : memref<!tpu.dma_semaphore, #tpu.memory_space<semaphore_mem>>)
          %dma_wait3A_400 = arith.constant 0 : i32
          %dma_wait3A_401 = arith.constant 0 : i32
          %dma_wait3A_402 = tpu.memref_slice %arg2[%dma_wait3A_400, %dma_wait3A_401] : memref<50176x128xf32, #tpu.memory_space<hbm>> -> memref<50176x128xf32, #tpu.memory_space<hbm>>
          tpu.wait_indirect_dma semaphore(%arg17 : memref<!tpu.dma_semaphore, #tpu.memory_space<semaphore_mem>>) src(%dma_wait3A_402 : memref<50176x128xf32, #tpu.memory_space<hbm>>) dst(%arg13 : memref<64x128xf32, #tpu.memory_space<vmem>>)
          "tpu.region"() ({
            %run_scoped3A = tpu.sem_alloc : memref<!tpu.dma_semaphore, #tpu.memory_space<semaphore_mem>>
            %dma_start3A_407 = arith.constant 0 : i32
            %dma_start3A_408 = arith.constant 0 : i32
            %dma_start3A_409 = tpu.memref_slice %arg16[%dma_start3A_407, %dma_start3A_408] : memref<12288x128xf32, #tpu.memory_space<vmem_shared>> -> memref<12288x128xf32, #tpu.memory_space<vmem_shared>>
            tpu.enqueue_indirect_dma source(%arg13 : memref<64x128xf32, #tpu.memory_space<vmem>>) target(%dma_start3A_409 : memref<12288x128xf32, #tpu.memory_space<vmem_shared>>) offsets(%arg10 : memref<64xi32, #tpu.memory_space<vmem>>) semaphore(%run_scoped3A : memref<!tpu.dma_semaphore, #tpu.memory_space<semaphore_mem>>) {add = true}
            %dma_wait3A_410 = arith.constant 0 : i32
            %dma_wait3A_411 = arith.constant 0 : i32
            %dma_wait3A_412 = tpu.memref_slice %arg16[%dma_wait3A_410, %dma_wait3A_411] : memref<12288x128xf32, #tpu.memory_space<vmem_shared>> -> memref<12288x128xf32, #tpu.memory_space<vmem_shared>>
            tpu.wait_indirect_dma semaphore(%run_scoped3A : memref<!tpu.dma_semaphore, #tpu.memory_space<semaphore_mem>>) src(%arg13 : memref<64x128xf32, #tpu.memory_space<vmem>>) dst(%dma_wait3A_412 : memref<12288x128xf32, #tpu.memory_space<vmem_shared>>)
            tpu.yield
          }) : () -> ()
          %dma_wait3A_403 = arith.constant 0 : i32
          %dma_wait3A_404 = arith.constant 0 : i32
          %dma_wait3A_405 = tpu.memref_slice %arg2[%dma_wait3A_403, %dma_wait3A_404] : memref<50176x128xf32, #tpu.memory_space<hbm>> -> memref<50176x128xf32, #tpu.memory_space<hbm>>
          tpu.wait_indirect_dma semaphore(%arg18 : memref<!tpu.dma_semaphore, #tpu.memory_space<semaphore_mem>>) src(%dma_wait3A_405 : memref<50176x128xf32, #tpu.memory_space<hbm>>) dst(%arg14 : memref<64x128xf32, #tpu.memory_space<vmem>>)
          "tpu.region"() ({
            %run_scoped3A = tpu.sem_alloc : memref<!tpu.dma_semaphore, #tpu.memory_space<semaphore_mem>>
            %dma_start3A_407 = arith.constant 0 : i32
            %dma_start3A_408 = arith.constant 0 : i32
            %dma_start3A_409 = tpu.memref_slice %arg16[%dma_start3A_407, %dma_start3A_408] : memref<12288x128xf32, #tpu.memory_space<vmem_shared>> -> memref<12288x128xf32, #tpu.memory_space<vmem_shared>>
            tpu.enqueue_indirect_dma source(%arg14 : memref<64x128xf32, #tpu.memory_space<vmem>>) target(%dma_start3A_409 : memref<12288x128xf32, #tpu.memory_space<vmem_shared>>) offsets(%arg12 : memref<64xi32, #tpu.memory_space<vmem>>) semaphore(%run_scoped3A : memref<!tpu.dma_semaphore, #tpu.memory_space<semaphore_mem>>) {add = true}
            %dma_wait3A_410 = arith.constant 0 : i32
            %dma_wait3A_411 = arith.constant 0 : i32
            %dma_wait3A_412 = tpu.memref_slice %arg16[%dma_wait3A_410, %dma_wait3A_411] : memref<12288x128xf32, #tpu.memory_space<vmem_shared>> -> memref<12288x128xf32, #tpu.memory_space<vmem_shared>>
            tpu.wait_indirect_dma semaphore(%run_scoped3A : memref<!tpu.dma_semaphore, #tpu.memory_space<semaphore_mem>>) src(%arg14 : memref<64x128xf32, #tpu.memory_space<vmem>>) dst(%dma_wait3A_412 : memref<12288x128xf32, #tpu.memory_space<vmem_shared>>)
            tpu.yield
          }) : () -> ()
          %while3A_406 = arith.constant 0 : i32
          scf.yield %while3A_406 : i32
        }
        %while3A_340 = arith.constant 1 : i32
        %while3A_341 = scf.for %while3A_385 = %while3A_337 to %while3A_333 step %while3A_340 iter_args(%while3A_386 = %while3A_339) -> (i32)  : i32 {
          %scan3A_387 = arith.constant 0 : i32
          %scan3A_388 = arith.constant 0 : i32
          %scan3A_389 = arith.constant 4 : i32
          %scan3A_390 = arith.addi %scan3A_388, %scan3A_389 : i32
          %scan3A_391 = arith.constant 1 : i32
          %scan3A_392 = scf.for %scan3A_407 = %scan3A_388 to %scan3A_390 step %scan3A_391 iter_args(%scan3A_408 = %scan3A_387) -> (i32)  : i32 {
            %mul3A_409 = arith.constant 128 : i32
            %mul3A_410 = arith.muli %while3A_385, %mul3A_409 : i32
            %mul3A_411 = arith.constant 16 : i32
            %mul3A_412 = arith.muli %scan3A_407, %mul3A_411 : i32
            %add3A_413 = arith.addi %mul3A_410, %mul3A_412 : i32
            %get3A = arith.index_cast %add3A_413 : i32 to index
            %get3A_414 = tpu.vector_load %arg5[%get3A] {strides = array<i32>} : memref<1424xi32, #tpu.memory_space<vmem>>, vector<16xi32>,
            %mul3A_415 = arith.constant 16 : i32
            %mul3A_416 = arith.muli %scan3A_407, %mul3A_415 : i32
            %swap3A = arith.index_cast %mul3A_416 : i32 to index
            %swap3A_417 = tpu.vector_load %arg9[%swap3A] {strides = array<i32>} : memref<64xi32, #tpu.memory_space<vmem>>, vector<16xi32>,
            tpu.vector_store %arg9[%swap3A], %get3A_414 {strides = array<i32>} : memref<64xi32, #tpu.memory_space<vmem>>, vector<16xi32>,
            %mul3A_418 = arith.constant 128 : i32
            %mul3A_419 = arith.muli %while3A_385, %mul3A_418 : i32
            %mul3A_420 = arith.constant 16 : i32
            %mul3A_421 = arith.muli %scan3A_407, %mul3A_420 : i32
            %add3A_422 = arith.addi %mul3A_419, %mul3A_421 : i32
            %get3A_423 = arith.index_cast %add3A_422 : i32 to index
            %get3A_424 = tpu.vector_load %arg6[%get3A_423] {strides = array<i32>} : memref<1424xi32, #tpu.memory_space<vmem>>, vector<16xi32>,
            %mul3A_425 = arith.constant 16 : i32
            %mul3A_426 = arith.muli %scan3A_407, %mul3A_425 : i32
            %swap3A_427 = arith.index_cast %mul3A_426 : i32 to index
            %swap3A_428 = tpu.vector_load %arg10[%swap3A_427] {strides = array<i32>} : memref<64xi32, #tpu.memory_space<vmem>>, vector<16xi32>,
            tpu.vector_store %arg10[%swap3A_427], %get3A_424 {strides = array<i32>} : memref<64xi32, #tpu.memory_space<vmem>>, vector<16xi32>,
            %mul3A_429 = arith.constant 128 : i32
            %mul3A_430 = arith.muli %while3A_385, %mul3A_429 : i32
            %add3A_431 = arith.constant 64 : i32
            %add3A_432 = arith.addi %mul3A_430, %add3A_431 : i32
            %mul3A_433 = arith.constant 16 : i32
            %mul3A_434 = arith.muli %scan3A_407, %mul3A_433 : i32
            %add3A_435 = arith.addi %add3A_432, %mul3A_434 : i32
            %get3A_436 = arith.index_cast %add3A_435 : i32 to index
            %get3A_437 = tpu.vector_load %arg5[%get3A_436] {strides = array<i32>} : memref<1424xi32, #tpu.memory_space<vmem>>, vector<16xi32>,
            %mul3A_438 = arith.constant 16 : i32
            %mul3A_439 = arith.muli %scan3A_407, %mul3A_438 : i32
            %swap3A_440 = arith.index_cast %mul3A_439 : i32 to index
            %swap3A_441 = tpu.vector_load %arg11[%swap3A_440] {strides = array<i32>} : memref<64xi32, #tpu.memory_space<vmem>>, vector<16xi32>,
            tpu.vector_store %arg11[%swap3A_440], %get3A_437 {strides = array<i32>} : memref<64xi32, #tpu.memory_space<vmem>>, vector<16xi32>,
            %mul3A_442 = arith.constant 128 : i32
            %mul3A_443 = arith.muli %while3A_385, %mul3A_442 : i32
            %add3A_444 = arith.constant 64 : i32
            %add3A_445 = arith.addi %mul3A_443, %add3A_444 : i32
            %mul3A_446 = arith.constant 16 : i32
            %mul3A_447 = arith.muli %scan3A_407, %mul3A_446 : i32
            %add3A_448 = arith.addi %add3A_445, %mul3A_447 : i32
            %get3A_449 = arith.index_cast %add3A_448 : i32 to index
            %get3A_450 = tpu.vector_load %arg6[%get3A_449] {strides = array<i32>} : memref<1424xi32, #tpu.memory_space<vmem>>, vector<16xi32>,
            %mul3A_451 = arith.constant 16 : i32
            %mul3A_452 = arith.muli %scan3A_407, %mul3A_451 : i32
            %swap3A_453 = arith.index_cast %mul3A_452 : i32 to index
            %swap3A_454 = tpu.vector_load %arg12[%swap3A_453] {strides = array<i32>} : memref<64xi32, #tpu.memory_space<vmem>>, vector<16xi32>,
            tpu.vector_store %arg12[%swap3A_453], %get3A_450 {strides = array<i32>} : memref<64xi32, #tpu.memory_space<vmem>>, vector<16xi32>,
            %scan3A_455 = arith.constant 0 : i32
            scf.yield %scan3A_455 : i32
          }
          %scan3A_393 = arith.constant 4 : i32
          %dma_start3A_394 = arith.constant 0 : i32
          %dma_start3A_395 = arith.constant 0 : i32
          %dma_start3A_396 = tpu.memref_slice %arg2[%dma_start3A_394, %dma_start3A_395] : memref<50176x128xf32, #tpu.memory_space<hbm>> -> memref<50176x128xf32, #tpu.memory_space<hbm>>
          tpu.enqueue_indirect_dma source(%dma_start3A_396 : memref<50176x128xf32, #tpu.memory_space<hbm>>) target(%arg13 : memref<64x128xf32, #tpu.memory_space<vmem>>) offsets(%arg9 : memref<64xi32, #tpu.memory_space<vmem>>) semaphore(%arg17 : memref<!tpu.dma_semaphore, #tpu.memory_space<semaphore_mem>>)
          %dma_start3A_397 = arith.constant 0 : i32
          %dma_start3A_398 = arith.constant 0 : i32
          %dma_start3A_399 = tpu.memref_slice %arg2[%dma_start3A_397, %dma_start3A_398] : memref<50176x128xf32, #tpu.memory_space<hbm>> -> memref<50176x128xf32, #tpu.memory_space<hbm>>
          tpu.enqueue_indirect_dma source(%dma_start3A_399 : memref<50176x128xf32, #tpu.memory_space<hbm>>) target(%arg14 : memref<64x128xf32, #tpu.memory_space<vmem>>) offsets(%arg11 : memref<64xi32, #tpu.memory_space<vmem>>) semaphore(%arg18 : memref<!tpu.dma_semaphore, #tpu.memory_space<semaphore_mem>>)
          %dma_wait3A_400 = arith.constant 0 : i32
          %dma_wait3A_401 = arith.constant 0 : i32
          %dma_wait3A_402 = tpu.memref_slice %arg2[%dma_wait3A_400, %dma_wait3A_401] : memref<50176x128xf32, #tpu.memory_space<hbm>> -> memref<50176x128xf32, #tpu.memory_space<hbm>>
          tpu.wait_indirect_dma semaphore(%arg17 : memref<!tpu.dma_semaphore, #tpu.memory_space<semaphore_mem>>) src(%dma_wait3A_402 : memref<50176x128xf32, #tpu.memory_space<hbm>>) dst(%arg13 : memref<64x128xf32, #tpu.memory_space<vmem>>)
          "tpu.region"() ({
            %run_scoped3A = tpu.sem_alloc : memref<!tpu.dma_semaphore, #tpu.memory_space<semaphore_mem>>
            %dma_start3A_407 = arith.constant 0 : i32
            %dma_start3A_408 = arith.constant 0 : i32
            %dma_start3A_409 = tpu.memref_slice %arg16[%dma_start3A_407, %dma_start3A_408] : memref<12288x128xf32, #tpu.memory_space<vmem_shared>> -> memref<12288x128xf32, #tpu.memory_space<vmem_shared>>
            tpu.enqueue_indirect_dma source(%arg13 : memref<64x128xf32, #tpu.memory_space<vmem>>) target(%dma_start3A_409 : memref<12288x128xf32, #tpu.memory_space<vmem_shared>>) offsets(%arg10 : memref<64xi32, #tpu.memory_space<vmem>>) semaphore(%run_scoped3A : memref<!tpu.dma_semaphore, #tpu.memory_space<semaphore_mem>>) {add = true}
            %dma_wait3A_410 = arith.constant 0 : i32
            %dma_wait3A_411 = arith.constant 0 : i32
            %dma_wait3A_412 = tpu.memref_slice %arg16[%dma_wait3A_410, %dma_wait3A_411] : memref<12288x128xf32, #tpu.memory_space<vmem_shared>> -> memref<12288x128xf32, #tpu.memory_space<vmem_shared>>
            tpu.wait_indirect_dma semaphore(%run_scoped3A : memref<!tpu.dma_semaphore, #tpu.memory_space<semaphore_mem>>) src(%arg13 : memref<64x128xf32, #tpu.memory_space<vmem>>) dst(%dma_wait3A_412 : memref<12288x128xf32, #tpu.memory_space<vmem_shared>>)
            tpu.yield
          }) : () -> ()
          %dma_wait3A_403 = arith.constant 0 : i32
          %dma_wait3A_404 = arith.constant 0 : i32
          %dma_wait3A_405 = tpu.memref_slice %arg2[%dma_wait3A_403, %dma_wait3A_404] : memref<50176x128xf32, #tpu.memory_space<hbm>> -> memref<50176x128xf32, #tpu.memory_space<hbm>>
          tpu.wait_indirect_dma semaphore(%arg18 : memref<!tpu.dma_semaphore, #tpu.memory_space<semaphore_mem>>) src(%dma_wait3A_405 : memref<50176x128xf32, #tpu.memory_space<hbm>>) dst(%arg14 : memref<64x128xf32, #tpu.memory_space<vmem>>)
          "tpu.region"() ({
            %run_scoped3A = tpu.sem_alloc : memref<!tpu.dma_semaphore, #tpu.memory_space<semaphore_mem>>
            %dma_start3A_407 = arith.constant 0 : i32
            %dma_start3A_408 = arith.constant 0 : i32
            %dma_start3A_409 = tpu.memref_slice %arg16[%dma_start3A_407, %dma_start3A_408] : memref<12288x128xf32, #tpu.memory_space<vmem_shared>> -> memref<12288x128xf32, #tpu.memory_space<vmem_shared>>
            tpu.enqueue_indirect_dma source(%arg14 : memref<64x128xf32, #tpu.memory_space<vmem>>) target(%dma_start3A_409 : memref<12288x128xf32, #tpu.memory_space<vmem_shared>>) offsets(%arg12 : memref<64xi32, #tpu.memory_space<vmem>>) semaphore(%run_scoped3A : memref<!tpu.dma_semaphore, #tpu.memory_space<semaphore_mem>>) {add = true}
            %dma_wait3A_410 = arith.constant 0 : i32
            %dma_wait3A_411 = arith.constant 0 : i32
            %dma_wait3A_412 = tpu.memref_slice %arg16[%dma_wait3A_410, %dma_wait3A_411] : memref<12288x128xf32, #tpu.memory_space<vmem_shared>> -> memref<12288x128xf32, #tpu.memory_space<vmem_shared>>
            tpu.wait_indirect_dma semaphore(%run_scoped3A : memref<!tpu.dma_semaphore, #tpu.memory_space<semaphore_mem>>) src(%arg14 : memref<64x128xf32, #tpu.memory_space<vmem>>) dst(%dma_wait3A_412 : memref<12288x128xf32, #tpu.memory_space<vmem_shared>>)
            tpu.yield
          }) : () -> ()
          %while3A_406 = arith.constant 0 : i32
          scf.yield %while3A_406 : i32
        }
        %mul3A_342 = arith.constant 128 : i32
        %mul3A_343 = arith.muli %select_n3A_329, %mul3A_342 : i32
        %sub3A_344 = arith.subi %scan3A_304, %mul3A_343 : i32
        %add3A_345 = arith.constant 16 : i32
        %add3A_346 = arith.addi %sub3A_344, %add3A_345 : i32
        %sub3A_347 = arith.constant 1 : i32
        %sub3A_348 = arith.subi %add3A_346, %sub3A_347 : i32
        %jit3A_349 = arith.constant 16 : i32
        %div3A_350 = arith.divsi %sub3A_348, %jit3A_349 : i32
        %sign3A_351 = arith.constant 0 : i32
        %sign3A_352 = arith.cmpi sgt, %sub3A_348, %sign3A_351 : i32
        %sign3A_353 = arith.extui %sign3A_352 : i1 to i32
        %sign3A_354 = arith.constant 0 : i32
        %sign3A_355 = arith.cmpi slt, %sub3A_348, %sign3A_354 : i32
        %sign3A_356 = arith.extui %sign3A_355 : i1 to i32
        %sign3A_357 = arith.subi %sign3A_353, %sign3A_356 : i32
        %sign3A_358 = arith.constant 0 : i32
        %sign3A_359 = arith.cmpi sgt, %jit3A_349, %sign3A_358 : i32
        %sign3A_360 = arith.extui %sign3A_359 : i1 to i32
        %sign3A_361 = arith.constant 0 : i32
        %sign3A_362 = arith.cmpi slt, %jit3A_349, %sign3A_361 : i32
        %sign3A_363 = arith.extui %sign3A_362 : i1 to i32
        %sign3A_364 = arith.subi %sign3A_360, %sign3A_363 : i32
        %ne3A_365 = arith.cmpi ne, %sign3A_357, %sign3A_364 : i32
        %rem3A_366 = arith.remsi %sub3A_348, %jit3A_349 : i32
        %ne3A_367 = arith.constant 0 : i32
        %ne3A_368 = arith.cmpi ne, %rem3A_366, %ne3A_367 : i32
        %and3A_369 = arith.andi %ne3A_365, %ne3A_368 : i1
        %sub3A_370 = arith.constant 1 : i32
        %sub3A_371 = arith.subi %div3A_350, %sub3A_370 : i32
        %select_n3A_372 = arith.select %and3A_369, %sub3A_371, %div3A_350 : i32
        %while3A_373 = arith.constant 0 : i32
        %while3A_374 = arith.constant 0 : i32
        %while3A_375 = arith.subi %select_n3A_372, %while3A_373 : i32
        %while3A_376 = arith.addi %while3A_373, %while3A_375 : i32
        %while3A_377 = arith.constant 1 : i32
        %while3A_378 = arith.divsi %while3A_375, %while3A_377 : i32
        %while3A_379 = arith.muli %while3A_378, %while3A_377 : i32
        %while3A_380 = arith.addi %while3A_373, %while3A_379 : i32
        %while3A_381 = arith.constant 1 : i32
        %while3A_382 = scf.for %while3A_385 = %while3A_373 to %while3A_380 step %while3A_381 iter_args(%while3A_386 = %while3A_374) -> (i32)  : i32 {
          %mul3A_387 = arith.constant 128 : i32
          %mul3A_388 = arith.muli %select_n3A_329, %mul3A_387 : i32
          %mul3A_389 = arith.constant 16 : i32
          %mul3A_390 = arith.muli %while3A_385, %mul3A_389 : i32
          %add3A_391 = arith.addi %mul3A_388, %mul3A_390 : i32
          %get3A = arith.index_cast %add3A_391 : i32 to index
          %get3A_392 = tpu.vector_load %arg6[%get3A] {strides = array<i32>} : memref<1424xi32, #tpu.memory_space<vmem>>, vector<16xi32>,
          %mul3A_393 = arith.constant 16 : i32
          %mul3A_394 = arith.muli %while3A_385, %mul3A_393 : i32
          %swap3A = arith.index_cast %mul3A_394 : i32 to index
          %swap3A_395 = tpu.vector_load %arg6[%swap3A] {strides = array<i32>} : memref<1424xi32, #tpu.memory_space<vmem>>, vector<16xi32>,
          tpu.vector_store %arg6[%swap3A], %get3A_392 {strides = array<i32>} : memref<1424xi32, #tpu.memory_space<vmem>>, vector<16xi32>,
          %mul3A_396 = arith.constant 128 : i32
          %mul3A_397 = arith.muli %select_n3A_329, %mul3A_396 : i32
          %mul3A_398 = arith.constant 16 : i32
          %mul3A_399 = arith.muli %while3A_385, %mul3A_398 : i32
          %add3A_400 = arith.addi %mul3A_397, %mul3A_399 : i32
          %get3A_401 = arith.index_cast %add3A_400 : i32 to index
          %get3A_402 = tpu.vector_load %arg5[%get3A_401] {strides = array<i32>} : memref<1424xi32, #tpu.memory_space<vmem>>, vector<16xi32>,
          %mul3A_403 = arith.constant 16 : i32
          %mul3A_404 = arith.muli %while3A_385, %mul3A_403 : i32
          %swap3A_405 = arith.index_cast %mul3A_404 : i32 to index
          %swap3A_406 = tpu.vector_load %arg5[%swap3A_405] {strides = array<i32>} : memref<1424xi32, #tpu.memory_space<vmem>>, vector<16xi32>,
          tpu.vector_store %arg5[%swap3A_405], %get3A_402 {strides = array<i32>} : memref<1424xi32, #tpu.memory_space<vmem>>, vector<16xi32>,
          %while3A_407 = arith.constant 0 : i32
          scf.yield %while3A_407 : i32
        }
        %while3A_383 = arith.constant 1 : i32
        %while3A_384 = scf.for %while3A_385 = %while3A_380 to %while3A_376 step %while3A_383 iter_args(%while3A_386 = %while3A_382) -> (i32)  : i32 {
          %mul3A_387 = arith.constant 128 : i32
          %mul3A_388 = arith.muli %select_n3A_329, %mul3A_387 : i32
          %mul3A_389 = arith.constant 16 : i32
          %mul3A_390 = arith.muli %while3A_385, %mul3A_389 : i32
          %add3A_391 = arith.addi %mul3A_388, %mul3A_390 : i32
          %get3A = arith.index_cast %add3A_391 : i32 to index
          %get3A_392 = tpu.vector_load %arg6[%get3A] {strides = array<i32>} : memref<1424xi32, #tpu.memory_space<vmem>>, vector<16xi32>,
          %mul3A_393 = arith.constant 16 : i32
          %mul3A_394 = arith.muli %while3A_385, %mul3A_393 : i32
          %swap3A = arith.index_cast %mul3A_394 : i32 to index
          %swap3A_395 = tpu.vector_load %arg6[%swap3A] {strides = array<i32>} : memref<1424xi32, #tpu.memory_space<vmem>>, vector<16xi32>,
          tpu.vector_store %arg6[%swap3A], %get3A_392 {strides = array<i32>} : memref<1424xi32, #tpu.memory_space<vmem>>, vector<16xi32>,
          %mul3A_396 = arith.constant 128 : i32
          %mul3A_397 = arith.muli %select_n3A_329, %mul3A_396 : i32
          %mul3A_398 = arith.constant 16 : i32
          %mul3A_399 = arith.muli %while3A_385, %mul3A_398 : i32
          %add3A_400 = arith.addi %mul3A_397, %mul3A_399 : i32
          %get3A_401 = arith.index_cast %add3A_400 : i32 to index
          %get3A_402 = tpu.vector_load %arg5[%get3A_401] {strides = array<i32>} : memref<1424xi32, #tpu.memory_space<vmem>>, vector<16xi32>,
          %mul3A_403 = arith.constant 16 : i32
          %mul3A_404 = arith.muli %while3A_385, %mul3A_403 : i32
          %swap3A_405 = arith.index_cast %mul3A_404 : i32 to index
          %swap3A_406 = tpu.vector_load %arg5[%swap3A_405] {strides = array<i32>} : memref<1424xi32, #tpu.memory_space<vmem>>, vector<16xi32>,
          tpu.vector_store %arg5[%swap3A_405], %get3A_402 {strides = array<i32>} : memref<1424xi32, #tpu.memory_space<vmem>>, vector<16xi32>,
          %while3A_407 = arith.constant 0 : i32
          scf.yield %while3A_407 : i32
        }
        scf.yield %sub3A_344 : i32
      }
      %scan3A_41 = arith.constant 20 : i32
      %min3A_42 = arith.constant 39 : i32
      %min3A_43 = arith.constant 39 : i32
      %min3A_44 = arith.minsi %min3A_42, %min3A_43 : i32
      %mul3A_45 = arith.constant 51200 : i32
      %mul3A_46 = arith.muli %arg1, %mul3A_45 : i32
      %mul3A_47 = arith.constant 1280 : i32
      %mul3A_48 = arith.muli %min3A_44, %mul3A_47 : i32
      %add3A_49 = arith.addi %mul3A_46, %mul3A_48 : i32
      %dma_wait3A = arith.constant 0 : i32
      %dma_wait3A_50 = tpu.memref_slice %arg3[%dma_wait3A, %add3A_49] : memref<2x819200xi32, #tpu.memory_space<hbm>> -> memref<2x1280xi32, #tpu.memory_space<hbm>>
      %dma_wait3A_51 = arith.constant 0 : i32
      %dma_wait3A_52 = tpu.memref_slice %arg3[%dma_wait3A_51, %add3A_49] : memref<2x819200xi32, #tpu.memory_space<hbm>> -> memref<2x1280xi32, #tpu.memory_space<hbm>>
      tpu.wait_dma2 semaphore(%arg19 : memref<!tpu.dma_semaphore, #tpu.memory_space<semaphore_mem>>) src(%dma_wait3A_52 : memref<2x1280xi32, #tpu.memory_space<hbm>>) dst(%arg7 : memref<2x1280xi32, #tpu.memory_space<vmem>>)
      %add3A_53 = arith.constant 0 : i32
      %add3A_54 = arith.addi %scan3A_40, %add3A_53 : i32
      %add3A_55 = vector.broadcast %add3A_54 : i32 to vector<16xi32>
      %add3A_56 = arith.addi %add3A_55, %iota3A : vector<16xi32>
      %broadcast_in_dim3A = arith.constant 12160 : i32
      %broadcast_in_dim3A_57 = vector.broadcast %broadcast_in_dim3A : i32 to vector<16xi32>
      tpu.vector_store_idx %arg6[%add3A_56], %broadcast_in_dim3A_57 : memref<1424xi32, #tpu.memory_space<vmem>>[vector<16xi32>], vector<16xi32>,
      %broadcast_in_dim3A_58 = arith.constant 0 : i32
      %broadcast_in_dim3A_59 = vector.broadcast %broadcast_in_dim3A_58 : i32 to vector<16xi32>
      tpu.vector_store_idx %arg5[%add3A_56], %broadcast_in_dim3A_59 : memref<1424xi32, #tpu.memory_space<vmem>>[vector<16xi32>], vector<16xi32>,
      %add3A_60 = arith.constant 16 : i32
      %add3A_61 = arith.addi %scan3A_40, %add3A_60 : i32
      %add3A_62 = vector.broadcast %add3A_61 : i32 to vector<16xi32>
      %add3A_63 = arith.addi %add3A_62, %iota3A : vector<16xi32>
      %broadcast_in_dim3A_64 = arith.constant 12160 : i32
      %broadcast_in_dim3A_65 = vector.broadcast %broadcast_in_dim3A_64 : i32 to vector<16xi32>
      tpu.vector_store_idx %arg6[%add3A_63], %broadcast_in_dim3A_65 : memref<1424xi32, #tpu.memory_space<vmem>>[vector<16xi32>], vector<16xi32>,
      %broadcast_in_dim3A_66 = arith.constant 0 : i32
      %broadcast_in_dim3A_67 = vector.broadcast %broadcast_in_dim3A_66 : i32 to vector<16xi32>
      tpu.vector_store_idx %arg5[%add3A_63], %broadcast_in_dim3A_67 : memref<1424xi32, #tpu.memory_space<vmem>>[vector<16xi32>], vector<16xi32>,
      %add3A_68 = arith.constant 32 : i32
      %add3A_69 = arith.addi %scan3A_40, %add3A_68 : i32
      %add3A_70 = vector.broadcast %add3A_69 : i32 to vector<16xi32>
      %add3A_71 = arith.addi %add3A_70, %iota3A : vector<16xi32>
      %broadcast_in_dim3A_72 = arith.constant 12160 : i32
      %broadcast_in_dim3A_73 = vector.broadcast %broadcast_in_dim3A_72 : i32 to vector<16xi32>
      tpu.vector_store_idx %arg6[%add3A_71], %broadcast_in_dim3A_73 : memref<1424xi32, #tpu.memory_space<vmem>>[vector<16xi32>], vector<16xi32>,
      %broadcast_in_dim3A_74 = arith.constant 0 : i32
      %broadcast_in_dim3A_75 = vector.broadcast %broadcast_in_dim3A_74 : i32 to vector<16xi32>
      tpu.vector_store_idx %arg5[%add3A_71], %broadcast_in_dim3A_75 : memref<1424xi32, #tpu.memory_space<vmem>>[vector<16xi32>], vector<16xi32>,
      %add3A_76 = arith.constant 48 : i32
      %add3A_77 = arith.addi %scan3A_40, %add3A_76 : i32
      %add3A_78 = vector.broadcast %add3A_77 : i32 to vector<16xi32>
      %add3A_79 = arith.addi %add3A_78, %iota3A : vector<16xi32>
      %broadcast_in_dim3A_80 = arith.constant 12160 : i32
      %broadcast_in_dim3A_81 = vector.broadcast %broadcast_in_dim3A_80 : i32 to vector<16xi32>
      tpu.vector_store_idx %arg6[%add3A_79], %broadcast_in_dim3A_81 : memref<1424xi32, #tpu.memory_space<vmem>>[vector<16xi32>], vector<16xi32>,
      %broadcast_in_dim3A_82 = arith.constant 0 : i32
      %broadcast_in_dim3A_83 = vector.broadcast %broadcast_in_dim3A_82 : i32 to vector<16xi32>
      tpu.vector_store_idx %arg5[%add3A_79], %broadcast_in_dim3A_83 : memref<1424xi32, #tpu.memory_space<vmem>>[vector<16xi32>], vector<16xi32>,
      %add3A_84 = arith.constant 64 : i32
      %add3A_85 = arith.addi %scan3A_40, %add3A_84 : i32
      %add3A_86 = vector.broadcast %add3A_85 : i32 to vector<16xi32>
      %add3A_87 = arith.addi %add3A_86, %iota3A : vector<16xi32>
      %broadcast_in_dim3A_88 = arith.constant 12160 : i32
      %broadcast_in_dim3A_89 = vector.broadcast %broadcast_in_dim3A_88 : i32 to vector<16xi32>
      tpu.vector_store_idx %arg6[%add3A_87], %broadcast_in_dim3A_89 : memref<1424xi32, #tpu.memory_space<vmem>>[vector<16xi32>], vector<16xi32>,
      %broadcast_in_dim3A_90 = arith.constant 0 : i32
      %broadcast_in_dim3A_91 = vector.broadcast %broadcast_in_dim3A_90 : i32 to vector<16xi32>
      tpu.vector_store_idx %arg5[%add3A_87], %broadcast_in_dim3A_91 : memref<1424xi32, #tpu.memory_space<vmem>>[vector<16xi32>], vector<16xi32>,
      %add3A_92 = arith.constant 80 : i32
      %add3A_93 = arith.addi %scan3A_40, %add3A_92 : i32
      %add3A_94 = vector.broadcast %add3A_93 : i32 to vector<16xi32>
      %add3A_95 = arith.addi %add3A_94, %iota3A : vector<16xi32>
      %broadcast_in_dim3A_96 = arith.constant 12160 : i32
      %broadcast_in_dim3A_97 = vector.broadcast %broadcast_in_dim3A_96 : i32 to vector<16xi32>
      tpu.vector_store_idx %arg6[%add3A_95], %broadcast_in_dim3A_97 : memref<1424xi32, #tpu.memory_space<vmem>>[vector<16xi32>], vector<16xi32>,
      %broadcast_in_dim3A_98 = arith.constant 0 : i32
      %broadcast_in_dim3A_99 = vector.broadcast %broadcast_in_dim3A_98 : i32 to vector<16xi32>
      tpu.vector_store_idx %arg5[%add3A_95], %broadcast_in_dim3A_99 : memref<1424xi32, #tpu.memory_space<vmem>>[vector<16xi32>], vector<16xi32>,
      %add3A_100 = arith.constant 96 : i32
      %add3A_101 = arith.addi %scan3A_40, %add3A_100 : i32
      %add3A_102 = vector.broadcast %add3A_101 : i32 to vector<16xi32>
      %add3A_103 = arith.addi %add3A_102, %iota3A : vector<16xi32>
      %broadcast_in_dim3A_104 = arith.constant 12160 : i32
      %broadcast_in_dim3A_105 = vector.broadcast %broadcast_in_dim3A_104 : i32 to vector<16xi32>
      tpu.vector_store_idx %arg6[%add3A_103], %broadcast_in_dim3A_105 : memref<1424xi32, #tpu.memory_space<vmem>>[vector<16xi32>], vector<16xi32>,
      %broadcast_in_dim3A_106 = arith.constant 0 : i32
      %broadcast_in_dim3A_107 = vector.broadcast %broadcast_in_dim3A_106 : i32 to vector<16xi32>
      tpu.vector_store_idx %arg5[%add3A_103], %broadcast_in_dim3A_107 : memref<1424xi32, #tpu.memory_space<vmem>>[vector<16xi32>], vector<16xi32>,
      %add3A_108 = arith.constant 112 : i32
      %add3A_109 = arith.addi %scan3A_40, %add3A_108 : i32
      %add3A_110 = vector.broadcast %add3A_109 : i32 to vector<16xi32>
      %add3A_111 = arith.addi %add3A_110, %iota3A : vector<16xi32>
      %broadcast_in_dim3A_112 = arith.constant 12160 : i32
      %broadcast_in_dim3A_113 = vector.broadcast %broadcast_in_dim3A_112 : i32 to vector<16xi32>
      tpu.vector_store_idx %arg6[%add3A_111], %broadcast_in_dim3A_113 : memref<1424xi32, #tpu.memory_space<vmem>>[vector<16xi32>], vector<16xi32>,
      %broadcast_in_dim3A_114 = arith.constant 0 : i32
      %broadcast_in_dim3A_115 = vector.broadcast %broadcast_in_dim3A_114 : i32 to vector<16xi32>
      tpu.vector_store_idx %arg5[%add3A_111], %broadcast_in_dim3A_115 : memref<1424xi32, #tpu.memory_space<vmem>>[vector<16xi32>], vector<16xi32>,
      %add3A_116 = arith.constant 128 : i32
      %add3A_117 = arith.addi %scan3A_40, %add3A_116 : i32
      %sub3A = arith.constant 1 : i32
      %sub3A_118 = arith.subi %add3A_117, %sub3A : i32
      %jit3A = arith.constant 128 : i32
      %div3A = arith.divsi %sub3A_118, %jit3A : i32
      %sign3A = arith.constant 0 : i32
      %sign3A_119 = arith.cmpi sgt, %sub3A_118, %sign3A : i32
      %sign3A_120 = arith.extui %sign3A_119 : i1 to i32
      %sign3A_121 = arith.constant 0 : i32
      %sign3A_122 = arith.cmpi slt, %sub3A_118, %sign3A_121 : i32
      %sign3A_123 = arith.extui %sign3A_122 : i1 to i32
      %sign3A_124 = arith.subi %sign3A_120, %sign3A_123 : i32
      %sign3A_125 = arith.constant 0 : i32
      %sign3A_126 = arith.cmpi sgt, %jit3A, %sign3A_125 : i32
      %sign3A_127 = arith.extui %sign3A_126 : i1 to i32
      %sign3A_128 = arith.constant 0 : i32
      %sign3A_129 = arith.cmpi slt, %jit3A, %sign3A_128 : i32
      %sign3A_130 = arith.extui %sign3A_129 : i1 to i32
      %sign3A_131 = arith.subi %sign3A_127, %sign3A_130 : i32
      %ne3A = arith.cmpi ne, %sign3A_124, %sign3A_131 : i32
      %rem3A = arith.remsi %sub3A_118, %jit3A : i32
      %ne3A_132 = arith.constant 0 : i32
      %ne3A_133 = arith.cmpi ne, %rem3A, %ne3A_132 : i32
      %and3A = arith.andi %ne3A, %ne3A_133 : i1
      %sub3A_134 = arith.constant 1 : i32
      %sub3A_135 = arith.subi %div3A, %sub3A_134 : i32
      %select_n3A = arith.select %and3A, %sub3A_135, %div3A : i32
      %while3A = arith.constant 0 : i32
      %while3A_136 = arith.constant 0 : i32
      %while3A_137 = arith.subi %select_n3A, %while3A : i32
      %while3A_138 = arith.addi %while3A, %while3A_137 : i32
      %while3A_139 = arith.constant 1 : i32
      %while3A_140 = arith.divsi %while3A_137, %while3A_139 : i32
      %while3A_141 = arith.muli %while3A_140, %while3A_139 : i32
      %while3A_142 = arith.addi %while3A, %while3A_141 : i32
      %while3A_143 = arith.constant 1 : i32
      %while3A_144 = scf.for %while3A_155 = %while3A to %while3A_142 step %while3A_143 iter_args(%while3A_156 = %while3A_136) -> (i32)  : i32 {
        %scan3A_157 = arith.constant 0 : i32
        %scan3A_158 = arith.constant 0 : i32
        %scan3A_159 = arith.constant 4 : i32
        %scan3A_160 = arith.addi %scan3A_158, %scan3A_159 : i32
        %scan3A_161 = arith.constant 1 : i32
        %scan3A_162 = scf.for %scan3A_177 = %scan3A_158 to %scan3A_160 step %scan3A_161 iter_args(%scan3A_178 = %scan3A_157) -> (i32)  : i32 {
          %mul3A_179 = arith.constant 128 : i32
          %mul3A_180 = arith.muli %while3A_155, %mul3A_179 : i32
          %mul3A_181 = arith.constant 16 : i32
          %mul3A_182 = arith.muli %scan3A_177, %mul3A_181 : i32
          %add3A_183 = arith.addi %mul3A_180, %mul3A_182 : i32
          %get3A = arith.index_cast %add3A_183 : i32 to index
          %get3A_184 = tpu.vector_load %arg5[%get3A] {strides = array<i32>} : memref<1424xi32, #tpu.memory_space<vmem>>, vector<16xi32>,
          %mul3A_185 = arith.constant 16 : i32
          %mul3A_186 = arith.muli %scan3A_177, %mul3A_185 : i32
          %swap3A = arith.index_cast %mul3A_186 : i32 to index
          %swap3A_187 = tpu.vector_load %arg9[%swap3A] {strides = array<i32>} : memref<64xi32, #tpu.memory_space<vmem>>, vector<16xi32>,
          tpu.vector_store %arg9[%swap3A], %get3A_184 {strides = array<i32>} : memref<64xi32, #tpu.memory_space<vmem>>, vector<16xi32>,
          %mul3A_188 = arith.constant 128 : i32
          %mul3A_189 = arith.muli %while3A_155, %mul3A_188 : i32
          %mul3A_190 = arith.constant 16 : i32
          %mul3A_191 = arith.muli %scan3A_177, %mul3A_190 : i32
          %add3A_192 = arith.addi %mul3A_189, %mul3A_191 : i32
          %get3A_193 = arith.index_cast %add3A_192 : i32 to index
          %get3A_194 = tpu.vector_load %arg6[%get3A_193] {strides = array<i32>} : memref<1424xi32, #tpu.memory_space<vmem>>, vector<16xi32>,
          %mul3A_195 = arith.constant 16 : i32
          %mul3A_196 = arith.muli %scan3A_177, %mul3A_195 : i32
          %swap3A_197 = arith.index_cast %mul3A_196 : i32 to index
          %swap3A_198 = tpu.vector_load %arg10[%swap3A_197] {strides = array<i32>} : memref<64xi32, #tpu.memory_space<vmem>>, vector<16xi32>,
          tpu.vector_store %arg10[%swap3A_197], %get3A_194 {strides = array<i32>} : memref<64xi32, #tpu.memory_space<vmem>>, vector<16xi32>,
          %mul3A_199 = arith.constant 128 : i32
          %mul3A_200 = arith.muli %while3A_155, %mul3A_199 : i32
          %add3A_201 = arith.constant 64 : i32
          %add3A_202 = arith.addi %mul3A_200, %add3A_201 : i32
          %mul3A_203 = arith.constant 16 : i32
          %mul3A_204 = arith.muli %scan3A_177, %mul3A_203 : i32
          %add3A_205 = arith.addi %add3A_202, %mul3A_204 : i32
          %get3A_206 = arith.index_cast %add3A_205 : i32 to index
          %get3A_207 = tpu.vector_load %arg5[%get3A_206] {strides = array<i32>} : memref<1424xi32, #tpu.memory_space<vmem>>, vector<16xi32>,
          %mul3A_208 = arith.constant 16 : i32
          %mul3A_209 = arith.muli %scan3A_177, %mul3A_208 : i32
          %swap3A_210 = arith.index_cast %mul3A_209 : i32 to index
          %swap3A_211 = tpu.vector_load %arg11[%swap3A_210] {strides = array<i32>} : memref<64xi32, #tpu.memory_space<vmem>>, vector<16xi32>,
          tpu.vector_store %arg11[%swap3A_210], %get3A_207 {strides = array<i32>} : memref<64xi32, #tpu.memory_space<vmem>>, vector<16xi32>,
          %mul3A_212 = arith.constant 128 : i32
          %mul3A_213 = arith.muli %while3A_155, %mul3A_212 : i32
          %add3A_214 = arith.constant 64 : i32
          %add3A_215 = arith.addi %mul3A_213, %add3A_214 : i32
          %mul3A_216 = arith.constant 16 : i32
          %mul3A_217 = arith.muli %scan3A_177, %mul3A_216 : i32
          %add3A_218 = arith.addi %add3A_215, %mul3A_217 : i32
          %get3A_219 = arith.index_cast %add3A_218 : i32 to index
          %get3A_220 = tpu.vector_load %arg6[%get3A_219] {strides = array<i32>} : memref<1424xi32, #tpu.memory_space<vmem>>, vector<16xi32>,
          %mul3A_221 = arith.constant 16 : i32
          %mul3A_222 = arith.muli %scan3A_177, %mul3A_221 : i32
          %swap3A_223 = arith.index_cast %mul3A_222 : i32 to index
          %swap3A_224 = tpu.vector_load %arg12[%swap3A_223] {strides = array<i32>} : memref<64xi32, #tpu.memory_space<vmem>>, vector<16xi32>,
          tpu.vector_store %arg12[%swap3A_223], %get3A_220 {strides = array<i32>} : memref<64xi32, #tpu.memory_space<vmem>>, vector<16xi32>,
          %scan3A_225 = arith.constant 0 : i32
          scf.yield %scan3A_225 : i32
        }
        %scan3A_163 = arith.constant 4 : i32
        %dma_start3A_164 = arith.constant 0 : i32
        %dma_start3A_165 = arith.constant 0 : i32
        %dma_start3A_166 = tpu.memref_slice %arg2[%dma_start3A_164, %dma_start3A_165] : memref<50176x128xf32, #tpu.memory_space<hbm>> -> memref<50176x128xf32, #tpu.memory_space<hbm>>
        tpu.enqueue_indirect_dma source(%dma_start3A_166 : memref<50176x128xf32, #tpu.memory_space<hbm>>) target(%arg13 : memref<64x128xf32, #tpu.memory_space<vmem>>) offsets(%arg9 : memref<64xi32, #tpu.memory_space<vmem>>) semaphore(%arg17 : memref<!tpu.dma_semaphore, #tpu.memory_space<semaphore_mem>>)
        %dma_start3A_167 = arith.constant 0 : i32
        %dma_start3A_168 = arith.constant 0 : i32
        %dma_start3A_169 = tpu.memref_slice %arg2[%dma_start3A_167, %dma_start3A_168] : memref<50176x128xf32, #tpu.memory_space<hbm>> -> memref<50176x128xf32, #tpu.memory_space<hbm>>
        tpu.enqueue_indirect_dma source(%dma_start3A_169 : memref<50176x128xf32, #tpu.memory_space<hbm>>) target(%arg14 : memref<64x128xf32, #tpu.memory_space<vmem>>) offsets(%arg11 : memref<64xi32, #tpu.memory_space<vmem>>) semaphore(%arg18 : memref<!tpu.dma_semaphore, #tpu.memory_space<semaphore_mem>>)
        %dma_wait3A_170 = arith.constant 0 : i32
        %dma_wait3A_171 = arith.constant 0 : i32
        %dma_wait3A_172 = tpu.memref_slice %arg2[%dma_wait3A_170, %dma_wait3A_171] : memref<50176x128xf32, #tpu.memory_space<hbm>> -> memref<50176x128xf32, #tpu.memory_space<hbm>>
        tpu.wait_indirect_dma semaphore(%arg17 : memref<!tpu.dma_semaphore, #tpu.memory_space<semaphore_mem>>) src(%dma_wait3A_172 : memref<50176x128xf32, #tpu.memory_space<hbm>>) dst(%arg13 : memref<64x128xf32, #tpu.memory_space<vmem>>)
        "tpu.region"() ({
          %run_scoped3A = tpu.sem_alloc : memref<!tpu.dma_semaphore, #tpu.memory_space<semaphore_mem>>
          %dma_start3A_177 = arith.constant 0 : i32
          %dma_start3A_178 = arith.constant 0 : i32
          %dma_start3A_179 = tpu.memref_slice %arg16[%dma_start3A_177, %dma_start3A_178] : memref<12288x128xf32, #tpu.memory_space<vmem_shared>> -> memref<12288x128xf32, #tpu.memory_space<vmem_shared>>
          tpu.enqueue_indirect_dma source(%arg13 : memref<64x128xf32, #tpu.memory_space<vmem>>) target(%dma_start3A_179 : memref<12288x128xf32, #tpu.memory_space<vmem_shared>>) offsets(%arg10 : memref<64xi32, #tpu.memory_space<vmem>>) semaphore(%run_scoped3A : memref<!tpu.dma_semaphore, #tpu.memory_space<semaphore_mem>>) {add = true}
          %dma_wait3A_180 = arith.constant 0 : i32
          %dma_wait3A_181 = arith.constant 0 : i32
          %dma_wait3A_182 = tpu.memref_slice %arg16[%dma_wait3A_180, %dma_wait3A_181] : memref<12288x128xf32, #tpu.memory_space<vmem_shared>> -> memref<12288x128xf32, #tpu.memory_space<vmem_shared>>
          tpu.wait_indirect_dma semaphore(%run_scoped3A : memref<!tpu.dma_semaphore, #tpu.memory_space<semaphore_mem>>) src(%arg13 : memref<64x128xf32, #tpu.memory_space<vmem>>) dst(%dma_wait3A_182 : memref<12288x128xf32, #tpu.memory_space<vmem_shared>>)
          tpu.yield
        }) : () -> ()
        %dma_wait3A_173 = arith.constant 0 : i32
        %dma_wait3A_174 = arith.constant 0 : i32
        %dma_wait3A_175 = tpu.memref_slice %arg2[%dma_wait3A_173, %dma_wait3A_174] : memref<50176x128xf32, #tpu.memory_space<hbm>> -> memref<50176x128xf32, #tpu.memory_space<hbm>>
        tpu.wait_indirect_dma semaphore(%arg18 : memref<!tpu.dma_semaphore, #tpu.memory_space<semaphore_mem>>) src(%dma_wait3A_175 : memref<50176x128xf32, #tpu.memory_space<hbm>>) dst(%arg14 : memref<64x128xf32, #tpu.memory_space<vmem>>)
        "tpu.region"() ({
          %run_scoped3A = tpu.sem_alloc : memref<!tpu.dma_semaphore, #tpu.memory_space<semaphore_mem>>
          %dma_start3A_177 = arith.constant 0 : i32
          %dma_start3A_178 = arith.constant 0 : i32
          %dma_start3A_179 = tpu.memref_slice %arg16[%dma_start3A_177, %dma_start3A_178] : memref<12288x128xf32, #tpu.memory_space<vmem_shared>> -> memref<12288x128xf32, #tpu.memory_space<vmem_shared>>
          tpu.enqueue_indirect_dma source(%arg14 : memref<64x128xf32, #tpu.memory_space<vmem>>) target(%dma_start3A_179 : memref<12288x128xf32, #tpu.memory_space<vmem_shared>>) offsets(%arg12 : memref<64xi32, #tpu.memory_space<vmem>>) semaphore(%run_scoped3A : memref<!tpu.dma_semaphore, #tpu.memory_space<semaphore_mem>>) {add = true}
          %dma_wait3A_180 = arith.constant 0 : i32
          %dma_wait3A_181 = arith.constant 0 : i32
          %dma_wait3A_182 = tpu.memref_slice %arg16[%dma_wait3A_180, %dma_wait3A_181] : memref<12288x128xf32, #tpu.memory_space<vmem_shared>> -> memref<12288x128xf32, #tpu.memory_space<vmem_shared>>
          tpu.wait_indirect_dma semaphore(%run_scoped3A : memref<!tpu.dma_semaphore, #tpu.memory_space<semaphore_mem>>) src(%arg14 : memref<64x128xf32, #tpu.memory_space<vmem>>) dst(%dma_wait3A_182 : memref<12288x128xf32, #tpu.memory_space<vmem_shared>>)
          tpu.yield
        }) : () -> ()
        %while3A_176 = arith.constant 0 : i32
        scf.yield %while3A_176 : i32
      }
      %while3A_145 = arith.constant 1 : i32
      %while3A_146 = scf.for %while3A_155 = %while3A_142 to %while3A_138 step %while3A_145 iter_args(%while3A_156 = %while3A_144) -> (i32)  : i32 {
        %scan3A_157 = arith.constant 0 : i32
        %scan3A_158 = arith.constant 0 : i32
        %scan3A_159 = arith.constant 4 : i32
        %scan3A_160 = arith.addi %scan3A_158, %scan3A_159 : i32
        %scan3A_161 = arith.constant 1 : i32
        %scan3A_162 = scf.for %scan3A_177 = %scan3A_158 to %scan3A_160 step %scan3A_161 iter_args(%scan3A_178 = %scan3A_157) -> (i32)  : i32 {
          %mul3A_179 = arith.constant 128 : i32
          %mul3A_180 = arith.muli %while3A_155, %mul3A_179 : i32
          %mul3A_181 = arith.constant 16 : i32
          %mul3A_182 = arith.muli %scan3A_177, %mul3A_181 : i32
          %add3A_183 = arith.addi %mul3A_180, %mul3A_182 : i32
          %get3A = arith.index_cast %add3A_183 : i32 to index
          %get3A_184 = tpu.vector_load %arg5[%get3A] {strides = array<i32>} : memref<1424xi32, #tpu.memory_space<vmem>>, vector<16xi32>,
          %mul3A_185 = arith.constant 16 : i32
          %mul3A_186 = arith.muli %scan3A_177, %mul3A_185 : i32
          %swap3A = arith.index_cast %mul3A_186 : i32 to index
          %swap3A_187 = tpu.vector_load %arg9[%swap3A] {strides = array<i32>} : memref<64xi32, #tpu.memory_space<vmem>>, vector<16xi32>,
          tpu.vector_store %arg9[%swap3A], %get3A_184 {strides = array<i32>} : memref<64xi32, #tpu.memory_space<vmem>>, vector<16xi32>,
          %mul3A_188 = arith.constant 128 : i32
          %mul3A_189 = arith.muli %while3A_155, %mul3A_188 : i32
          %mul3A_190 = arith.constant 16 : i32
          %mul3A_191 = arith.muli %scan3A_177, %mul3A_190 : i32
          %add3A_192 = arith.addi %mul3A_189, %mul3A_191 : i32
          %get3A_193 = arith.index_cast %add3A_192 : i32 to index
          %get3A_194 = tpu.vector_load %arg6[%get3A_193] {strides = array<i32>} : memref<1424xi32, #tpu.memory_space<vmem>>, vector<16xi32>,
          %mul3A_195 = arith.constant 16 : i32
          %mul3A_196 = arith.muli %scan3A_177, %mul3A_195 : i32
          %swap3A_197 = arith.index_cast %mul3A_196 : i32 to index
          %swap3A_198 = tpu.vector_load %arg10[%swap3A_197] {strides = array<i32>} : memref<64xi32, #tpu.memory_space<vmem>>, vector<16xi32>,
          tpu.vector_store %arg10[%swap3A_197], %get3A_194 {strides = array<i32>} : memref<64xi32, #tpu.memory_space<vmem>>, vector<16xi32>,
          %mul3A_199 = arith.constant 128 : i32
          %mul3A_200 = arith.muli %while3A_155, %mul3A_199 : i32
          %add3A_201 = arith.constant 64 : i32
          %add3A_202 = arith.addi %mul3A_200, %add3A_201 : i32
          %mul3A_203 = arith.constant 16 : i32
          %mul3A_204 = arith.muli %scan3A_177, %mul3A_203 : i32
          %add3A_205 = arith.addi %add3A_202, %mul3A_204 : i32
          %get3A_206 = arith.index_cast %add3A_205 : i32 to index
          %get3A_207 = tpu.vector_load %arg5[%get3A_206] {strides = array<i32>} : memref<1424xi32, #tpu.memory_space<vmem>>, vector<16xi32>,
          %mul3A_208 = arith.constant 16 : i32
          %mul3A_209 = arith.muli %scan3A_177, %mul3A_208 : i32
          %swap3A_210 = arith.index_cast %mul3A_209 : i32 to index
          %swap3A_211 = tpu.vector_load %arg11[%swap3A_210] {strides = array<i32>} : memref<64xi32, #tpu.memory_space<vmem>>, vector<16xi32>,
          tpu.vector_store %arg11[%swap3A_210], %get3A_207 {strides = array<i32>} : memref<64xi32, #tpu.memory_space<vmem>>, vector<16xi32>,
          %mul3A_212 = arith.constant 128 : i32
          %mul3A_213 = arith.muli %while3A_155, %mul3A_212 : i32
          %add3A_214 = arith.constant 64 : i32
          %add3A_215 = arith.addi %mul3A_213, %add3A_214 : i32
          %mul3A_216 = arith.constant 16 : i32
          %mul3A_217 = arith.muli %scan3A_177, %mul3A_216 : i32
          %add3A_218 = arith.addi %add3A_215, %mul3A_217 : i32
          %get3A_219 = arith.index_cast %add3A_218 : i32 to index
          %get3A_220 = tpu.vector_load %arg6[%get3A_219] {strides = array<i32>} : memref<1424xi32, #tpu.memory_space<vmem>>, vector<16xi32>,
          %mul3A_221 = arith.constant 16 : i32
          %mul3A_222 = arith.muli %scan3A_177, %mul3A_221 : i32
          %swap3A_223 = arith.index_cast %mul3A_222 : i32 to index
          %swap3A_224 = tpu.vector_load %arg12[%swap3A_223] {strides = array<i32>} : memref<64xi32, #tpu.memory_space<vmem>>, vector<16xi32>,
          tpu.vector_store %arg12[%swap3A_223], %get3A_220 {strides = array<i32>} : memref<64xi32, #tpu.memory_space<vmem>>, vector<16xi32>,
          %scan3A_225 = arith.constant 0 : i32
          scf.yield %scan3A_225 : i32
        }
        %scan3A_163 = arith.constant 4 : i32
        %dma_start3A_164 = arith.constant 0 : i32
        %dma_start3A_165 = arith.constant 0 : i32
        %dma_start3A_166 = tpu.memref_slice %arg2[%dma_start3A_164, %dma_start3A_165] : memref<50176x128xf32, #tpu.memory_space<hbm>> -> memref<50176x128xf32, #tpu.memory_space<hbm>>
        tpu.enqueue_indirect_dma source(%dma_start3A_166 : memref<50176x128xf32, #tpu.memory_space<hbm>>) target(%arg13 : memref<64x128xf32, #tpu.memory_space<vmem>>) offsets(%arg9 : memref<64xi32, #tpu.memory_space<vmem>>) semaphore(%arg17 : memref<!tpu.dma_semaphore, #tpu.memory_space<semaphore_mem>>)
        %dma_start3A_167 = arith.constant 0 : i32
        %dma_start3A_168 = arith.constant 0 : i32
        %dma_start3A_169 = tpu.memref_slice %arg2[%dma_start3A_167, %dma_start3A_168] : memref<50176x128xf32, #tpu.memory_space<hbm>> -> memref<50176x128xf32, #tpu.memory_space<hbm>>
        tpu.enqueue_indirect_dma source(%dma_start3A_169 : memref<50176x128xf32, #tpu.memory_space<hbm>>) target(%arg14 : memref<64x128xf32, #tpu.memory_space<vmem>>) offsets(%arg11 : memref<64xi32, #tpu.memory_space<vmem>>) semaphore(%arg18 : memref<!tpu.dma_semaphore, #tpu.memory_space<semaphore_mem>>)
        %dma_wait3A_170 = arith.constant 0 : i32
        %dma_wait3A_171 = arith.constant 0 : i32
        %dma_wait3A_172 = tpu.memref_slice %arg2[%dma_wait3A_170, %dma_wait3A_171] : memref<50176x128xf32, #tpu.memory_space<hbm>> -> memref<50176x128xf32, #tpu.memory_space<hbm>>
        tpu.wait_indirect_dma semaphore(%arg17 : memref<!tpu.dma_semaphore, #tpu.memory_space<semaphore_mem>>) src(%dma_wait3A_172 : memref<50176x128xf32, #tpu.memory_space<hbm>>) dst(%arg13 : memref<64x128xf32, #tpu.memory_space<vmem>>)
        "tpu.region"() ({
          %run_scoped3A = tpu.sem_alloc : memref<!tpu.dma_semaphore, #tpu.memory_space<semaphore_mem>>
          %dma_start3A_177 = arith.constant 0 : i32
          %dma_start3A_178 = arith.constant 0 : i32
          %dma_start3A_179 = tpu.memref_slice %arg16[%dma_start3A_177, %dma_start3A_178] : memref<12288x128xf32, #tpu.memory_space<vmem_shared>> -> memref<12288x128xf32, #tpu.memory_space<vmem_shared>>
          tpu.enqueue_indirect_dma source(%arg13 : memref<64x128xf32, #tpu.memory_space<vmem>>) target(%dma_start3A_179 : memref<12288x128xf32, #tpu.memory_space<vmem_shared>>) offsets(%arg10 : memref<64xi32, #tpu.memory_space<vmem>>) semaphore(%run_scoped3A : memref<!tpu.dma_semaphore, #tpu.memory_space<semaphore_mem>>) {add = true}
          %dma_wait3A_180 = arith.constant 0 : i32
          %dma_wait3A_181 = arith.constant 0 : i32
          %dma_wait3A_182 = tpu.memref_slice %arg16[%dma_wait3A_180, %dma_wait3A_181] : memref<12288x128xf32, #tpu.memory_space<vmem_shared>> -> memref<12288x128xf32, #tpu.memory_space<vmem_shared>>
          tpu.wait_indirect_dma semaphore(%run_scoped3A : memref<!tpu.dma_semaphore, #tpu.memory_space<semaphore_mem>>) src(%arg13 : memref<64x128xf32, #tpu.memory_space<vmem>>) dst(%dma_wait3A_182 : memref<12288x128xf32, #tpu.memory_space<vmem_shared>>)
          tpu.yield
        }) : () -> ()
        %dma_wait3A_173 = arith.constant 0 : i32
        %dma_wait3A_174 = arith.constant 0 : i32
        %dma_wait3A_175 = tpu.memref_slice %arg2[%dma_wait3A_173, %dma_wait3A_174] : memref<50176x128xf32, #tpu.memory_space<hbm>> -> memref<50176x128xf32, #tpu.memory_space<hbm>>
        tpu.wait_indirect_dma semaphore(%arg18 : memref<!tpu.dma_semaphore, #tpu.memory_space<semaphore_mem>>) src(%dma_wait3A_175 : memref<50176x128xf32, #tpu.memory_space<hbm>>) dst(%arg14 : memref<64x128xf32, #tpu.memory_space<vmem>>)
        "tpu.region"() ({
          %run_scoped3A = tpu.sem_alloc : memref<!tpu.dma_semaphore, #tpu.memory_space<semaphore_mem>>
          %dma_start3A_177 = arith.constant 0 : i32
          %dma_start3A_178 = arith.constant 0 : i32
          %dma_start3A_179 = tpu.memref_slice %arg16[%dma_start3A_177, %dma_start3A_178] : memref<12288x128xf32, #tpu.memory_space<vmem_shared>> -> memref<12288x128xf32, #tpu.memory_space<vmem_shared>>
          tpu.enqueue_indirect_dma source(%arg14 : memref<64x128xf32, #tpu.memory_space<vmem>>) target(%dma_start3A_179 : memref<12288x128xf32, #tpu.memory_space<vmem_shared>>) offsets(%arg12 : memref<64xi32, #tpu.memory_space<vmem>>) semaphore(%run_scoped3A : memref<!tpu.dma_semaphore, #tpu.memory_space<semaphore_mem>>) {add = true}
          %dma_wait3A_180 = arith.constant 0 : i32
          %dma_wait3A_181 = arith.constant 0 : i32
          %dma_wait3A_182 = tpu.memref_slice %arg16[%dma_wait3A_180, %dma_wait3A_181] : memref<12288x128xf32, #tpu.memory_space<vmem_shared>> -> memref<12288x128xf32, #tpu.memory_space<vmem_shared>>
          tpu.wait_indirect_dma semaphore(%run_scoped3A : memref<!tpu.dma_semaphore, #tpu.memory_space<semaphore_mem>>) src(%arg14 : memref<64x128xf32, #tpu.memory_space<vmem>>) dst(%dma_wait3A_182 : memref<12288x128xf32, #tpu.memory_space<vmem_shared>>)
          tpu.yield
        }) : () -> ()
        %while3A_176 = arith.constant 0 : i32
        scf.yield %while3A_176 : i32
      }
      %barrier3A_147 = arith.constant 0 : index
      tpu.barrier barrier_id(%barrier3A_147)
      %mul3A_148 = arith.constant 760 : i32
      %mul3A_149 = arith.muli %arg1, %mul3A_148 : i32
      %mul3A_150 = arith.constant 760 : i32
      %mul3A_151 = arith.muli %arg1, %mul3A_150 : i32
      %add3A_152 = arith.addi %mul3A_17, %mul3A_151 : i32
      "tpu.region"() ({
        %run_scoped3A = tpu.sem_alloc : memref<!tpu.dma_semaphore, #tpu.memory_space<semaphore_mem>>
        %dma_start3A_155 = arith.constant 0 : i32
        %dma_start3A_156 = tpu.memref_slice %arg4[%add3A_152, %dma_start3A_155] : memref<218880x128xf32, #tpu.memory_space<hbm>> -> memref<760x128xf32, #tpu.memory_space<hbm>>
        %dma_start3A_157 = arith.constant 0 : i32
        %dma_start3A_158 = tpu.memref_slice %arg16[%mul3A_149, %dma_start3A_157] : memref<12288x128xf32, #tpu.memory_space<vmem_shared>> -> memref<760x128xf32, #tpu.memory_space<vmem_shared>>
        tpu.enqueue_dma source(%dma_start3A_158 : memref<760x128xf32, #tpu.memory_space<vmem_shared>>) target(%dma_start3A_156 : memref<760x128xf32, #tpu.memory_space<hbm>>) target_semaphore(%run_scoped3A : memref<!tpu.dma_semaphore, #tpu.memory_space<semaphore_mem>>)
        %dma_wait3A_159 = arith.constant 0 : i32
        %dma_wait3A_160 = tpu.memref_slice %arg4[%add3A_152, %dma_wait3A_159] : memref<218880x128xf32, #tpu.memory_space<hbm>> -> memref<760x128xf32, #tpu.memory_space<hbm>>
        %dma_wait3A_161 = arith.constant 0 : i32
        %dma_wait3A_162 = tpu.memref_slice %arg16[%mul3A_149, %dma_wait3A_161] : memref<12288x128xf32, #tpu.memory_space<vmem_shared>> -> memref<760x128xf32, #tpu.memory_space<vmem_shared>>
        tpu.wait_dma2 semaphore(%run_scoped3A : memref<!tpu.dma_semaphore, #tpu.memory_space<semaphore_mem>>) src(%dma_wait3A_162 : memref<760x128xf32, #tpu.memory_space<vmem_shared>>) dst(%dma_wait3A_160 : memref<760x128xf32, #tpu.memory_space<hbm>>)
        tpu.yield
      }) : () -> ()
      %barrier3A_153 = arith.constant 0 : index
      tpu.barrier barrier_id(%barrier3A_153)
      %scan3A_154 = arith.constant 0 : i32
      scf.yield %scan3A_154 : i32
    }
    %scan3A_12 = arith.constant 9 : i32
    return
  }
}

module attributes {stable_mosaic.version = 14 : i64} {
  func.func @body(%arg0: i32, %arg1: memref<1024x1xf32, #tpu.memory_space<vmem>>, %arg2: memref<2x1024x4xf32, #tpu.memory_space<vmem>>, %arg3: memref<2x1024x4xf32, #tpu.memory_space<vmem>>, %arg4: memref<1024x1xf32, #tpu.memory_space<vmem>>, %arg5: memref<1x1024xf32, #tpu.memory_space<vmem>>, %arg6: memref<4x128xf32, #tpu.memory_space<vmem>>, %arg7: memref<1x128xf32, #tpu.memory_space<vmem>>, %arg8: memref<1x128xf32, #tpu.memory_space<vmem>>, %arg9: memref<1024x128xf32, #tpu.memory_space<vmem>>, %arg10: memref<64x128xf32, #tpu.memory_space<vmem>>, %arg11: memref<64x128xf32, #tpu.memory_space<vmem>>, %arg12: memref<64x128xf32, #tpu.memory_space<vmem>>) attributes {dimension_semantics = [#tpu.dimension_semantics<arbitrary>], iteration_bounds = array<i64: 49>, scalar_prefetch = 0 : i64, scratch_operands = 0 : i64, tpu.core_type = #tpu.core_type<tc>, window_params = [{transform_indices = @transform_0, window_bounds = array<i64: 1024, 1>}, {transform_indices = @transform_1, window_bounds = array<i64: 2, 1024, 4>}, {transform_indices = @transform_2, window_bounds = array<i64: 2, 1024, 4>}, {transform_indices = @transform_3, window_bounds = array<i64: 1024, 1>}, {transform_indices = @transform_4, window_bounds = array<i64: 1, 1024>}, {pipeline_mode = #tpu.pipeline_mode<synchronous>, transform_indices = @transform_5, window_bounds = array<i64: 4, 128>}, {pipeline_mode = #tpu.pipeline_mode<synchronous>, transform_indices = @transform_6, window_bounds = array<i64: 1, 128>}, {pipeline_mode = #tpu.pipeline_mode<synchronous>, transform_indices = @transform_7, window_bounds = array<i64: 1, 128>}, {transform_indices = @transform_8, window_bounds = array<i64: 1024, 128>}, {pipeline_mode = #tpu.pipeline_mode<synchronous>, transform_indices = @transform_9, window_bounds = array<i64: 64, 128>}, {pipeline_mode = #tpu.pipeline_mode<synchronous>, transform_indices = @transform_10, window_bounds = array<i64: 64, 128>}, {pipeline_mode = #tpu.pipeline_mode<synchronous>, transform_indices = @transform_11, window_bounds = array<i64: 64, 128>}]} {
    %get3A = arith.constant 0 : index
    %get3A_0 = arith.constant 0 : index
    %get3A_1 = vector.load %arg1[%get3A, %get3A_0] : memref<1024x1xf32, #tpu.memory_space<vmem>>, vector<1024x1xf32>
    %get3A_2 = arith.constant 0 : index
    %get3A_3 = arith.constant 0 : index
    %get3A_4 = arith.constant 0 : index
    %get3A_5 = vector.load %arg2[%get3A_2, %get3A_3, %get3A_4] : memref<2x1024x4xf32, #tpu.memory_space<vmem>>, vector<1x1024x4xf32>
    %get3A_6 = vector.shape_cast %get3A_5 : vector<1x1024x4xf32> to vector<1024x4xf32>
    %get3A_7 = arith.constant 1 : index
    %get3A_8 = arith.constant 0 : index
    %get3A_9 = arith.constant 0 : index
    %get3A_10 = vector.load %arg2[%get3A_7, %get3A_8, %get3A_9] : memref<2x1024x4xf32, #tpu.memory_space<vmem>>, vector<1x1024x4xf32>
    %get3A_11 = vector.shape_cast %get3A_10 : vector<1x1024x4xf32> to vector<1024x4xf32>
    %add3A = arith.addf %get3A_6, %get3A_11 : vector<1024x4xf32>
    %get3A_12 = arith.constant 0 : index
    %get3A_13 = arith.constant 0 : index
    %get3A_14 = arith.constant 0 : index
    %get3A_15 = vector.load %arg3[%get3A_12, %get3A_13, %get3A_14] : memref<2x1024x4xf32, #tpu.memory_space<vmem>>, vector<1x1024x4xf32>
    %get3A_16 = vector.shape_cast %get3A_15 : vector<1x1024x4xf32> to vector<1024x4xf32>
    %get3A_17 = arith.constant 1 : index
    %get3A_18 = arith.constant 0 : index
    %get3A_19 = arith.constant 0 : index
    %get3A_20 = vector.load %arg3[%get3A_17, %get3A_18, %get3A_19] : memref<2x1024x4xf32, #tpu.memory_space<vmem>>, vector<1x1024x4xf32>
    %get3A_21 = vector.shape_cast %get3A_20 : vector<1x1024x4xf32> to vector<1024x4xf32>
    %add3A_22 = arith.addf %get3A_16, %get3A_21 : vector<1024x4xf32>
    %max3A = arith.constant 1.000000e+00 : f32
    %max3A_23 = vector.broadcast %max3A : f32 to vector<1024x4xf32>
    %max3A_24 = arith.maximumf %add3A_22, %max3A_23 : vector<1024x4xf32>
    %div3A = arith.divf %add3A, %max3A_24 : vector<1024x4xf32>
    %get3A_25 = arith.constant 0 : index
    %get3A_26 = arith.constant 0 : index
    %get3A_27 = vector.load %arg7[%get3A_25, %get3A_26] : memref<1x128xf32, #tpu.memory_space<vmem>>, vector<1x128xf32>
    %mul3A = vector.broadcast %get3A_1 : vector<1024x1xf32> to vector<1024x128xf32>
    %mul3A_28 = vector.broadcast %get3A_27 : vector<1x128xf32> to vector<1024x128xf32>
    %mul3A_29 = arith.mulf %mul3A, %mul3A_28 : vector<1024x128xf32>
    %get3A_30 = arith.constant 0 : index
    %get3A_31 = arith.constant 0 : index
    %get3A_32 = vector.load %arg6[%get3A_30, %get3A_31] : memref<4x128xf32, #tpu.memory_space<vmem>>, vector<4x128xf32>
    %dot_general3A = arith.constant dense<0.000000e+00> : vector<1024x128xf32>
    %dot_general3A_33 = tpu.matmul %div3A, %get3A_32, %dot_general3A {dimension_numbers = #tpu.dot_dimension_numbers<[1], [0], [0], [1], [0, 0, 1, 1], [], []>, precision = #tpu.contract_precision<fp32>, transpose_lhs_hint = false} : vector<1024x4xf32>, vector<4x128xf32>, vector<1024x128xf32> -> vector<1024x128xf32>
    %add3A_34 = arith.addf %mul3A_29, %dot_general3A_33 : vector<1024x128xf32>
    %get3A_35 = arith.constant 0 : index
    %get3A_36 = arith.constant 0 : index
    %get3A_37 = vector.load %arg8[%get3A_35, %get3A_36] : memref<1x128xf32, #tpu.memory_space<vmem>>, vector<1x128xf32>
    %add3A_38 = vector.broadcast %get3A_37 : vector<1x128xf32> to vector<1024x128xf32>
    %add3A_39 = arith.addf %add3A_34, %add3A_38 : vector<1024x128xf32>
    %swap3A = arith.constant 0 : index
    %swap3A_40 = arith.constant 0 : index
    %swap3A_41 = vector.load %arg9[%swap3A, %swap3A_40] : memref<1024x128xf32, #tpu.memory_space<vmem>>, vector<1024x128xf32>
    tpu.vector_store %arg9[%swap3A, %swap3A_40], %add3A_39 {strides = array<i32>} : memref<1024x128xf32, #tpu.memory_space<vmem>>, vector<1024x128xf32>,
    %get3A_42 = arith.constant 0 : index
    %get3A_43 = arith.constant 0 : index
    %get3A_44 = vector.load %arg5[%get3A_42, %get3A_43] : memref<1x1024xf32, #tpu.memory_space<vmem>>, vector<1x1024xf32>
    %iota3A = tpu.iota {dimensions = array<i32: 0>} : vector<64x1024xi32>
    %convert_element_type3A = arith.sitofp %iota3A : vector<64x1024xi32> to vector<64x1024xf32>
    %eq3A = vector.broadcast %get3A_44 : vector<1x1024xf32> to vector<64x1024xf32>
    %eq3A_45 = arith.cmpf oeq, %eq3A, %convert_element_type3A : vector<64x1024xf32>
    %convert_element_type3A_46 = arith.extui %eq3A_45 : vector<64x1024xi1> to vector<64x1024xi32>
    %convert_element_type3A_47 = arith.sitofp %convert_element_type3A_46 : vector<64x1024xi32> to vector<64x1024xf32>
    %dot_general3A_48 = arith.constant dense<0.000000e+00> : vector<64x128xf32>
    %dot_general3A_49 = tpu.matmul %convert_element_type3A_47, %add3A_39, %dot_general3A_48 {dimension_numbers = #tpu.dot_dimension_numbers<[1], [0], [0], [1], [0, 0, 1, 1], [], []>, precision = #tpu.contract_precision<fp32>, transpose_lhs_hint = false} : vector<64x1024xf32>, vector<1024x128xf32>, vector<64x128xf32> -> vector<64x128xf32>
    %mul3A_50 = arith.mulf %add3A_39, %add3A_39 : vector<1024x128xf32>
    %dot_general3A_51 = arith.constant dense<0.000000e+00> : vector<64x128xf32>
    %dot_general3A_52 = tpu.matmul %convert_element_type3A_47, %mul3A_50, %dot_general3A_51 {dimension_numbers = #tpu.dot_dimension_numbers<[1], [0], [0], [1], [0, 0, 1, 1], [], []>, precision = #tpu.contract_precision<fp32>, transpose_lhs_hint = false} : vector<64x1024xf32>, vector<1024x128xf32>, vector<64x128xf32> -> vector<64x128xf32>
    %broadcast_in_dim3A = arith.constant 1.000000e+00 : f32
    %broadcast_in_dim3A_53 = vector.broadcast %broadcast_in_dim3A : f32 to vector<1024x128xf32>
    %dot_general3A_54 = arith.constant dense<0.000000e+00> : vector<64x128xf32>
    %dot_general3A_55 = tpu.matmul %convert_element_type3A_47, %broadcast_in_dim3A_53, %dot_general3A_54 {dimension_numbers = #tpu.dot_dimension_numbers<[1], [0], [0], [1], [0, 0, 1, 1], [], []>, precision = #tpu.contract_precision<fp32>, transpose_lhs_hint = false} : vector<64x1024xf32>, vector<1024x128xf32>, vector<64x128xf32> -> vector<64x128xf32>
    %eq3A_56 = arith.constant 0 : i32
    %eq3A_57 = arith.cmpi eq, %arg0, %eq3A_56 : i32
    %convert_element_type3A_58 = arith.extui %eq3A_57 : i1 to i32
    %cond3A = arith.constant 0 : i32
    %cond3A_59 = arith.cmpi ne, %convert_element_type3A_58, %cond3A : i32
    scf.if %cond3A_59 {
      %broadcast_in_dim3A_81 = arith.constant 0.000000e+00 : f32
      %broadcast_in_dim3A_82 = vector.broadcast %broadcast_in_dim3A_81 : f32 to vector<64x128xf32>
      %swap3A_83 = arith.constant 0 : index
      %swap3A_84 = arith.constant 0 : index
      %swap3A_85 = vector.load %arg10[%swap3A_83, %swap3A_84] : memref<64x128xf32, #tpu.memory_space<vmem>>, vector<64x128xf32>
      tpu.vector_store %arg10[%swap3A_83, %swap3A_84], %broadcast_in_dim3A_82 {strides = array<i32>} : memref<64x128xf32, #tpu.memory_space<vmem>>, vector<64x128xf32>,
      %broadcast_in_dim3A_86 = arith.constant 0.000000e+00 : f32
      %broadcast_in_dim3A_87 = vector.broadcast %broadcast_in_dim3A_86 : f32 to vector<64x128xf32>
      %swap3A_88 = arith.constant 0 : index
      %swap3A_89 = arith.constant 0 : index
      %swap3A_90 = vector.load %arg11[%swap3A_88, %swap3A_89] : memref<64x128xf32, #tpu.memory_space<vmem>>, vector<64x128xf32>
      tpu.vector_store %arg11[%swap3A_88, %swap3A_89], %broadcast_in_dim3A_87 {strides = array<i32>} : memref<64x128xf32, #tpu.memory_space<vmem>>, vector<64x128xf32>,
      %broadcast_in_dim3A_91 = arith.constant 0.000000e+00 : f32
      %broadcast_in_dim3A_92 = vector.broadcast %broadcast_in_dim3A_91 : f32 to vector<64x128xf32>
      %swap3A_93 = arith.constant 0 : index
      %swap3A_94 = arith.constant 0 : index
      %swap3A_95 = vector.load %arg12[%swap3A_93, %swap3A_94] : memref<64x128xf32, #tpu.memory_space<vmem>>, vector<64x128xf32>
      tpu.vector_store %arg12[%swap3A_93, %swap3A_94], %broadcast_in_dim3A_92 {strides = array<i32>} : memref<64x128xf32, #tpu.memory_space<vmem>>, vector<64x128xf32>,
    } else {
    }
    %get3A_60 = arith.constant 0 : index
    %get3A_61 = arith.constant 0 : index
    %get3A_62 = vector.load %arg10[%get3A_60, %get3A_61] : memref<64x128xf32, #tpu.memory_space<vmem>>, vector<64x128xf32>
    %add3A_63 = arith.addf %get3A_62, %dot_general3A_49 : vector<64x128xf32>
    %swap3A_64 = arith.constant 0 : index
    %swap3A_65 = arith.constant 0 : index
    %swap3A_66 = vector.load %arg10[%swap3A_64, %swap3A_65] : memref<64x128xf32, #tpu.memory_space<vmem>>, vector<64x128xf32>
    tpu.vector_store %arg10[%swap3A_64, %swap3A_65], %add3A_63 {strides = array<i32>} : memref<64x128xf32, #tpu.memory_space<vmem>>, vector<64x128xf32>,
    %get3A_67 = arith.constant 0 : index
    %get3A_68 = arith.constant 0 : index
    %get3A_69 = vector.load %arg11[%get3A_67, %get3A_68] : memref<64x128xf32, #tpu.memory_space<vmem>>, vector<64x128xf32>
    %add3A_70 = arith.addf %get3A_69, %dot_general3A_52 : vector<64x128xf32>
    %swap3A_71 = arith.constant 0 : index
    %swap3A_72 = arith.constant 0 : index
    %swap3A_73 = vector.load %arg11[%swap3A_71, %swap3A_72] : memref<64x128xf32, #tpu.memory_space<vmem>>, vector<64x128xf32>
    tpu.vector_store %arg11[%swap3A_71, %swap3A_72], %add3A_70 {strides = array<i32>} : memref<64x128xf32, #tpu.memory_space<vmem>>, vector<64x128xf32>,
    %get3A_74 = arith.constant 0 : index
    %get3A_75 = arith.constant 0 : index
    %get3A_76 = vector.load %arg12[%get3A_74, %get3A_75] : memref<64x128xf32, #tpu.memory_space<vmem>>, vector<64x128xf32>
    %add3A_77 = arith.addf %get3A_76, %dot_general3A_55 : vector<64x128xf32>
    %swap3A_78 = arith.constant 0 : index
    %swap3A_79 = arith.constant 0 : index
    %swap3A_80 = vector.load %arg12[%swap3A_78, %swap3A_79] : memref<64x128xf32, #tpu.memory_space<vmem>>, vector<64x128xf32>
    tpu.vector_store %arg12[%swap3A_78, %swap3A_79], %add3A_77 {strides = array<i32>} : memref<64x128xf32, #tpu.memory_space<vmem>>, vector<64x128xf32>,
    return
  }
  func.func @transform_0(%arg0: i32) -> (i32, i32) {
    %c0_i32 = arith.constant 0 : i32
    %c0_i32_0 = arith.constant 0 : i32
    return %arg0, %c0_i32 : i32, i32
  }
  func.func @transform_1(%arg0: i32) -> (i32, i32, i32) {
    %c0_i32 = arith.constant 0 : i32
    %c0_i32_0 = arith.constant 0 : i32
    %c0_i32_1 = arith.constant 0 : i32
    return %c0_i32, %arg0, %c0_i32_0 : i32, i32, i32
  }
  func.func @transform_2(%arg0: i32) -> (i32, i32, i32) {
    %c0_i32 = arith.constant 0 : i32
    %c0_i32_0 = arith.constant 0 : i32
    %c0_i32_1 = arith.constant 0 : i32
    return %c0_i32, %arg0, %c0_i32_0 : i32, i32, i32
  }
  func.func @transform_3(%arg0: i32) -> (i32, i32) {
    %c0_i32 = arith.constant 0 : i32
    %c0_i32_0 = arith.constant 0 : i32
    return %arg0, %c0_i32 : i32, i32
  }
  func.func @transform_4(%arg0: i32) -> (i32, i32) {
    %c0_i32 = arith.constant 0 : i32
    %c0_i32_0 = arith.constant 0 : i32
    return %c0_i32, %arg0 : i32, i32
  }
  func.func @transform_5(%arg0: i32) -> (i32, i32) {
    %c0_i32 = arith.constant 0 : i32
    %c0_i32_0 = arith.constant 0 : i32
    %c0_i32_1 = arith.constant 0 : i32
    return %c0_i32, %c0_i32_0 : i32, i32
  }
  func.func @transform_6(%arg0: i32) -> (i32, i32) {
    %c0_i32 = arith.constant 0 : i32
    %c0_i32_0 = arith.constant 0 : i32
    %c0_i32_1 = arith.constant 0 : i32
    return %c0_i32, %c0_i32_0 : i32, i32
  }
  func.func @transform_7(%arg0: i32) -> (i32, i32) {
    %c0_i32 = arith.constant 0 : i32
    %c0_i32_0 = arith.constant 0 : i32
    %c0_i32_1 = arith.constant 0 : i32
    return %c0_i32, %c0_i32_0 : i32, i32
  }
  func.func @transform_8(%arg0: i32) -> (i32, i32) {
    %c0_i32 = arith.constant 0 : i32
    %c0_i32_0 = arith.constant 0 : i32
    return %arg0, %c0_i32 : i32, i32
  }
  func.func @transform_9(%arg0: i32) -> (i32, i32) {
    %c0_i32 = arith.constant 0 : i32
    %c0_i32_0 = arith.constant 0 : i32
    %c0_i32_1 = arith.constant 0 : i32
    return %c0_i32, %c0_i32_0 : i32, i32
  }
  func.func @transform_10(%arg0: i32) -> (i32, i32) {
    %c0_i32 = arith.constant 0 : i32
    %c0_i32_0 = arith.constant 0 : i32
    %c0_i32_1 = arith.constant 0 : i32
    return %c0_i32, %c0_i32_0 : i32, i32
  }
  func.func @transform_11(%arg0: i32) -> (i32, i32) {
    %c0_i32 = arith.constant 0 : i32
    %c0_i32_0 = arith.constant 0 : i32
    %c0_i32_1 = arith.constant 0 : i32
    return %c0_i32, %c0_i32_0 : i32, i32
  }
}

module attributes {stable_mosaic.version = 14 : i64} {
  func.func @body(%arg0: memref<64x128xf32, #tpu.memory_space<vmem>>, %arg1: memref<64x128xf32, #tpu.memory_space<vmem>>, %arg2: memref<64x128xf32, #tpu.memory_space<vmem>>, %arg3: memref<1x128xf32, #tpu.memory_space<vmem>>, %arg4: memref<1x128xf32, #tpu.memory_space<vmem>>, %arg5: memref<1x128xf32, #tpu.memory_space<vmem>>, %arg6: memref<64x128xf32, #tpu.memory_space<vmem>>, %arg7: memref<64x128xf32, #tpu.memory_space<vmem>>) attributes {dimension_semantics = [], scalar_prefetch = 0 : i64, scratch_operands = 0 : i64, tpu.core_type = #tpu.core_type<tc>} {
    %get3A = arith.constant 0 : index
    %get3A_0 = arith.constant 0 : index
    %get3A_1 = vector.load %arg2[%get3A, %get3A_0] : memref<64x128xf32, #tpu.memory_space<vmem>>, vector<64x128xf32>
    %max3A = arith.constant 1.000000e+00 : f32
    %max3A_2 = vector.broadcast %max3A : f32 to vector<64x128xf32>
    %max3A_3 = arith.maximumf %get3A_1, %max3A_2 : vector<64x128xf32>
    %get3A_4 = arith.constant 0 : index
    %get3A_5 = arith.constant 0 : index
    %get3A_6 = vector.load %arg0[%get3A_4, %get3A_5] : memref<64x128xf32, #tpu.memory_space<vmem>>, vector<64x128xf32>
    %div3A = arith.divf %get3A_6, %max3A_3 : vector<64x128xf32>
    %get3A_7 = arith.constant 0 : index
    %get3A_8 = arith.constant 0 : index
    %get3A_9 = vector.load %arg5[%get3A_7, %get3A_8] : memref<1x128xf32, #tpu.memory_space<vmem>>, vector<1x128xf32>
    %get3A_10 = arith.constant 0 : index
    %get3A_11 = arith.constant 0 : index
    %get3A_12 = vector.load %arg1[%get3A_10, %get3A_11] : memref<64x128xf32, #tpu.memory_space<vmem>>, vector<64x128xf32>
    %div3A_13 = arith.divf %get3A_12, %max3A_3 : vector<64x128xf32>
    %mul3A = arith.constant 2.000000e+00 : f32
    %mul3A_14 = vector.broadcast %mul3A : f32 to vector<1x128xf32>
    %mul3A_15 = arith.mulf %mul3A_14, %get3A_9 : vector<1x128xf32>
    %mul3A_16 = arith.mulf %get3A_9, %get3A_9 : vector<1x128xf32>
    %sub3A = arith.subf %mul3A_15, %mul3A_16 : vector<1x128xf32>
    %mul3A_17 = vector.broadcast %sub3A : vector<1x128xf32> to vector<64x128xf32>
    %mul3A_18 = arith.mulf %mul3A_17, %div3A : vector<64x128xf32>
    %mul3A_19 = arith.mulf %mul3A_18, %div3A : vector<64x128xf32>
    %sub3A_20 = arith.subf %div3A_13, %mul3A_19 : vector<64x128xf32>
    %get3A_21 = arith.constant 0 : index
    %get3A_22 = arith.constant 0 : index
    %get3A_23 = vector.load %arg3[%get3A_21, %get3A_22] : memref<1x128xf32, #tpu.memory_space<vmem>>, vector<1x128xf32>
    %add3A = arith.constant 9.99999974E-6 : f32
    %add3A_24 = vector.broadcast %add3A : f32 to vector<64x128xf32>
    %add3A_25 = arith.addf %sub3A_20, %add3A_24 : vector<64x128xf32>
    %rsqrt3A = math.rsqrt %add3A_25 : vector<64x128xf32>
    %mul3A_26 = vector.broadcast %get3A_23 : vector<1x128xf32> to vector<64x128xf32>
    %mul3A_27 = arith.mulf %mul3A_26, %rsqrt3A : vector<64x128xf32>
    %swap3A = arith.constant 0 : index
    %swap3A_28 = arith.constant 0 : index
    %swap3A_29 = vector.load %arg6[%swap3A, %swap3A_28] : memref<64x128xf32, #tpu.memory_space<vmem>>, vector<64x128xf32>
    tpu.vector_store %arg6[%swap3A, %swap3A_28], %mul3A_27 {strides = array<i32>} : memref<64x128xf32, #tpu.memory_space<vmem>>, vector<64x128xf32>,
    %get3A_30 = arith.constant 0 : index
    %get3A_31 = arith.constant 0 : index
    %get3A_32 = vector.load %arg4[%get3A_30, %get3A_31] : memref<1x128xf32, #tpu.memory_space<vmem>>, vector<1x128xf32>
    %mul3A_33 = vector.broadcast %get3A_9 : vector<1x128xf32> to vector<64x128xf32>
    %mul3A_34 = arith.mulf %mul3A_27, %mul3A_33 : vector<64x128xf32>
    %mul3A_35 = arith.mulf %mul3A_34, %div3A : vector<64x128xf32>
    %sub3A_36 = vector.broadcast %get3A_32 : vector<1x128xf32> to vector<64x128xf32>
    %sub3A_37 = arith.subf %sub3A_36, %mul3A_35 : vector<64x128xf32>
    %swap3A_38 = arith.constant 0 : index
    %swap3A_39 = arith.constant 0 : index
    %swap3A_40 = vector.load %arg7[%swap3A_38, %swap3A_39] : memref<64x128xf32, #tpu.memory_space<vmem>>, vector<64x128xf32>
    tpu.vector_store %arg7[%swap3A_38, %swap3A_39], %sub3A_37 {strides = array<i32>} : memref<64x128xf32, #tpu.memory_space<vmem>>, vector<64x128xf32>,
    return
  }
}

module attributes {stable_mosaic.version = 14 : i64} {
  func.func @body(%arg0: i32, %arg1: memref<1024x128xf32, #tpu.memory_space<vmem>>, %arg2: memref<1024x1xf32, #tpu.memory_space<vmem>>, %arg3: memref<64x128xf32, #tpu.memory_space<vmem>>, %arg4: memref<64x128xf32, #tpu.memory_space<vmem>>, %arg5: memref<1024x128xf32, #tpu.memory_space<vmem>>) attributes {dimension_semantics = [#tpu.dimension_semantics<arbitrary>], iteration_bounds = array<i64: 49>, scalar_prefetch = 0 : i64, scratch_operands = 0 : i64, tpu.core_type = #tpu.core_type<tc>, window_params = [{transform_indices = @transform_0, window_bounds = array<i64: 1024, 128>}, {transform_indices = @transform_1, window_bounds = array<i64: 1024, 1>}, {pipeline_mode = #tpu.pipeline_mode<synchronous>, transform_indices = @transform_2, window_bounds = array<i64: 64, 128>}, {pipeline_mode = #tpu.pipeline_mode<synchronous>, transform_indices = @transform_3, window_bounds = array<i64: 64, 128>}, {transform_indices = @transform_4, window_bounds = array<i64: 1024, 128>}]} {
    %get3A = arith.constant 0 : index
    %get3A_0 = arith.constant 0 : index
    %get3A_1 = vector.load %arg2[%get3A, %get3A_0] : memref<1024x1xf32, #tpu.memory_space<vmem>>, vector<1024x1xf32>
    %iota3A = tpu.iota {dimensions = array<i32: 1>} : vector<1x64xi32>
    %convert_element_type3A = arith.sitofp %iota3A : vector<1x64xi32> to vector<1x64xf32>
    %eq3A = vector.broadcast %get3A_1 : vector<1024x1xf32> to vector<1024x64xf32>
    %eq3A_2 = vector.broadcast %convert_element_type3A : vector<1x64xf32> to vector<1024x64xf32>
    %eq3A_3 = arith.cmpf oeq, %eq3A, %eq3A_2 : vector<1024x64xf32>
    %convert_element_type3A_4 = arith.extui %eq3A_3 : vector<1024x64xi1> to vector<1024x64xi32>
    %convert_element_type3A_5 = arith.sitofp %convert_element_type3A_4 : vector<1024x64xi32> to vector<1024x64xf32>
    %get3A_6 = arith.constant 0 : index
    %get3A_7 = arith.constant 0 : index
    %get3A_8 = vector.load %arg3[%get3A_6, %get3A_7] : memref<64x128xf32, #tpu.memory_space<vmem>>, vector<64x128xf32>
    %dot_general3A = arith.constant dense<0.000000e+00> : vector<1024x128xf32>
    %dot_general3A_9 = tpu.matmul %convert_element_type3A_5, %get3A_8, %dot_general3A {dimension_numbers = #tpu.dot_dimension_numbers<[1], [0], [0], [1], [0, 0, 1, 1], [], []>, precision = #tpu.contract_precision<fp32>, transpose_lhs_hint = false} : vector<1024x64xf32>, vector<64x128xf32>, vector<1024x128xf32> -> vector<1024x128xf32>
    %get3A_10 = arith.constant 0 : index
    %get3A_11 = arith.constant 0 : index
    %get3A_12 = vector.load %arg4[%get3A_10, %get3A_11] : memref<64x128xf32, #tpu.memory_space<vmem>>, vector<64x128xf32>
    %dot_general3A_13 = arith.constant dense<0.000000e+00> : vector<1024x128xf32>
    %dot_general3A_14 = tpu.matmul %convert_element_type3A_5, %get3A_12, %dot_general3A_13 {dimension_numbers = #tpu.dot_dimension_numbers<[1], [0], [0], [1], [0, 0, 1, 1], [], []>, precision = #tpu.contract_precision<fp32>, transpose_lhs_hint = false} : vector<1024x64xf32>, vector<64x128xf32>, vector<1024x128xf32> -> vector<1024x128xf32>
    %get3A_15 = arith.constant 0 : index
    %get3A_16 = arith.constant 0 : index
    %get3A_17 = vector.load %arg1[%get3A_15, %get3A_16] : memref<1024x128xf32, #tpu.memory_space<vmem>>, vector<1024x128xf32>
    %mul3A = arith.mulf %dot_general3A_9, %get3A_17 : vector<1024x128xf32>
    %add3A = arith.addf %mul3A, %dot_general3A_14 : vector<1024x128xf32>
    %max3A = arith.constant 0.000000e+00 : f32
    %max3A_18 = vector.broadcast %max3A : f32 to vector<1024x128xf32>
    %max3A_19 = arith.maximumf %add3A, %max3A_18 : vector<1024x128xf32>
    %swap3A = arith.constant 0 : index
    %swap3A_20 = arith.constant 0 : index
    %swap3A_21 = vector.load %arg5[%swap3A, %swap3A_20] : memref<1024x128xf32, #tpu.memory_space<vmem>>, vector<1024x128xf32>
    tpu.vector_store %arg5[%swap3A, %swap3A_20], %max3A_19 {strides = array<i32>} : memref<1024x128xf32, #tpu.memory_space<vmem>>, vector<1024x128xf32>,
    return
  }
  func.func @transform_0(%arg0: i32) -> (i32, i32) {
    %c0_i32 = arith.constant 0 : i32
    %c0_i32_0 = arith.constant 0 : i32
    return %arg0, %c0_i32 : i32, i32
  }
  func.func @transform_1(%arg0: i32) -> (i32, i32) {
    %c0_i32 = arith.constant 0 : i32
    %c0_i32_0 = arith.constant 0 : i32
    return %arg0, %c0_i32 : i32, i32
  }
  func.func @transform_2(%arg0: i32) -> (i32, i32) {
    %c0_i32 = arith.constant 0 : i32
    %c0_i32_0 = arith.constant 0 : i32
    %c0_i32_1 = arith.constant 0 : i32
    return %c0_i32, %c0_i32_0 : i32, i32
  }
  func.func @transform_3(%arg0: i32) -> (i32, i32) {
    %c0_i32 = arith.constant 0 : i32
    %c0_i32_0 = arith.constant 0 : i32
    %c0_i32_1 = arith.constant 0 : i32
    return %c0_i32, %c0_i32_0 : i32, i32
  }
  func.func @transform_4(%arg0: i32) -> (i32, i32) {
    %c0_i32 = arith.constant 0 : i32
    %c0_i32_0 = arith.constant 0 : i32
    return %arg0, %c0_i32 : i32, i32
  }
}

module attributes {stable_mosaic.version = 14 : i64} {
  func.func @body(%arg0: i32, %arg1: memref<1024x128xf32, #tpu.memory_space<vmem>>, %arg2: memref<1024x512xf32, #tpu.memory_space<vmem>>, %arg3: memref<2x1024x4xf32, #tpu.memory_space<vmem>>, %arg4: memref<1024x1xf32, #tpu.memory_space<vmem>>, %arg5: memref<1x1024xf32, #tpu.memory_space<vmem>>, %arg6: memref<4x512xf32, #tpu.memory_space<vmem>>, %arg7: memref<128x256xf32, #tpu.memory_space<vmem>>, %arg8: memref<512x256xf32, #tpu.memory_space<vmem>>, %arg9: memref<1x256xf32, #tpu.memory_space<vmem>>, %arg10: memref<1024x256xf32, #tpu.memory_space<vmem>>, %arg11: memref<64x256xf32, #tpu.memory_space<vmem>>, %arg12: memref<64x256xf32, #tpu.memory_space<vmem>>, %arg13: memref<64x256xf32, #tpu.memory_space<vmem>>) attributes {dimension_semantics = [#tpu.dimension_semantics<arbitrary>], iteration_bounds = array<i64: 49>, scalar_prefetch = 0 : i64, scratch_operands = 0 : i64, tpu.core_type = #tpu.core_type<tc>, window_params = [{transform_indices = @transform_0, window_bounds = array<i64: 1024, 128>}, {transform_indices = @transform_1, window_bounds = array<i64: 1024, 512>}, {transform_indices = @transform_2, window_bounds = array<i64: 2, 1024, 4>}, {transform_indices = @transform_3, window_bounds = array<i64: 1024, 1>}, {transform_indices = @transform_4, window_bounds = array<i64: 1, 1024>}, {pipeline_mode = #tpu.pipeline_mode<synchronous>, transform_indices = @transform_5, window_bounds = array<i64: 4, 512>}, {pipeline_mode = #tpu.pipeline_mode<synchronous>, transform_indices = @transform_6, window_bounds = array<i64: 128, 256>}, {pipeline_mode = #tpu.pipeline_mode<synchronous>, transform_indices = @transform_7, window_bounds = array<i64: 512, 256>}, {pipeline_mode = #tpu.pipeline_mode<synchronous>, transform_indices = @transform_8, window_bounds = array<i64: 1, 256>}, {transform_indices = @transform_9, window_bounds = array<i64: 1024, 256>}, {pipeline_mode = #tpu.pipeline_mode<synchronous>, transform_indices = @transform_10, window_bounds = array<i64: 64, 256>}, {pipeline_mode = #tpu.pipeline_mode<synchronous>, transform_indices = @transform_11, window_bounds = array<i64: 64, 256>}, {pipeline_mode = #tpu.pipeline_mode<synchronous>, transform_indices = @transform_12, window_bounds = array<i64: 64, 256>}]} {
    %get3A = arith.constant 0 : index
    %get3A_0 = arith.constant 0 : index
    %get3A_1 = arith.constant 0 : index
    %get3A_2 = vector.load %arg3[%get3A, %get3A_0, %get3A_1] : memref<2x1024x4xf32, #tpu.memory_space<vmem>>, vector<1x1024x4xf32>
    %get3A_3 = vector.shape_cast %get3A_2 : vector<1x1024x4xf32> to vector<1024x4xf32>
    %get3A_4 = arith.constant 1 : index
    %get3A_5 = arith.constant 0 : index
    %get3A_6 = arith.constant 0 : index
    %get3A_7 = vector.load %arg3[%get3A_4, %get3A_5, %get3A_6] : memref<2x1024x4xf32, #tpu.memory_space<vmem>>, vector<1x1024x4xf32>
    %get3A_8 = vector.shape_cast %get3A_7 : vector<1x1024x4xf32> to vector<1024x4xf32>
    %add3A = arith.addf %get3A_3, %get3A_8 : vector<1024x4xf32>
    %max3A = arith.constant 1.000000e+00 : f32
    %max3A_9 = vector.broadcast %max3A : f32 to vector<1024x4xf32>
    %max3A_10 = arith.maximumf %add3A, %max3A_9 : vector<1024x4xf32>
    %div3A = arith.constant 1.000000e+00 : f32
    %div3A_11 = vector.broadcast %div3A : f32 to vector<1024x4xf32>
    %div3A_12 = arith.divf %div3A_11, %max3A_10 : vector<1024x4xf32>
    %get3A_13 = arith.constant 0 : index
    %get3A_14 = arith.constant 0 : index
    %get3A_15 = vector.load %arg6[%get3A_13, %get3A_14] : memref<4x512xf32, #tpu.memory_space<vmem>>, vector<4x512xf32>
    %dot_general3A = arith.constant dense<0.000000e+00> : vector<1024x512xf32>
    %dot_general3A_16 = tpu.matmul %div3A_12, %get3A_15, %dot_general3A {dimension_numbers = #tpu.dot_dimension_numbers<[1], [0], [0], [1], [0, 0, 1, 1], [], []>, precision = #tpu.contract_precision<fp32>, transpose_lhs_hint = false} : vector<1024x4xf32>, vector<4x512xf32>, vector<1024x512xf32> -> vector<1024x512xf32>
    %get3A_17 = arith.constant 0 : index
    %get3A_18 = arith.constant 0 : index
    %get3A_19 = vector.load %arg2[%get3A_17, %get3A_18] : memref<1024x512xf32, #tpu.memory_space<vmem>>, vector<1024x512xf32>
    %mul3A = arith.mulf %get3A_19, %dot_general3A_16 : vector<1024x512xf32>
    %get3A_20 = arith.constant 0 : index
    %get3A_21 = arith.constant 0 : index
    %get3A_22 = vector.load %arg1[%get3A_20, %get3A_21] : memref<1024x128xf32, #tpu.memory_space<vmem>>, vector<1024x128xf32>
    %get3A_23 = arith.constant 0 : index
    %get3A_24 = arith.constant 0 : index
    %get3A_25 = vector.load %arg7[%get3A_23, %get3A_24] : memref<128x256xf32, #tpu.memory_space<vmem>>, vector<128x256xf32>
    %dot_general3A_26 = arith.constant dense<0.000000e+00> : vector<1024x256xf32>
    %dot_general3A_27 = tpu.matmul %get3A_22, %get3A_25, %dot_general3A_26 {dimension_numbers = #tpu.dot_dimension_numbers<[1], [0], [0], [1], [0, 0, 1, 1], [], []>, transpose_lhs_hint = false} : vector<1024x128xf32>, vector<128x256xf32>, vector<1024x256xf32> -> vector<1024x256xf32>
    %get3A_28 = arith.constant 0 : index
    %get3A_29 = arith.constant 0 : index
    %get3A_30 = vector.load %arg8[%get3A_28, %get3A_29] : memref<512x256xf32, #tpu.memory_space<vmem>>, vector<512x256xf32>
    %dot_general3A_31 = arith.constant dense<0.000000e+00> : vector<1024x256xf32>
    %dot_general3A_32 = tpu.matmul %mul3A, %get3A_30, %dot_general3A_31 {dimension_numbers = #tpu.dot_dimension_numbers<[1], [0], [0], [1], [0, 0, 1, 1], [], []>, transpose_lhs_hint = false} : vector<1024x512xf32>, vector<512x256xf32>, vector<1024x256xf32> -> vector<1024x256xf32>
    %add3A_33 = arith.addf %dot_general3A_27, %dot_general3A_32 : vector<1024x256xf32>
    %get3A_34 = arith.constant 0 : index
    %get3A_35 = arith.constant 0 : index
    %get3A_36 = vector.load %arg9[%get3A_34, %get3A_35] : memref<1x256xf32, #tpu.memory_space<vmem>>, vector<1x256xf32>
    %add3A_37 = vector.broadcast %get3A_36 : vector<1x256xf32> to vector<1024x256xf32>
    %add3A_38 = arith.addf %add3A_33, %add3A_37 : vector<1024x256xf32>
    %swap3A = arith.constant 0 : index
    %swap3A_39 = arith.constant 0 : index
    %swap3A_40 = vector.load %arg10[%swap3A, %swap3A_39] : memref<1024x256xf32, #tpu.memory_space<vmem>>, vector<1024x256xf32>
    tpu.vector_store %arg10[%swap3A, %swap3A_39], %add3A_38 {strides = array<i32>} : memref<1024x256xf32, #tpu.memory_space<vmem>>, vector<1024x256xf32>,
    %get3A_41 = arith.constant 0 : index
    %get3A_42 = arith.constant 0 : index
    %get3A_43 = vector.load %arg5[%get3A_41, %get3A_42] : memref<1x1024xf32, #tpu.memory_space<vmem>>, vector<1x1024xf32>
    %iota3A = tpu.iota {dimensions = array<i32: 0>} : vector<64x1024xi32>
    %convert_element_type3A = arith.sitofp %iota3A : vector<64x1024xi32> to vector<64x1024xf32>
    %eq3A = vector.broadcast %get3A_43 : vector<1x1024xf32> to vector<64x1024xf32>
    %eq3A_44 = arith.cmpf oeq, %eq3A, %convert_element_type3A : vector<64x1024xf32>
    %convert_element_type3A_45 = arith.extui %eq3A_44 : vector<64x1024xi1> to vector<64x1024xi32>
    %convert_element_type3A_46 = arith.sitofp %convert_element_type3A_45 : vector<64x1024xi32> to vector<64x1024xf32>
    %dot_general3A_47 = arith.constant dense<0.000000e+00> : vector<64x256xf32>
    %dot_general3A_48 = tpu.matmul %convert_element_type3A_46, %add3A_38, %dot_general3A_47 {dimension_numbers = #tpu.dot_dimension_numbers<[1], [0], [0], [1], [0, 0, 1, 1], [], []>, precision = #tpu.contract_precision<fp32>, transpose_lhs_hint = false} : vector<64x1024xf32>, vector<1024x256xf32>, vector<64x256xf32> -> vector<64x256xf32>
    %mul3A_49 = arith.mulf %add3A_38, %add3A_38 : vector<1024x256xf32>
    %dot_general3A_50 = arith.constant dense<0.000000e+00> : vector<64x256xf32>
    %dot_general3A_51 = tpu.matmul %convert_element_type3A_46, %mul3A_49, %dot_general3A_50 {dimension_numbers = #tpu.dot_dimension_numbers<[1], [0], [0], [1], [0, 0, 1, 1], [], []>, precision = #tpu.contract_precision<fp32>, transpose_lhs_hint = false} : vector<64x1024xf32>, vector<1024x256xf32>, vector<64x256xf32> -> vector<64x256xf32>
    %broadcast_in_dim3A = arith.constant 1.000000e+00 : f32
    %broadcast_in_dim3A_52 = vector.broadcast %broadcast_in_dim3A : f32 to vector<1024x256xf32>
    %dot_general3A_53 = arith.constant dense<0.000000e+00> : vector<64x256xf32>
    %dot_general3A_54 = tpu.matmul %convert_element_type3A_46, %broadcast_in_dim3A_52, %dot_general3A_53 {dimension_numbers = #tpu.dot_dimension_numbers<[1], [0], [0], [1], [0, 0, 1, 1], [], []>, precision = #tpu.contract_precision<fp32>, transpose_lhs_hint = false} : vector<64x1024xf32>, vector<1024x256xf32>, vector<64x256xf32> -> vector<64x256xf32>
    %eq3A_55 = arith.constant 0 : i32
    %eq3A_56 = arith.cmpi eq, %arg0, %eq3A_55 : i32
    %convert_element_type3A_57 = arith.extui %eq3A_56 : i1 to i32
    %cond3A = arith.constant 0 : i32
    %cond3A_58 = arith.cmpi ne, %convert_element_type3A_57, %cond3A : i32
    scf.if %cond3A_58 {
      %broadcast_in_dim3A_80 = arith.constant 0.000000e+00 : f32
      %broadcast_in_dim3A_81 = vector.broadcast %broadcast_in_dim3A_80 : f32 to vector<64x256xf32>
      %swap3A_82 = arith.constant 0 : index
      %swap3A_83 = arith.constant 0 : index
      %swap3A_84 = vector.load %arg11[%swap3A_82, %swap3A_83] : memref<64x256xf32, #tpu.memory_space<vmem>>, vector<64x256xf32>
      tpu.vector_store %arg11[%swap3A_82, %swap3A_83], %broadcast_in_dim3A_81 {strides = array<i32>} : memref<64x256xf32, #tpu.memory_space<vmem>>, vector<64x256xf32>,
      %broadcast_in_dim3A_85 = arith.constant 0.000000e+00 : f32
      %broadcast_in_dim3A_86 = vector.broadcast %broadcast_in_dim3A_85 : f32 to vector<64x256xf32>
      %swap3A_87 = arith.constant 0 : index
      %swap3A_88 = arith.constant 0 : index
      %swap3A_89 = vector.load %arg12[%swap3A_87, %swap3A_88] : memref<64x256xf32, #tpu.memory_space<vmem>>, vector<64x256xf32>
      tpu.vector_store %arg12[%swap3A_87, %swap3A_88], %broadcast_in_dim3A_86 {strides = array<i32>} : memref<64x256xf32, #tpu.memory_space<vmem>>, vector<64x256xf32>,
      %broadcast_in_dim3A_90 = arith.constant 0.000000e+00 : f32
      %broadcast_in_dim3A_91 = vector.broadcast %broadcast_in_dim3A_90 : f32 to vector<64x256xf32>
      %swap3A_92 = arith.constant 0 : index
      %swap3A_93 = arith.constant 0 : index
      %swap3A_94 = vector.load %arg13[%swap3A_92, %swap3A_93] : memref<64x256xf32, #tpu.memory_space<vmem>>, vector<64x256xf32>
      tpu.vector_store %arg13[%swap3A_92, %swap3A_93], %broadcast_in_dim3A_91 {strides = array<i32>} : memref<64x256xf32, #tpu.memory_space<vmem>>, vector<64x256xf32>,
    } else {
    }
    %get3A_59 = arith.constant 0 : index
    %get3A_60 = arith.constant 0 : index
    %get3A_61 = vector.load %arg11[%get3A_59, %get3A_60] : memref<64x256xf32, #tpu.memory_space<vmem>>, vector<64x256xf32>
    %add3A_62 = arith.addf %get3A_61, %dot_general3A_48 : vector<64x256xf32>
    %swap3A_63 = arith.constant 0 : index
    %swap3A_64 = arith.constant 0 : index
    %swap3A_65 = vector.load %arg11[%swap3A_63, %swap3A_64] : memref<64x256xf32, #tpu.memory_space<vmem>>, vector<64x256xf32>
    tpu.vector_store %arg11[%swap3A_63, %swap3A_64], %add3A_62 {strides = array<i32>} : memref<64x256xf32, #tpu.memory_space<vmem>>, vector<64x256xf32>,
    %get3A_66 = arith.constant 0 : index
    %get3A_67 = arith.constant 0 : index
    %get3A_68 = vector.load %arg12[%get3A_66, %get3A_67] : memref<64x256xf32, #tpu.memory_space<vmem>>, vector<64x256xf32>
    %add3A_69 = arith.addf %get3A_68, %dot_general3A_51 : vector<64x256xf32>
    %swap3A_70 = arith.constant 0 : index
    %swap3A_71 = arith.constant 0 : index
    %swap3A_72 = vector.load %arg12[%swap3A_70, %swap3A_71] : memref<64x256xf32, #tpu.memory_space<vmem>>, vector<64x256xf32>
    tpu.vector_store %arg12[%swap3A_70, %swap3A_71], %add3A_69 {strides = array<i32>} : memref<64x256xf32, #tpu.memory_space<vmem>>, vector<64x256xf32>,
    %get3A_73 = arith.constant 0 : index
    %get3A_74 = arith.constant 0 : index
    %get3A_75 = vector.load %arg13[%get3A_73, %get3A_74] : memref<64x256xf32, #tpu.memory_space<vmem>>, vector<64x256xf32>
    %add3A_76 = arith.addf %get3A_75, %dot_general3A_54 : vector<64x256xf32>
    %swap3A_77 = arith.constant 0 : index
    %swap3A_78 = arith.constant 0 : index
    %swap3A_79 = vector.load %arg13[%swap3A_77, %swap3A_78] : memref<64x256xf32, #tpu.memory_space<vmem>>, vector<64x256xf32>
    tpu.vector_store %arg13[%swap3A_77, %swap3A_78], %add3A_76 {strides = array<i32>} : memref<64x256xf32, #tpu.memory_space<vmem>>, vector<64x256xf32>,
    return
  }
  func.func @transform_0(%arg0: i32) -> (i32, i32) {
    %c0_i32 = arith.constant 0 : i32
    %c0_i32_0 = arith.constant 0 : i32
    return %arg0, %c0_i32 : i32, i32
  }
  func.func @transform_1(%arg0: i32) -> (i32, i32) {
    %c0_i32 = arith.constant 0 : i32
    %c0_i32_0 = arith.constant 0 : i32
    return %arg0, %c0_i32 : i32, i32
  }
  func.func @transform_2(%arg0: i32) -> (i32, i32, i32) {
    %c0_i32 = arith.constant 0 : i32
    %c0_i32_0 = arith.constant 0 : i32
    %c0_i32_1 = arith.constant 0 : i32
    return %c0_i32, %arg0, %c0_i32_0 : i32, i32, i32
  }
  func.func @transform_3(%arg0: i32) -> (i32, i32) {
    %c0_i32 = arith.constant 0 : i32
    %c0_i32_0 = arith.constant 0 : i32
    return %arg0, %c0_i32 : i32, i32
  }
  func.func @transform_4(%arg0: i32) -> (i32, i32) {
    %c0_i32 = arith.constant 0 : i32
    %c0_i32_0 = arith.constant 0 : i32
    return %c0_i32, %arg0 : i32, i32
  }
  func.func @transform_5(%arg0: i32) -> (i32, i32) {
    %c0_i32 = arith.constant 0 : i32
    %c0_i32_0 = arith.constant 0 : i32
    %c0_i32_1 = arith.constant 0 : i32
    return %c0_i32, %c0_i32_0 : i32, i32
  }
  func.func @transform_6(%arg0: i32) -> (i32, i32) {
    %c0_i32 = arith.constant 0 : i32
    %c0_i32_0 = arith.constant 0 : i32
    %c0_i32_1 = arith.constant 0 : i32
    return %c0_i32, %c0_i32_0 : i32, i32
  }
  func.func @transform_7(%arg0: i32) -> (i32, i32) {
    %c0_i32 = arith.constant 0 : i32
    %c0_i32_0 = arith.constant 0 : i32
    %c0_i32_1 = arith.constant 0 : i32
    return %c0_i32, %c0_i32_0 : i32, i32
  }
  func.func @transform_8(%arg0: i32) -> (i32, i32) {
    %c0_i32 = arith.constant 0 : i32
    %c0_i32_0 = arith.constant 0 : i32
    %c0_i32_1 = arith.constant 0 : i32
    return %c0_i32, %c0_i32_0 : i32, i32
  }
  func.func @transform_9(%arg0: i32) -> (i32, i32) {
    %c0_i32 = arith.constant 0 : i32
    %c0_i32_0 = arith.constant 0 : i32
    return %arg0, %c0_i32 : i32, i32
  }
  func.func @transform_10(%arg0: i32) -> (i32, i32) {
    %c0_i32 = arith.constant 0 : i32
    %c0_i32_0 = arith.constant 0 : i32
    %c0_i32_1 = arith.constant 0 : i32
    return %c0_i32, %c0_i32_0 : i32, i32
  }
  func.func @transform_11(%arg0: i32) -> (i32, i32) {
    %c0_i32 = arith.constant 0 : i32
    %c0_i32_0 = arith.constant 0 : i32
    %c0_i32_1 = arith.constant 0 : i32
    return %c0_i32, %c0_i32_0 : i32, i32
  }
  func.func @transform_12(%arg0: i32) -> (i32, i32) {
    %c0_i32 = arith.constant 0 : i32
    %c0_i32_0 = arith.constant 0 : i32
    %c0_i32_1 = arith.constant 0 : i32
    return %c0_i32, %c0_i32_0 : i32, i32
  }
}

module attributes {stable_mosaic.version = 14 : i64} {
  func.func @body(%arg0: memref<64x256xf32, #tpu.memory_space<vmem>>, %arg1: memref<64x256xf32, #tpu.memory_space<vmem>>, %arg2: memref<64x256xf32, #tpu.memory_space<vmem>>, %arg3: memref<1x256xf32, #tpu.memory_space<vmem>>, %arg4: memref<1x256xf32, #tpu.memory_space<vmem>>, %arg5: memref<1x256xf32, #tpu.memory_space<vmem>>, %arg6: memref<64x256xf32, #tpu.memory_space<vmem>>, %arg7: memref<64x256xf32, #tpu.memory_space<vmem>>) attributes {dimension_semantics = [], scalar_prefetch = 0 : i64, scratch_operands = 0 : i64, tpu.core_type = #tpu.core_type<tc>} {
    %get3A = arith.constant 0 : index
    %get3A_0 = arith.constant 0 : index
    %get3A_1 = vector.load %arg2[%get3A, %get3A_0] : memref<64x256xf32, #tpu.memory_space<vmem>>, vector<64x256xf32>
    %max3A = arith.constant 1.000000e+00 : f32
    %max3A_2 = vector.broadcast %max3A : f32 to vector<64x256xf32>
    %max3A_3 = arith.maximumf %get3A_1, %max3A_2 : vector<64x256xf32>
    %get3A_4 = arith.constant 0 : index
    %get3A_5 = arith.constant 0 : index
    %get3A_6 = vector.load %arg0[%get3A_4, %get3A_5] : memref<64x256xf32, #tpu.memory_space<vmem>>, vector<64x256xf32>
    %div3A = arith.divf %get3A_6, %max3A_3 : vector<64x256xf32>
    %get3A_7 = arith.constant 0 : index
    %get3A_8 = arith.constant 0 : index
    %get3A_9 = vector.load %arg5[%get3A_7, %get3A_8] : memref<1x256xf32, #tpu.memory_space<vmem>>, vector<1x256xf32>
    %get3A_10 = arith.constant 0 : index
    %get3A_11 = arith.constant 0 : index
    %get3A_12 = vector.load %arg1[%get3A_10, %get3A_11] : memref<64x256xf32, #tpu.memory_space<vmem>>, vector<64x256xf32>
    %div3A_13 = arith.divf %get3A_12, %max3A_3 : vector<64x256xf32>
    %mul3A = arith.constant 2.000000e+00 : f32
    %mul3A_14 = vector.broadcast %mul3A : f32 to vector<1x256xf32>
    %mul3A_15 = arith.mulf %mul3A_14, %get3A_9 : vector<1x256xf32>
    %mul3A_16 = arith.mulf %get3A_9, %get3A_9 : vector<1x256xf32>
    %sub3A = arith.subf %mul3A_15, %mul3A_16 : vector<1x256xf32>
    %mul3A_17 = vector.broadcast %sub3A : vector<1x256xf32> to vector<64x256xf32>
    %mul3A_18 = arith.mulf %mul3A_17, %div3A : vector<64x256xf32>
    %mul3A_19 = arith.mulf %mul3A_18, %div3A : vector<64x256xf32>
    %sub3A_20 = arith.subf %div3A_13, %mul3A_19 : vector<64x256xf32>
    %get3A_21 = arith.constant 0 : index
    %get3A_22 = arith.constant 0 : index
    %get3A_23 = vector.load %arg3[%get3A_21, %get3A_22] : memref<1x256xf32, #tpu.memory_space<vmem>>, vector<1x256xf32>
    %add3A = arith.constant 9.99999974E-6 : f32
    %add3A_24 = vector.broadcast %add3A : f32 to vector<64x256xf32>
    %add3A_25 = arith.addf %sub3A_20, %add3A_24 : vector<64x256xf32>
    %rsqrt3A = math.rsqrt %add3A_25 : vector<64x256xf32>
    %mul3A_26 = vector.broadcast %get3A_23 : vector<1x256xf32> to vector<64x256xf32>
    %mul3A_27 = arith.mulf %mul3A_26, %rsqrt3A : vector<64x256xf32>
    %swap3A = arith.constant 0 : index
    %swap3A_28 = arith.constant 0 : index
    %swap3A_29 = vector.load %arg6[%swap3A, %swap3A_28] : memref<64x256xf32, #tpu.memory_space<vmem>>, vector<64x256xf32>
    tpu.vector_store %arg6[%swap3A, %swap3A_28], %mul3A_27 {strides = array<i32>} : memref<64x256xf32, #tpu.memory_space<vmem>>, vector<64x256xf32>,
    %get3A_30 = arith.constant 0 : index
    %get3A_31 = arith.constant 0 : index
    %get3A_32 = vector.load %arg4[%get3A_30, %get3A_31] : memref<1x256xf32, #tpu.memory_space<vmem>>, vector<1x256xf32>
    %mul3A_33 = vector.broadcast %get3A_9 : vector<1x256xf32> to vector<64x256xf32>
    %mul3A_34 = arith.mulf %mul3A_27, %mul3A_33 : vector<64x256xf32>
    %mul3A_35 = arith.mulf %mul3A_34, %div3A : vector<64x256xf32>
    %sub3A_36 = vector.broadcast %get3A_32 : vector<1x256xf32> to vector<64x256xf32>
    %sub3A_37 = arith.subf %sub3A_36, %mul3A_35 : vector<64x256xf32>
    %swap3A_38 = arith.constant 0 : index
    %swap3A_39 = arith.constant 0 : index
    %swap3A_40 = vector.load %arg7[%swap3A_38, %swap3A_39] : memref<64x256xf32, #tpu.memory_space<vmem>>, vector<64x256xf32>
    tpu.vector_store %arg7[%swap3A_38, %swap3A_39], %sub3A_37 {strides = array<i32>} : memref<64x256xf32, #tpu.memory_space<vmem>>, vector<64x256xf32>,
    return
  }
}

module attributes {stable_mosaic.version = 14 : i64} {
  func.func @body(%arg0: i32, %arg1: memref<1024x256xf32, #tpu.memory_space<vmem>>, %arg2: memref<1024x1xf32, #tpu.memory_space<vmem>>, %arg3: memref<1x1024xf32, #tpu.memory_space<vmem>>, %arg4: memref<64x256xf32, #tpu.memory_space<vmem>>, %arg5: memref<64x256xf32, #tpu.memory_space<vmem>>, %arg6: memref<64x256xf32, #tpu.memory_space<vmem>>, %arg7: memref<256x10xf32, #tpu.memory_space<vmem>>, %arg8: memref<1x10xf32, #tpu.memory_space<vmem>>, %arg9: memref<64x10xf32, #tpu.memory_space<vmem>>, %arg10: memref<64x256xf32, #tpu.memory_space<vmem>>) attributes {dimension_semantics = [#tpu.dimension_semantics<arbitrary>], iteration_bounds = array<i64: 49>, scalar_prefetch = 0 : i64, scratch_operands = 1 : i64, tpu.core_type = #tpu.core_type<tc>, window_params = [{transform_indices = @transform_0, window_bounds = array<i64: 1024, 256>}, {transform_indices = @transform_1, window_bounds = array<i64: 1024, 1>}, {transform_indices = @transform_2, window_bounds = array<i64: 1, 1024>}, {pipeline_mode = #tpu.pipeline_mode<synchronous>, transform_indices = @transform_3, window_bounds = array<i64: 64, 256>}, {pipeline_mode = #tpu.pipeline_mode<synchronous>, transform_indices = @transform_4, window_bounds = array<i64: 64, 256>}, {pipeline_mode = #tpu.pipeline_mode<synchronous>, transform_indices = @transform_5, window_bounds = array<i64: 64, 256>}, {pipeline_mode = #tpu.pipeline_mode<synchronous>, transform_indices = @transform_6, window_bounds = array<i64: 256, 10>}, {pipeline_mode = #tpu.pipeline_mode<synchronous>, transform_indices = @transform_7, window_bounds = array<i64: 1, 10>}, {pipeline_mode = #tpu.pipeline_mode<synchronous>, transform_indices = @transform_8, window_bounds = array<i64: 64, 10>}]} {
    %eq3A = arith.constant 0 : i32
    %eq3A_0 = arith.cmpi eq, %arg0, %eq3A : i32
    %convert_element_type3A = arith.extui %eq3A_0 : i1 to i32
    %cond3A = arith.constant 0 : i32
    %cond3A_1 = arith.cmpi ne, %convert_element_type3A, %cond3A : i32
    scf.if %cond3A_1 {
      %broadcast_in_dim3A = arith.constant 0.000000e+00 : f32
      %broadcast_in_dim3A_46 = vector.broadcast %broadcast_in_dim3A : f32 to vector<64x256xf32>
      %swap3A_47 = arith.constant 0 : index
      %swap3A_48 = arith.constant 0 : index
      %swap3A_49 = vector.load %arg10[%swap3A_47, %swap3A_48] : memref<64x256xf32, #tpu.memory_space<vmem>>, vector<64x256xf32>
      tpu.vector_store %arg10[%swap3A_47, %swap3A_48], %broadcast_in_dim3A_46 {strides = array<i32>} : memref<64x256xf32, #tpu.memory_space<vmem>>, vector<64x256xf32>,
    } else {
    }
    %get3A = arith.constant 0 : index
    %get3A_2 = arith.constant 0 : index
    %get3A_3 = vector.load %arg2[%get3A, %get3A_2] : memref<1024x1xf32, #tpu.memory_space<vmem>>, vector<1024x1xf32>
    %iota3A = tpu.iota {dimensions = array<i32: 1>} : vector<1x64xi32>
    %convert_element_type3A_4 = arith.sitofp %iota3A : vector<1x64xi32> to vector<1x64xf32>
    %eq3A_5 = vector.broadcast %get3A_3 : vector<1024x1xf32> to vector<1024x64xf32>
    %eq3A_6 = vector.broadcast %convert_element_type3A_4 : vector<1x64xf32> to vector<1024x64xf32>
    %eq3A_7 = arith.cmpf oeq, %eq3A_5, %eq3A_6 : vector<1024x64xf32>
    %convert_element_type3A_8 = arith.extui %eq3A_7 : vector<1024x64xi1> to vector<1024x64xi32>
    %convert_element_type3A_9 = arith.sitofp %convert_element_type3A_8 : vector<1024x64xi32> to vector<1024x64xf32>
    %get3A_10 = arith.constant 0 : index
    %get3A_11 = arith.constant 0 : index
    %get3A_12 = vector.load %arg4[%get3A_10, %get3A_11] : memref<64x256xf32, #tpu.memory_space<vmem>>, vector<64x256xf32>
    %dot_general3A = arith.constant dense<0.000000e+00> : vector<1024x256xf32>
    %dot_general3A_13 = tpu.matmul %convert_element_type3A_9, %get3A_12, %dot_general3A {dimension_numbers = #tpu.dot_dimension_numbers<[1], [0], [0], [1], [0, 0, 1, 1], [], []>, precision = #tpu.contract_precision<fp32>, transpose_lhs_hint = false} : vector<1024x64xf32>, vector<64x256xf32>, vector<1024x256xf32> -> vector<1024x256xf32>
    %get3A_14 = arith.constant 0 : index
    %get3A_15 = arith.constant 0 : index
    %get3A_16 = vector.load %arg5[%get3A_14, %get3A_15] : memref<64x256xf32, #tpu.memory_space<vmem>>, vector<64x256xf32>
    %dot_general3A_17 = arith.constant dense<0.000000e+00> : vector<1024x256xf32>
    %dot_general3A_18 = tpu.matmul %convert_element_type3A_9, %get3A_16, %dot_general3A_17 {dimension_numbers = #tpu.dot_dimension_numbers<[1], [0], [0], [1], [0, 0, 1, 1], [], []>, precision = #tpu.contract_precision<fp32>, transpose_lhs_hint = false} : vector<1024x64xf32>, vector<64x256xf32>, vector<1024x256xf32> -> vector<1024x256xf32>
    %get3A_19 = arith.constant 0 : index
    %get3A_20 = arith.constant 0 : index
    %get3A_21 = vector.load %arg1[%get3A_19, %get3A_20] : memref<1024x256xf32, #tpu.memory_space<vmem>>, vector<1024x256xf32>
    %mul3A = arith.mulf %dot_general3A_13, %get3A_21 : vector<1024x256xf32>
    %add3A = arith.addf %mul3A, %dot_general3A_18 : vector<1024x256xf32>
    %max3A = arith.constant 0.000000e+00 : f32
    %max3A_22 = vector.broadcast %max3A : f32 to vector<1024x256xf32>
    %max3A_23 = arith.maximumf %add3A, %max3A_22 : vector<1024x256xf32>
    %get3A_24 = arith.constant 0 : index
    %get3A_25 = arith.constant 0 : index
    %get3A_26 = vector.load %arg3[%get3A_24, %get3A_25] : memref<1x1024xf32, #tpu.memory_space<vmem>>, vector<1x1024xf32>
    %iota3A_27 = tpu.iota {dimensions = array<i32: 0>} : vector<64x1024xi32>
    %convert_element_type3A_28 = arith.sitofp %iota3A_27 : vector<64x1024xi32> to vector<64x1024xf32>
    %eq3A_29 = vector.broadcast %get3A_26 : vector<1x1024xf32> to vector<64x1024xf32>
    %eq3A_30 = arith.cmpf oeq, %eq3A_29, %convert_element_type3A_28 : vector<64x1024xf32>
    %convert_element_type3A_31 = arith.extui %eq3A_30 : vector<64x1024xi1> to vector<64x1024xi32>
    %convert_element_type3A_32 = arith.sitofp %convert_element_type3A_31 : vector<64x1024xi32> to vector<64x1024xf32>
    %get3A_33 = arith.constant 0 : index
    %get3A_34 = arith.constant 0 : index
    %get3A_35 = vector.load %arg10[%get3A_33, %get3A_34] : memref<64x256xf32, #tpu.memory_space<vmem>>, vector<64x256xf32>
    %dot_general3A_36 = arith.constant dense<0.000000e+00> : vector<64x256xf32>
    %dot_general3A_37 = tpu.matmul %convert_element_type3A_32, %max3A_23, %dot_general3A_36 {dimension_numbers = #tpu.dot_dimension_numbers<[1], [0], [0], [1], [0, 0, 1, 1], [], []>, precision = #tpu.contract_precision<fp32>, transpose_lhs_hint = false} : vector<64x1024xf32>, vector<1024x256xf32>, vector<64x256xf32> -> vector<64x256xf32>
    %add3A_38 = arith.addf %get3A_35, %dot_general3A_37 : vector<64x256xf32>
    %swap3A = arith.constant 0 : index
    %swap3A_39 = arith.constant 0 : index
    %swap3A_40 = vector.load %arg10[%swap3A, %swap3A_39] : memref<64x256xf32, #tpu.memory_space<vmem>>, vector<64x256xf32>
    tpu.vector_store %arg10[%swap3A, %swap3A_39], %add3A_38 {strides = array<i32>} : memref<64x256xf32, #tpu.memory_space<vmem>>, vector<64x256xf32>,
    %eq3A_41 = arith.constant 48 : i32
    %eq3A_42 = arith.cmpi eq, %arg0, %eq3A_41 : i32
    %convert_element_type3A_43 = arith.extui %eq3A_42 : i1 to i32
    %cond3A_44 = arith.constant 0 : i32
    %cond3A_45 = arith.cmpi ne, %convert_element_type3A_43, %cond3A_44 : i32
    scf.if %cond3A_45 {
      %get3A_46 = arith.constant 0 : index
      %get3A_47 = arith.constant 0 : index
      %get3A_48 = vector.load %arg10[%get3A_46, %get3A_47] : memref<64x256xf32, #tpu.memory_space<vmem>>, vector<64x256xf32>
      %get3A_49 = arith.constant 0 : index
      %get3A_50 = arith.constant 0 : index
      %get3A_51 = vector.load %arg6[%get3A_49, %get3A_50] : memref<64x256xf32, #tpu.memory_space<vmem>>, vector<64x256xf32>
      %max3A_52 = arith.constant 1.000000e+00 : f32
      %max3A_53 = vector.broadcast %max3A_52 : f32 to vector<64x256xf32>
      %max3A_54 = arith.maximumf %get3A_51, %max3A_53 : vector<64x256xf32>
      %div3A = arith.divf %get3A_48, %max3A_54 : vector<64x256xf32>
      %get3A_55 = arith.constant 0 : index
      %get3A_56 = arith.constant 0 : index
      %get3A_57 = vector.load %arg7[%get3A_55, %get3A_56] : memref<256x10xf32, #tpu.memory_space<vmem>>, vector<256x10xf32>
      %dot_general3A_58 = arith.constant dense<0.000000e+00> : vector<64x10xf32>
      %dot_general3A_59 = tpu.matmul %div3A, %get3A_57, %dot_general3A_58 {dimension_numbers = #tpu.dot_dimension_numbers<[1], [0], [0], [1], [0, 0, 1, 1], [], []>, precision = #tpu.contract_precision<fp32>, transpose_lhs_hint = false} : vector<64x256xf32>, vector<256x10xf32>, vector<64x10xf32> -> vector<64x10xf32>
      %get3A_60 = arith.constant 0 : index
      %get3A_61 = arith.constant 0 : index
      %get3A_62 = vector.load %arg8[%get3A_60, %get3A_61] : memref<1x10xf32, #tpu.memory_space<vmem>>, vector<1x10xf32>
      %add3A_63 = vector.broadcast %get3A_62 : vector<1x10xf32> to vector<64x10xf32>
      %add3A_64 = arith.addf %dot_general3A_59, %add3A_63 : vector<64x10xf32>
      %swap3A_65 = arith.constant 0 : index
      %swap3A_66 = arith.constant 0 : index
      %swap3A_67 = vector.load %arg9[%swap3A_65, %swap3A_66] : memref<64x10xf32, #tpu.memory_space<vmem>>, vector<64x10xf32>
      tpu.vector_store %arg9[%swap3A_65, %swap3A_66], %add3A_64 {strides = array<i32>} : memref<64x10xf32, #tpu.memory_space<vmem>>, vector<64x10xf32>,
    } else {
    }
    return
  }
  func.func @transform_0(%arg0: i32) -> (i32, i32) {
    %c0_i32 = arith.constant 0 : i32
    %c0_i32_0 = arith.constant 0 : i32
    return %arg0, %c0_i32 : i32, i32
  }
  func.func @transform_1(%arg0: i32) -> (i32, i32) {
    %c0_i32 = arith.constant 0 : i32
    %c0_i32_0 = arith.constant 0 : i32
    return %arg0, %c0_i32 : i32, i32
  }
  func.func @transform_2(%arg0: i32) -> (i32, i32) {
    %c0_i32 = arith.constant 0 : i32
    %c0_i32_0 = arith.constant 0 : i32
    return %c0_i32, %arg0 : i32, i32
  }
  func.func @transform_3(%arg0: i32) -> (i32, i32) {
    %c0_i32 = arith.constant 0 : i32
    %c0_i32_0 = arith.constant 0 : i32
    %c0_i32_1 = arith.constant 0 : i32
    return %c0_i32, %c0_i32_0 : i32, i32
  }
  func.func @transform_4(%arg0: i32) -> (i32, i32) {
    %c0_i32 = arith.constant 0 : i32
    %c0_i32_0 = arith.constant 0 : i32
    %c0_i32_1 = arith.constant 0 : i32
    return %c0_i32, %c0_i32_0 : i32, i32
  }
  func.func @transform_5(%arg0: i32) -> (i32, i32) {
    %c0_i32 = arith.constant 0 : i32
    %c0_i32_0 = arith.constant 0 : i32
    %c0_i32_1 = arith.constant 0 : i32
    return %c0_i32, %c0_i32_0 : i32, i32
  }
  func.func @transform_6(%arg0: i32) -> (i32, i32) {
    %c0_i32 = arith.constant 0 : i32
    %c0_i32_0 = arith.constant 0 : i32
    %c0_i32_1 = arith.constant 0 : i32
    return %c0_i32, %c0_i32_0 : i32, i32
  }
  func.func @transform_7(%arg0: i32) -> (i32, i32) {
    %c0_i32 = arith.constant 0 : i32
    %c0_i32_0 = arith.constant 0 : i32
    %c0_i32_1 = arith.constant 0 : i32
    return %c0_i32, %c0_i32_0 : i32, i32
  }
  func.func @transform_8(%arg0: i32) -> (i32, i32) {
    %c0_i32 = arith.constant 0 : i32
    %c0_i32_0 = arith.constant 0 : i32
    %c0_i32_1 = arith.constant 0 : i32
    return %c0_i32, %c0_i32_0 : i32, i32
  }
}

</mosaic_0001>

<sc_bundles>
// kernel: kernel.10.cloned.1.call-start
scs
__scs_entry_jumppad:
0x0: {  	(pc) =	sbr.rel $0x88, $3  }
0x1: {  	(tag) =	ssettag $0x0;
	lr =	simm.s32 $0x1  }
0x2: {  	[smem:$0x3F8F] =	sst lr;
	_ =	strace $0xD0000000  }
0x3: {  	_ = 	snop  }
0x4: {  	_ = 	snop  }
0x5: {  	_ = 	snop  }
0x6: {  	_ = 	snop  }
0x7: {  	_ = 	snop  }
__scs_overlays_trampoline_lowered:
0x8: {  	[smem:$0x3F9E] =	sst s0  }
0x9: {  	[smem:$0x3F9F] =	sst s1  }
0xa: {  	[smem:$0x3FA0] =	sst s2  }
0xb: {  	[smem:$0x3FA1] =	sst s3  }
0xc: {  	[smem:$0x3FA2] =	sst s4  }
0xd: {  	[smem:$0x3FA3] =	sst s5  }
0xe: {  	[smem:$0x3FA4] =	sst s6  }
0xf: {  	[smem:$0x3FA5] =	sst s7  }
0x10: {  	[smem:$0x3FA6] =	sst s8  }
0x11: {  	[smem:$0x3FA7] =	sst s9;
	s0 =	simm.s32 @!p0 $0x0  }
0x12: {  	s1 =	sld [smem:$0x3F8D];
	s0 =	simm.s32 @p0 $0x1  }
0x13: {  	[smem:$0x3FA8] =	sst s0;
	s0 =	simm.s32 @!p1 $0x0  }
0x14: {  	s2 =	sld [smem:$0x3F8C];
	s0 =	simm.s32 @p1 $0x1  }
0x15: {  	[smem:$0x3FA9] =	sst s0;
	s0 =	simm.s32 @!p2 $0x0  }
0x16: {  	s3 =	sld [smem:$0x3FDB];
	s0 =	simm.s32 @p2 $0x1  }
0x17: {  	s4 =	simm.s32 $0x1BF5;
	[smem:$0x3FAB] =	sst s0  }
0x18: {  	s0 =	sld [smem:$0x3F8E];
	_ =	swait.ge [sflag:s4], $0x0  }
0x19: {  	s7 =	sld [smem:$0x3F8F]  }
0x1a: {  	s8 =	sadd.s32 $0xFFFFE003, lr  }
0x1b: {  	s9 =	sadd.s32 $0xFFFFFEF7, lr;
	s5 =	simm.s32 $0xFFFFFFFF;
	p2 =	slt.u32 s8, $0xFFFFF086  }
0x1c: {  	p1 =	slt.u32 s9, $0xF7A;
	s5 =	simm.s32 @!p2 $0x0  }
0x1d: {  	s5 =	simm.s32 @p1 $0x1;
	p0 =	seq.s32 s7, s2  }
0x1e: {  	s7 =	smul.u32 @!p0 $0xF7A, s2;
	p2 =	seq.s32 @!p0 s5, $0x0  }
0x1f: {  	s9 =	smul.u32 $0xF7A, s1;
	s8 =	simm.s32 @!p0 $0x1BF5;
	p2 =	por !p2, p0  }
0x20: {  	[sflag:s8] =	ssyncset.s32 @!p0 $0xFFFFF086;
	s6 =	sadd.s32 @!p0 s3, s7;
	s7 =	simm.s32 @!p0 $0x108  }
0x21: {  	s3 =	sadd.s32 s3, s9;
	s6 =	sadd.s32 @!p0 $0x88, s6;
	s7 =	simm.s32 @p2 $0x1082  }
0x22: {  	[simem:s7], [sflag:s8] =	dma.local @!p0 [hbm:s6], $0xF7A  }
0x23: {  	s9 =	sor.u32 $0xD0000000, s2;
	s6 =	simm.s32 $0x108;
	_ =	swait.ge @!p0 [sflag:s8], $0x0  }
0x24: {  	s3 =	sadd.s32 $0x88, s3;
	s6 =	simm.s32 @!p1 $0x1082;
	[sflag:s4] =	ssyncset.s32 $0xFFFFF086  }
0x25: {  	[simem:s6], [sflag:s4] =	dma.local [hbm:s3], $0xF7A  }
0x26: {  	[smem:$0x3F8F] =	sst s1;
	(tag) =	ssettag s2;
	_ =	strace s9  }
0x27: {  	s1 =	sld [smem:$0x3F9F]  }
0x28: {  	s2 =	sld [smem:$0x3FA0]  }
0x29: {  	s4 =	sld [smem:$0x3FA2]  }
0x2a: {  	p0 =	seq.s32 s5, $0x0;
	s5 =	sld [smem:$0x3FA3]  }
0x2b: {  	s6 =	sld [smem:$0x3FA4]  }
0x2c: {  	s7 =	sld [smem:$0x3FA5]  }
0x2d: {  	s3 =	simm.s32 $0x108;
	s8 =	sld [smem:$0x3FA6]  }
0x2e: {  	s3 =	simm.s32 @!p0 $0x1082;
	s9 =	sld [smem:$0x3FA7]  }
0x2f: {  	lr =	sadd.s32 s0, s3;
	s0 =	sld [smem:$0x3F9E]  }
0x30: {  	s3 =	sld [smem:$0x3FA1]  }
0x31: {  	[smem:$0x3FAA] =	sst s10  }
0x32: {  	s10 =	sld [smem:$0x3FA8];
	_ =	sdelay $0x3  }
0x33: {  	p0 =	seq.s32 s10, $0x1;
	s10 =	sld [smem:$0x3FAA];
	_ =	sdelay $0x3  }
0x34: {  	[smem:$0x3FAA] =	sst s10  }
0x35: {  	s10 =	sld [smem:$0x3FA9];
	_ =	sdelay $0x3  }
0x36: {  	p1 =	seq.s32 s10, $0x1;
	s10 =	sld [smem:$0x3FAA];
	_ =	sdelay $0x3  }
0x37: {  	[smem:$0x3FAA] =	sst s10  }
0x38: {  	s10 =	sld [smem:$0x3FAB]  }
0x39: {  	_ = 	snop;
	(pc) =	sbr.ind lr, $3  }
0x3a: {  	_ = 	snop  }
0x3b: {  	_ = 	snop  }
0x3c: {  	p2 =	seq.s32 s10, $0x1;
	s10 =	sld [smem:$0x3FAA]  }
0x3d: {  	_ =	shalt  }
0x3e: {  	_ =	shalt  }
0x3f: {  	_ =	shalt  }
0x40: {  	_ =	shalt  }
0x41: {  	_ =	shalt  }
0x42: {  	_ =	shalt  }
0x43: {  	_ =	shalt  }
0x44: {  	_ =	shalt  }
0x45: {  	_ =	shalt  }
0x46: {  	_ =	shalt  }
0x47: {  	_ =	shalt  }
0x48: {  	_ =	shalt  }
0x49: {  	_ =	shalt  }
0x4a: {  	_ =	shalt  }
0x4b: {  	_ =	shalt  }
0x4c: {  	_ =	shalt  }
0x4d: {  	_ =	shalt  }
0x4e: {  	_ =	shalt  }
0x4f: {  	_ =	shalt  }
0x50: {  	_ =	shalt  }
0x51: {  	_ =	shalt  }
0x52: {  	_ =	shalt  }
0x53: {  	_ =	shalt  }
0x54: {  	_ =	shalt  }
0x55: {  	_ =	shalt  }
0x56: {  	_ =	shalt  }
0x57: {  	_ =	shalt  }
0x58: {  	_ =	shalt  }
0x59: {  	_ =	shalt  }
0x5a: {  	_ =	shalt  }
0x5b: {  	_ =	shalt  }
0x5c: {  	_ =	shalt  }
0x5d: {  	_ =	shalt  }
0x5e: {  	_ =	shalt  }
0x5f: {  	_ =	shalt  }
0x60: {  	_ =	shalt  }
0x61: {  	_ =	shalt  }
0x62: {  	_ =	shalt  }
0x63: {  	_ =	shalt  }
0x64: {  	_ =	shalt  }
0x65: {  	_ =	shalt  }
0x66: {  	_ =	shalt  }
0x67: {  	_ =	shalt  }
0x68: {  	_ =	shalt  }
0x69: {  	_ =	shalt  }
0x6a: {  	_ =	shalt  }
0x6b: {  	_ =	shalt  }
0x6c: {  	_ =	shalt  }
0x6d: {  	_ =	shalt  }
0x6e: {  	_ =	shalt  }
0x6f: {  	_ =	shalt  }
0x70: {  	_ =	shalt  }
0x71: {  	_ =	shalt  }
0x72: {  	_ =	shalt  }
0x73: {  	_ =	shalt  }
0x74: {  	_ =	shalt  }
0x75: {  	_ =	shalt  }
0x76: {  	_ =	shalt  }
0x77: {  	_ =	shalt  }
0x78: {  	_ =	shalt  }
0x79: {  	_ =	shalt  }
0x7a: {  	_ =	shalt  }
0x7b: {  	_ =	shalt  }
0x7c: {  	_ =	shalt  }
0x7d: {  	_ =	shalt  }
0x7e: {  	_ =	shalt  }
0x7f: {  	_ =	shalt  }
0x80: {  	_ =	shalt  }
0x81: {  	_ =	shalt  }
0x82: {  	_ =	shalt  }
0x83: {  	_ =	shalt  }
0x84: {  	_ =	shalt  }
0x85: {  	_ =	shalt  }
0x86: {  	_ =	shalt  }
0x87: {  	_ =	shalt  }
.Lfunc_end0:
.L_simem_size_0:
called_computation_lowered:
.L_overlay_start_0:
0x88: {  	s2 =	sld [smem:$0x3FD9]  }
0x89: {  	s3 =	sld [smem:$0x3FFE];
	_ =	sdelay $0x1  }
0x8a: {  	s1 =	srdreg.scid  }
0x8b: {  	s0 =	sand.u32 $0x1, s1  }
0x8c: {  	s16 =	sshll.u32 s0, $0xA;
	s2 =	sadd.s32 s3, s2  }
0x8d: {  	s2 =	sadd.s32 s2, s16  }
0x8e: {  	[smem:$0x3FB6] =	sst s2  }
0x8f: {  	_ = 	snop  }
0x90: {  	(tm) =	ssettm $0x1  }
0x91: {  	s17 =	sld [smem:$0x3FFB];
	_ =	sdelay $0x3  }
0x92: {  	_ =	strace s17  }
0x93: {  	s2 =	sld [smem:$0x3FFC];
	_ =	sdelay $0x3  }
0x94: {  	_ =	strace s2  }
0x95: {  	s2 =	sld [smem:$0x3FFD];
	_ =	sdelay $0x3  }
0x96: {  	_ =	strace s2  }
0x97: {  	_ =	strace $0x8FFFFFFF  }
0x98: {  	s18 =	sld [smem:$0x3FDB];
	_ =	sdelay $0x1  }
0x99: {  	s19 =	simm.s32 $_scs_section_size  }
0x9a: {  	s4 =	simm.s32 $_size__tile_overlayer_lowered;
	s5 =	simm.s32 $_tile_overlayer_lowered  }
0x9b: {  	s22 =	simm.s32 $0x1BFF;
	s21 =	sshll.u32 s5, $0x1;
	s2 =	sadd.s32 s19, s18  }
0x9c: {  	s6 =	simm.s32 $0x0;
	s20 =	sshll.u32 s4, $0x1;
	s4 =	sadd.s32 s21, s2  }
0x9d: {  	[timem:s6], [sflag:s22] =	dma.local [hbm:s4], s20  }
0x9e: {  	_ =	swait.ge [sflag:s22], s20  }
0x9f: {  	s3 =	ssub.s32 $0x0, s20;
	[sflag:s22] =	ssyncset.done $0x0  }
0xa0: {  	[sflag:s22] =	ssyncadd.s32 s3;
	_ =	sdelay $0x1  }
0xa1: {  	s23 =	simm.s32 $0x1B8B  }
0xa2: {  	_ =	swait.ge [sflag:s23], $0x1  }
0xa3: {  	[sflag:s23] =	ssyncset.done $0x0  }
0xa4: {  	s25 =	simm.s32 $0x1B8E;
	s24 =	sld [smem:$0x3FFE];
	[sflag:s23] =	ssyncadd.s32 $0xFFFFFFFF  }
0xa5: {  	s26 =	simm.s32 $execute0_lowered;
	[smem:$0x3FD2] =	sst s25  }
0xa6: {  	s4 =	sshll.u32 s26, $0x1;
	_ =	strace $0x80000046;
	[dreg:$0x1] =	wrdreg $0xFFFFFFFF  }
0xa7: {  	s28 =	simm.s32 $_size_execute0_lowered;
	s2 =	sadd.s32 s2, s4;
	[dreg:$0x0] =	wrdreg $0x0  }
0xa8: {  	s4 =	sshll.u32 s28, $0x1;
	[dreg:$0x2] =	wrdreg s2  }
0xa9: {  	[dreg:$0x3] =	wrdreg s4  }
0xaa: {  	[dreg:$0x4] =	wrdreg $0xC0  }
0xab: {  	_ =	task [dreg:s6], $0x5FFFF  }
0xac: {  	[dreg:$0x1] =	wrdreg $0xFFFFFFFF  }
0xad: {  	[dreg:$0x0] =	wrdreg $0x60  }
0xae: {  	[dreg:$0x2] =	wrdreg s24  }
0xaf: {  	[dreg:$0x3] =	wrdreg $0x14000  }
0xb0: {  	[dreg:$0x4] =	wrdreg $0x45000  }
0xb1: {  	[dreg:$0x5] =	wrdreg $0x9  }
0xb2: {  	_ =	task.clear_ibuf [dreg:s6], $0x6FFFF;
	_ =	strace $0x90000046  }
0xb3: {  	s29 =	simm.s32 $0x9;
	_ =	strace $0x80000048  }
0xb4: {  	_ =	swait.ge [sflag:s29], $0x1  }
0xb5: {  	[sflag:s29] =	ssyncadd.s32 $0xFFFFFFFF  }
0xb6: {  	_ =	strace $0x90000048  }
0xb7: {  	_ =	sfence  }
0xb8: {  	s30 =	sld [smem:$0x0];
	_ =	sdelay $0x2  }
0xb9: {  	s31 =	sshll.u32 s1, $0xD;
	s1 =	sshrl.u32 s1, $0x2  }
0xba: {  	s3 =	sand.u32 $0x4000, s31;
	s1 =	sadd.s32 s1, s30  }
0xbb: {  	s0 =	sor.u32 s3, s0;
	s1 =	sshll.u32 s1, $0x11  }
0xbc: {  	s0 =	sor.u32 s1, s0  }
0xbd: {  	s0 =	sadd.s32 $0x8F2B, s0  }
0xbe: {  	[sflag:s0] =	ssyncadd.remote.s32 $0x1  }
0xbf: {  	_ =	sfence.sel $0xFFFF  }
0xc0: {  	[dreg:$0x0] =	wrdreg $0xFFFFFFFF;
	(pc) =	sbr.abs _section_cstart, $3  }
0xc1: {  	[dreg:$0x1] =	wrdreg $0xFFFFFFFF  }
0xc2: {  	_ =	task.clear_ibuf [dreg:s6], $0x2FFFF;
	_ =	strace $0x9FFFFFFF  }
0xc3: {  	(tm) =	ssettm $0x7FFFFFFF  }
tec
execute0_lowered:
.L_overlay_start_1:
0x0: {  	(tag) =	ssettag $0x1  }
0x1: {  	s6 =	rddreg [dreg:$0x0]  }
0x2: {  	s2 =	rddreg [dreg:$0x1];
	s1 =	srdreg.scid  }
0x3: {  	s0 =	stileid.u32;
	s3 =	rddreg [dreg:$0x2]  }
0x4: {  	s4 =	simm.s32 $0x0;
	s16 =	simm.s32 $0x500;
	s17 =	simm.s32 $0xA00  }
0x5: {  	s18 =	simm.s32 $0x1;
	s19 =	simm.s32 $0xF00;
	s20 =	simm.s32 $0x20  }
0x6: {  	s21 =	simm.s32 $0x10;
	s22 =	simm.s32 $0x0;
	s5 =	smul.u32 $0xC800, s0  }
0x7: {  	s7 =	sand.u32 $0x1, s1;
	s1 =	rddreg [dreg:$0x3];
	s26 =	smul.u32 $0x6200, s0  }
0x8: {  	[smem:$0x7FF] =	sst s4;
	s10 =	smul.u32 $0x3100, s0;
	s31 =	sshll.u32 s0, $0x6  }
0x9: {  	s8 =	smul.u32 $0x6400, s7;
	s11 =	sshll.u32 s7, $0x7;
	s7 =	ssub.s32 $0x2, s7  }
0xa: {  	_ =	strace $0x80000047;
	s28 =	sshrl.u32 s10, $0x3;
	s30 =	sshrl.u32 s7, $0x1  }
0xb: {  	s14 =	sadd.s32 s10, s2;
	s15 =	sadd.s32 s10, s3;
	s5 =	sadd.s32 s8, s5  }
0xc: {  	s8 =	sor.u32 s11, s26;
	s13 =	ssub.s32 s7, s30;
	s7 =	sor.u32 $0x1C02, s31  }
0xd: {  	s15 =	sshrl.u32 s15, $0x3;
	s9 =	sshrl.u32 s5, $0x3;
	s5 =	sadd.s32 $0x35200, s6  }
0xe: {  	s8 =	sshrl.u32 s8, $0x3;
	s10 =	smax.u32 s13, $0x1;
	s13 =	sshrl.u32 s14, $0x3  }
0xf: {  	s12 =	sadd.s32 s9, s6;
	s9 =	sadd.s32 s28, s6;
	s29 =	sadd.s32 s8, s6  }
0x10: {  	s14 =	simm.s32 $0x2;
	s6 =	sadd.s32 $0x36C00, s9;
	s8 =	sadd.s32 $0x49200, s29  }
0x11: {  	v0 =	vimm.f32 $1.000000000e+00;
	s9 =	sadd.s32 $0x3CE00, s29;
	s11 =	sadd.s32 $0x3200, s12;
	s12 =	sadd.s32 $0x1C200, s12  }
.LBB2_1:
0x12: {  	[spmem:s13], [sflag:s7] =	dma.local [hbm:s6], $0x620  }
0x13: {  	_ =	swait.ge [sflag:s14], $0x620  }
0x14: {  	[sflag:s14] =	ssyncset.done $0x0  }
0x15: {  	[sflag:s14] =	ssyncadd.s32 $0xFFFFF9E0  }
0x16: {  	[spmem:s15], [sflag:s7] =	dma.local [hbm:s6], $0x620  }
0x17: {  	_ =	swait.ge [sflag:s14], $0x620  }
0x18: {  	[sflag:s14] =	ssyncset.done $0x0  }
0x19: {  	s23 =	simm.s32 $0x40;
	s24 =	simm.s32 $0x0;
	[sflag:s14] =	ssyncadd.s32 $0xFFFFF9E0  }
.LBB2_2:
0x1a: {  	p0 =	sne.s32 s23, $0x13C0;
	[tilespmem:s24+$0xF00] =	vst v0;
	s24 =	smov.u32 s23;
	s23 =	sadd.s32 $0x40, s23  }
.Ltmp0:
0x1b: {  	(pc) =	sbr.rel @p0 .LBB2_2-.Ltmp0, $2  }
0x1c: {  	_ =	sdelay $0x2  }
0x1d: {  	s24 =	sshra.s32 s24, $0x2  }
0x1e: {  	[tilespmem:s24+$0xF00] =	vst v0  }
0x1f: {  	s23 =	sadd.s32 $0x0, s12;
	[bflag:$0x0] =	sbarrier.arrive $0xFFFF  }
0x20: {  	[tilespmem:s4], [sflag:$0x2] =	stream.linear.gather [hbm4b:s23+s4], $0x500, $0x38;
	[tilespmem:$0x7600] =	vst v63  }
0x21: {  	_ =	swait.ge [sflag:s14], $0x500  }
0x22: {  	[sflag:s14] =	ssyncset.done $0x0  }
0x23: {  	s31 =	sadd.s32 $0x0, s11;
	[sflag:s14] =	ssyncadd.s32 $0xFFFFFB00  }
0x24: {  	[tilespmem:s16], [sflag:$0x2] =	stream.linear.gather [hbm4b:s31+s4], $0x500, $0x38;
	[tilespmem:$0x7600] =	vst v63  }
0x25: {  	_ =	swait.ge [sflag:s14], $0x500  }
0x26: {  	[sflag:s14] =	ssyncset.done $0x0  }
0x27: {  	[sflag:s14] =	ssyncadd.s32 $0xFFFFFB00  }
0x28: {  	[tilespmem:s17], [sflag:$0x1] =	stream.indirect.gather [hbm4b:s5+s16], $0x1, s4, s16, $0xb8;
	[tilespmem:$0x7600] =	vst v63  }
0x29: {  	_ =	swait.ge [sflag:s18], $0x500  }
0x2a: {  	[sflag:s18] =	ssyncset.done $0x0  }
0x2b: {  	[sflag:s18] =	ssyncadd.s32 $0xFFFFFB00  }
0x2c: {  	[spmem:s2] =	stream.indirect.scatter.add.f32 [tilespmem:s17], [sflag:$0x2], $0x1, s16, s16, $0xb8;
	[tilespmem:$0x7600] =	vst v63  }
0x2d: {  	_ =	swait.ge [sflag:s14], $0x500  }
0x2e: {  	[sflag:s14] =	ssyncset.done $0x0  }
0x2f: {  	[sflag:s14] =	ssyncadd.s32 $0xFFFFFB00  }
0x30: {  	[spmem:s3] =	stream.indirect.scatter.add.f32 [tilespmem:s19], [sflag:$0x2], $0x1, s16, s16, $0xb8;
	[tilespmem:$0x7600] =	vst v63  }
0x31: {  	_ =	swait.ge [sflag:s14], $0x500  }
0x32: {  	s24 =	simm.s32 $0x140;
	s23 =	simm.s32 $0xA0;
	[sflag:s14] =	ssyncset.done $0x0  }
.LBB2_4:
0x33: {  	s25 =	sadd.s32 s23, s12  }
0x34: {  	[sflag:s14] =	ssyncadd.s32 $0xFFFFFB00;
	s26 =	smov.u32 s24;
	s28 =	sadd.s32 $0xA0, s24  }
0x35: {  	[tilespmem:s4], [sflag:$0x2] =	stream.linear.gather [hbm4b:s25+s4], $0x500, $0x38;
	[tilespmem:$0x7600] =	vst v63  }
0x36: {  	p0 =	sne.s32 s24, $0xBE0;
	_ =	swait.ge [sflag:s14], $0x500  }
0x37: {  	[sflag:s14] =	ssyncset.done $0x0  }
0x38: {  	s24 =	sadd.s32 s23, s11;
	s23 =	smov.u32 s26;
	[sflag:s14] =	ssyncadd.s32 $0xFFFFFB00  }
0x39: {  	[tilespmem:s16], [sflag:$0x2] =	stream.linear.gather [hbm4b:s24+s4], $0x500, $0x38;
	[tilespmem:$0x7600] =	vst v63  }
0x3a: {  	_ =	swait.ge [sflag:s14], $0x500  }
0x3b: {  	[sflag:s14] =	ssyncset.done $0x0  }
0x3c: {  	[sflag:s14] =	ssyncadd.s32 $0xFFFFFB00  }
0x3d: {  	[tilespmem:s17], [sflag:$0x1] =	stream.indirect.gather [hbm4b:s5+s16], $0x1, s4, s16, $0xb8;
	[tilespmem:$0x7600] =	vst v63  }
0x3e: {  	_ =	swait.ge [sflag:s18], $0x500  }
0x3f: {  	[sflag:s18] =	ssyncset.done $0x0  }
0x40: {  	[sflag:s18] =	ssyncadd.s32 $0xFFFFFB00  }
0x41: {  	[spmem:s2] =	stream.indirect.scatter.add.f32 [tilespmem:s17], [sflag:$0x2], $0x1, s16, s16, $0xb8;
	[tilespmem:$0x7600] =	vst v63  }
0x42: {  	_ =	swait.ge [sflag:s14], $0x500  }
.Ltmp1:
0x43: {  	[sflag:s14] =	ssyncset.done $0x0;
	(pc) =	sbr.rel @p0 .LBB2_4-.Ltmp1, $4  }
0x44: {  	[sflag:s14] =	ssyncadd.s32 $0xFFFFFB00  }
0x45: {  	[spmem:s3] =	stream.indirect.scatter.add.f32 [tilespmem:s19], [sflag:$0x2], $0x1, s16, s16, $0xb8;
	[tilespmem:$0x7600] =	vst v63  }
0x46: {  	_ =	swait.ge [sflag:s14], $0x500  }
0x47: {  	s24 =	smov.u32 s28;
	[sflag:s14] =	ssyncset.done $0x0  }
0x48: {  	s24 =	sadd.s32 s23, s12;
	[sflag:s14] =	ssyncadd.s32 $0xFFFFFB00  }
0x49: {  	[tilespmem:s4], [sflag:$0x2] =	stream.linear.gather [hbm4b:s24+s4], $0x500, $0x38;
	[tilespmem:$0x7600] =	vst v63  }
0x4a: {  	_ =	swait.ge [sflag:s14], $0x500  }
0x4b: {  	[sflag:s14] =	ssyncset.done $0x0  }
0x4c: {  	s31 =	sadd.s32 s23, s11;
	[sflag:s14] =	ssyncadd.s32 $0xFFFFFB00  }
0x4d: {  	[tilespmem:s16], [sflag:$0x2] =	stream.linear.gather [hbm4b:s31+s4], $0x500, $0x38;
	[tilespmem:$0x7600] =	vst v63  }
0x4e: {  	_ =	swait.ge [sflag:s14], $0x500  }
0x4f: {  	[sflag:s14] =	ssyncset.done $0x0  }
0x50: {  	[sflag:s14] =	ssyncadd.s32 $0xFFFFFB00  }
0x51: {  	[tilespmem:s17], [sflag:$0x1] =	stream.indirect.gather [hbm4b:s5+s16], $0x1, s4, s16, $0xb8;
	[tilespmem:$0x7600] =	vst v63  }
0x52: {  	_ =	swait.ge [sflag:s18], $0x500  }
0x53: {  	[sflag:s18] =	ssyncset.done $0x0  }
0x54: {  	[sflag:s18] =	ssyncadd.s32 $0xFFFFFB00  }
0x55: {  	[spmem:s2] =	stream.indirect.scatter.add.f32 [tilespmem:s17], [sflag:$0x2], $0x1, s16, s16, $0xb8;
	[tilespmem:$0x7600] =	vst v63  }
0x56: {  	_ =	swait.ge [sflag:s14], $0x500  }
0x57: {  	[sflag:s14] =	ssyncset.done $0x0  }
0x58: {  	[sflag:s14] =	ssyncadd.s32 $0xFFFFFB00  }
0x59: {  	[spmem:s3] =	stream.indirect.scatter.add.f32 [tilespmem:s19], [sflag:$0x2], $0x1, s16, s16, $0xb8;
	[tilespmem:$0x7600] =	vst v63  }
0x5a: {  	_ =	swait.ge [sflag:s14], $0x500  }
0x5b: {  	[sflag:s14] =	ssyncset.done $0x0  }
0x5c: {  	[sflag:s14] =	ssyncadd.s32 $0xFFFFFB00  }
0x5d: {  	[bflag:$0x0] =	sbarrier.arrive $0xFFFF  }
0x5e: {  	[hbm:s8@s20], [sflag:s7] =	dma.strided [spmem:s13@s21], $0x620, s18, $0x10   }
0x5f: {  	s22 =	sadd.s32 $0x1, s22;
	_ =	swait.ge [sflag:s14], $0x620  }
0x60: {  	p0 =	sne.s32 s22, s10;
	[sflag:s14] =	ssyncset.done $0x0  }
.Ltmp2:
0x61: {  	[sflag:s14] =	ssyncadd.s32 $0xFFFFF9E0;
	(pc) =	sbr.rel @p0 .LBB2_1-.Ltmp2, $4  }
0x62: {  	[hbm:s9@s20], [sflag:s7] =	dma.strided [spmem:s15@s21], $0x620, s18, $0x10   }
0x63: {  	_ =	swait.ge [sflag:s14], $0x620  }
0x64: {  	[sflag:s14] =	ssyncset.done $0x0  }
0x65: {  	[sflag:s14] =	ssyncadd.s32 $0xFFFFF9E0  }
0x66: {  	_ =	sfence.sel $0x180000  }
0x67: {  	[bflag:$0x0] =	sbarrier.arrive $0xFFFF  }
0x68: {  	p0 =	sne.s32 s0, $0x0;
	_ =	strace $0x90000047  }
0x69: {  	s0 =	sadd.s32 @!p0 $0x100000, s1;
	[bflag:$0x2] =	sbarrier.arrive $0xFFFF  }
0x6a: {  	[sflag:s0] =	ssyncadd.tile.s32 @!p0 $0x1;
	_ =	shalt  }
.Lfunc_end2:
_tile_overlayer_lowered:
.L_overlay_start_2:
0x6b: {  	(tag) =	ssettag $0x2  }
0x6c: {  	s0 =	rddreg [dreg:$0x0];
	s2 =	stileid.u32  }
0x6d: {  	s1 =	rddreg [dreg:$0x1];
	p0 =	sne.s32 s2, $0x0  }
0x6e: {  	s3 =	rddreg [dreg:$0x2];
	[bflag:$0x3] =	sbarrier.arrive $0xFFFF;
	s2 =	simm.s32 @!p0 $0x1C02  }
0x6f: {  	[timem:s3], [sflag:s2] =	dma.local @!p0 [hbm:s0], s1  }
0x70: {  	s0 =	simm.s32 @!p0 $0x2  }
0x71: {  	_ =	swait.ge @!p0 [sflag:s0], s1  }
0x72: {  	s1 =	ssub.s32 @!p0 $0x0, s1;
	[sflag:s0] =	ssyncset.done @!p0 $0x0  }
0x73: {  	[sflag:s0] =	ssyncadd.s32 @!p0 s1  }
0x74: {  	[bflag:$0x3] =	sbarrier.arrive $0xFFFF  }
0x75: {  	_ =	shalt  }

// kernel: kernel.13.cloned.1.call-start
scs
__scs_entry_jumppad:
0x0: {  	(pc) =	sbr.rel $0x88, $3  }
0x1: {  	(tag) =	ssettag $0x0;
	lr =	simm.s32 $0x1  }
0x2: {  	[smem:$0x3F8F] =	sst lr;
	_ =	strace $0xD0000000  }
0x3: {  	_ = 	snop  }
0x4: {  	_ = 	snop  }
0x5: {  	_ = 	snop  }
0x6: {  	_ = 	snop  }
0x7: {  	_ = 	snop  }
__scs_overlays_trampoline_lowered:
0x8: {  	[smem:$0x3F9E] =	sst s0  }
0x9: {  	[smem:$0x3F9F] =	sst s1  }
0xa: {  	[smem:$0x3FA0] =	sst s2  }
0xb: {  	[smem:$0x3FA1] =	sst s3  }
0xc: {  	[smem:$0x3FA2] =	sst s4  }
0xd: {  	[smem:$0x3FA3] =	sst s5  }
0xe: {  	[smem:$0x3FA4] =	sst s6  }
0xf: {  	[smem:$0x3FA5] =	sst s7  }
0x10: {  	[smem:$0x3FA6] =	sst s8  }
0x11: {  	[smem:$0x3FA7] =	sst s9;
	s0 =	simm.s32 @!p0 $0x0  }
0x12: {  	s1 =	sld [smem:$0x3F8D];
	s0 =	simm.s32 @p0 $0x1  }
0x13: {  	[smem:$0x3FA8] =	sst s0;
	s0 =	simm.s32 @!p1 $0x0  }
0x14: {  	s2 =	sld [smem:$0x3F8C];
	s0 =	simm.s32 @p1 $0x1  }
0x15: {  	[smem:$0x3FA9] =	sst s0;
	s0 =	simm.s32 @!p2 $0x0  }
0x16: {  	s3 =	sld [smem:$0x3FDB];
	s0 =	simm.s32 @p2 $0x1  }
0x17: {  	s4 =	simm.s32 $0x1BF5;
	[smem:$0x3FAB] =	sst s0  }
0x18: {  	s0 =	sld [smem:$0x3F8E];
	_ =	swait.ge [sflag:s4], $0x0  }
0x19: {  	s7 =	sld [smem:$0x3F8F]  }
0x1a: {  	s8 =	sadd.s32 $0xFFFFE003, lr  }
0x1b: {  	s9 =	sadd.s32 $0xFFFFFEF7, lr;
	s5 =	simm.s32 $0xFFFFFFFF;
	p2 =	slt.u32 s8, $0xFFFFF086  }
0x1c: {  	p1 =	slt.u32 s9, $0xF7A;
	s5 =	simm.s32 @!p2 $0x0  }
0x1d: {  	s5 =	simm.s32 @p1 $0x1;
	p0 =	seq.s32 s7, s2  }
0x1e: {  	s7 =	smul.u32 @!p0 $0xF7A, s2;
	p2 =	seq.s32 @!p0 s5, $0x0  }
0x1f: {  	s9 =	smul.u32 $0xF7A, s1;
	s8 =	simm.s32 @!p0 $0x1BF5;
	p2 =	por !p2, p0  }
0x20: {  	[sflag:s8] =	ssyncset.s32 @!p0 $0xFFFFF086;
	s6 =	sadd.s32 @!p0 s3, s7;
	s7 =	simm.s32 @!p0 $0x108  }
0x21: {  	s3 =	sadd.s32 s3, s9;
	s6 =	sadd.s32 @!p0 $0x88, s6;
	s7 =	simm.s32 @p2 $0x1082  }
0x22: {  	[simem:s7], [sflag:s8] =	dma.local @!p0 [hbm:s6], $0xF7A  }
0x23: {  	s9 =	sor.u32 $0xD0000000, s2;
	s6 =	simm.s32 $0x108;
	_ =	swait.ge @!p0 [sflag:s8], $0x0  }
0x24: {  	s3 =	sadd.s32 $0x88, s3;
	s6 =	simm.s32 @!p1 $0x1082;
	[sflag:s4] =	ssyncset.s32 $0xFFFFF086  }
0x25: {  	[simem:s6], [sflag:s4] =	dma.local [hbm:s3], $0xF7A  }
0x26: {  	[smem:$0x3F8F] =	sst s1;
	(tag) =	ssettag s2;
	_ =	strace s9  }
0x27: {  	s1 =	sld [smem:$0x3F9F]  }
0x28: {  	s2 =	sld [smem:$0x3FA0]  }
0x29: {  	s4 =	sld [smem:$0x3FA2]  }
0x2a: {  	p0 =	seq.s32 s5, $0x0;
	s5 =	sld [smem:$0x3FA3]  }
0x2b: {  	s6 =	sld [smem:$0x3FA4]  }
0x2c: {  	s7 =	sld [smem:$0x3FA5]  }
0x2d: {  	s3 =	simm.s32 $0x108;
	s8 =	sld [smem:$0x3FA6]  }
0x2e: {  	s3 =	simm.s32 @!p0 $0x1082;
	s9 =	sld [smem:$0x3FA7]  }
0x2f: {  	lr =	sadd.s32 s0, s3;
	s0 =	sld [smem:$0x3F9E]  }
0x30: {  	s3 =	sld [smem:$0x3FA1]  }
0x31: {  	[smem:$0x3FAA] =	sst s10  }
0x32: {  	s10 =	sld [smem:$0x3FA8];
	_ =	sdelay $0x3  }
0x33: {  	p0 =	seq.s32 s10, $0x1;
	s10 =	sld [smem:$0x3FAA];
	_ =	sdelay $0x3  }
0x34: {  	[smem:$0x3FAA] =	sst s10  }
0x35: {  	s10 =	sld [smem:$0x3FA9];
	_ =	sdelay $0x3  }
0x36: {  	p1 =	seq.s32 s10, $0x1;
	s10 =	sld [smem:$0x3FAA];
	_ =	sdelay $0x3  }
0x37: {  	[smem:$0x3FAA] =	sst s10  }
0x38: {  	s10 =	sld [smem:$0x3FAB]  }
0x39: {  	_ = 	snop;
	(pc) =	sbr.ind lr, $3  }
0x3a: {  	_ = 	snop  }
0x3b: {  	_ = 	snop  }
0x3c: {  	p2 =	seq.s32 s10, $0x1;
	s10 =	sld [smem:$0x3FAA]  }
0x3d: {  	_ =	shalt  }
0x3e: {  	_ =	shalt  }
0x3f: {  	_ =	shalt  }
0x40: {  	_ =	shalt  }
0x41: {  	_ =	shalt  }
0x42: {  	_ =	shalt  }
0x43: {  	_ =	shalt  }
0x44: {  	_ =	shalt  }
0x45: {  	_ =	shalt  }
0x46: {  	_ =	shalt  }
0x47: {  	_ =	shalt  }
0x48: {  	_ =	shalt  }
0x49: {  	_ =	shalt  }
0x4a: {  	_ =	shalt  }
0x4b: {  	_ =	shalt  }
0x4c: {  	_ =	shalt  }
0x4d: {  	_ =	shalt  }
0x4e: {  	_ =	shalt  }
0x4f: {  	_ =	shalt  }
0x50: {  	_ =	shalt  }
0x51: {  	_ =	shalt  }
0x52: {  	_ =	shalt  }
0x53: {  	_ =	shalt  }
0x54: {  	_ =	shalt  }
0x55: {  	_ =	shalt  }
0x56: {  	_ =	shalt  }
0x57: {  	_ =	shalt  }
0x58: {  	_ =	shalt  }
0x59: {  	_ =	shalt  }
0x5a: {  	_ =	shalt  }
0x5b: {  	_ =	shalt  }
0x5c: {  	_ =	shalt  }
0x5d: {  	_ =	shalt  }
0x5e: {  	_ =	shalt  }
0x5f: {  	_ =	shalt  }
0x60: {  	_ =	shalt  }
0x61: {  	_ =	shalt  }
0x62: {  	_ =	shalt  }
0x63: {  	_ =	shalt  }
0x64: {  	_ =	shalt  }
0x65: {  	_ =	shalt  }
0x66: {  	_ =	shalt  }
0x67: {  	_ =	shalt  }
0x68: {  	_ =	shalt  }
0x69: {  	_ =	shalt  }
0x6a: {  	_ =	shalt  }
0x6b: {  	_ =	shalt  }
0x6c: {  	_ =	shalt  }
0x6d: {  	_ =	shalt  }
0x6e: {  	_ =	shalt  }
0x6f: {  	_ =	shalt  }
0x70: {  	_ =	shalt  }
0x71: {  	_ =	shalt  }
0x72: {  	_ =	shalt  }
0x73: {  	_ =	shalt  }
0x74: {  	_ =	shalt  }
0x75: {  	_ =	shalt  }
0x76: {  	_ =	shalt  }
0x77: {  	_ =	shalt  }
0x78: {  	_ =	shalt  }
0x79: {  	_ =	shalt  }
0x7a: {  	_ =	shalt  }
0x7b: {  	_ =	shalt  }
0x7c: {  	_ =	shalt  }
0x7d: {  	_ =	shalt  }
0x7e: {  	_ =	shalt  }
0x7f: {  	_ =	shalt  }
0x80: {  	_ =	shalt  }
0x81: {  	_ =	shalt  }
0x82: {  	_ =	shalt  }
0x83: {  	_ =	shalt  }
0x84: {  	_ =	shalt  }
0x85: {  	_ =	shalt  }
0x86: {  	_ =	shalt  }
0x87: {  	_ =	shalt  }
.Lfunc_end0:
.L_simem_size_0:
called_computation.1_lowered:
.L_overlay_start_0:
0x88: {  	s2 =	sld [smem:$0x3FD9]  }
0x89: {  	s3 =	sld [smem:$0x3FFE];
	_ =	sdelay $0x1  }
0x8a: {  	s1 =	srdreg.scid  }
0x8b: {  	s0 =	sand.u32 $0x1, s1  }
0x8c: {  	s16 =	sshll.u32 s0, $0xA;
	s2 =	sadd.s32 s3, s2  }
0x8d: {  	s2 =	sadd.s32 s2, s16  }
0x8e: {  	[smem:$0x3FB6] =	sst s2  }
0x8f: {  	_ = 	snop  }
0x90: {  	(tm) =	ssettm $0x1  }
0x91: {  	s17 =	sld [smem:$0x3FFB];
	_ =	sdelay $0x3  }
0x92: {  	_ =	strace s17  }
0x93: {  	s2 =	sld [smem:$0x3FFC];
	_ =	sdelay $0x3  }
0x94: {  	_ =	strace s2  }
0x95: {  	s2 =	sld [smem:$0x3FFD];
	_ =	sdelay $0x3  }
0x96: {  	_ =	strace s2  }
0x97: {  	_ =	strace $0x8FFFFFFF  }
0x98: {  	s18 =	sld [smem:$0x3FDB];
	_ =	sdelay $0x1  }
0x99: {  	s19 =	simm.s32 $_scs_section_size  }
0x9a: {  	s4 =	simm.s32 $_size__tile_overlayer_lowered;
	s5 =	simm.s32 $_tile_overlayer_lowered  }
0x9b: {  	s22 =	simm.s32 $0x1BFF;
	s21 =	sshll.u32 s5, $0x1;
	s2 =	sadd.s32 s19, s18  }
0x9c: {  	s6 =	simm.s32 $0x0;
	s20 =	sshll.u32 s4, $0x1;
	s4 =	sadd.s32 s21, s2  }
0x9d: {  	[timem:s6], [sflag:s22] =	dma.local [hbm:s4], s20  }
0x9e: {  	_ =	swait.ge [sflag:s22], s20  }
0x9f: {  	s3 =	ssub.s32 $0x0, s20;
	[sflag:s22] =	ssyncset.done $0x0  }
0xa0: {  	[sflag:s22] =	ssyncadd.s32 s3;
	_ =	sdelay $0x1  }
0xa1: {  	s23 =	simm.s32 $0x1B8B  }
0xa2: {  	_ =	swait.ge [sflag:s23], $0x1  }
0xa3: {  	[sflag:s23] =	ssyncset.done $0x0  }
0xa4: {  	s25 =	simm.s32 $0x1B8E;
	s24 =	sld [smem:$0x3FFE];
	[sflag:s23] =	ssyncadd.s32 $0xFFFFFFFF  }
0xa5: {  	s26 =	simm.s32 $execute0_lowered;
	[smem:$0x3FD2] =	sst s25  }
0xa6: {  	s4 =	sshll.u32 s26, $0x1;
	_ =	strace $0x80000049;
	[dreg:$0x1] =	wrdreg $0xFFFFFFFF  }
0xa7: {  	s28 =	simm.s32 $_size_execute0_lowered;
	s2 =	sadd.s32 s2, s4;
	[dreg:$0x0] =	wrdreg $0x0  }
0xa8: {  	s4 =	sshll.u32 s28, $0x1;
	[dreg:$0x2] =	wrdreg s2  }
0xa9: {  	[dreg:$0x3] =	wrdreg s4  }
0xaa: {  	[dreg:$0x4] =	wrdreg $0xC0  }
0xab: {  	_ =	task [dreg:s6], $0x5FFFF  }
0xac: {  	[dreg:$0x1] =	wrdreg $0xFFFFFFFF  }
0xad: {  	[dreg:$0x0] =	wrdreg $0x60  }
0xae: {  	[dreg:$0x2] =	wrdreg s24  }
0xaf: {  	[dreg:$0x3] =	wrdreg $0x7A000  }
0xb0: {  	[dreg:$0x4] =	wrdreg $0x9  }
0xb1: {  	_ =	task.clear_ibuf [dreg:s6], $0x5FFFF;
	_ =	strace $0x90000049  }
0xb2: {  	s29 =	simm.s32 $0x9;
	_ =	strace $0x8000004B  }
0xb3: {  	_ =	swait.ge [sflag:s29], $0x1  }
0xb4: {  	[sflag:s29] =	ssyncadd.s32 $0xFFFFFFFF  }
0xb5: {  	_ =	strace $0x9000004B  }
0xb6: {  	_ =	sfence  }
0xb7: {  	s30 =	sld [smem:$0x0];
	_ =	sdelay $0x2  }
0xb8: {  	s31 =	sshll.u32 s1, $0xD;
	s1 =	sshrl.u32 s1, $0x2  }
0xb9: {  	s3 =	sand.u32 $0x4000, s31;
	s1 =	sadd.s32 s1, s30  }
0xba: {  	s0 =	sor.u32 s3, s0;
	s1 =	sshll.u32 s1, $0x11  }
0xbb: {  	s0 =	sor.u32 s1, s0  }
0xbc: {  	s0 =	sadd.s32 $0x8F2B, s0  }
0xbd: {  	[sflag:s0] =	ssyncadd.remote.s32 $0x1  }
0xbe: {  	_ =	sfence.sel $0xFFFF  }
0xbf: {  	[dreg:$0x0] =	wrdreg $0xFFFFFFFF;
	(pc) =	sbr.abs _section_cstart, $3  }
0xc0: {  	[dreg:$0x1] =	wrdreg $0xFFFFFFFF  }
0xc1: {  	_ =	task.clear_ibuf [dreg:s6], $0x2FFFF;
	_ =	strace $0x9FFFFFFF  }
0xc2: {  	(tm) =	ssettm $0x7FFFFFFF  }
0xc3: {  	_ =	shalt  }
tec
execute0_lowered:
.L_overlay_start_1:
0x0: {  	(tag) =	ssettag $0x1  }
0x1: {  	s0 =	rddreg [dreg:$0x0]  }
0x2: {  	s1 =	rddreg [dreg:$0x1];
	s11 =	stileid.u32  }
0x3: {  	s3 =	simm.s32 $0x0;
	s2 =	srdreg.scid;
	s7 =	smul.u32 $0x3200, s11  }
0x4: {  	[smem:$0x7FF] =	sst s3;
	s10 =	smul.u32 $0x5F000, s11  }
0x5: {  	s4 =	sand.u32 $0x1, s2;
	s5 =	sadd.s32 $0x11B000, s0;
	s13 =	smul.u32 $0x60000, s11  }
0x6: {  	s6 =	sadd.s32 $0x1DF000, s0;
	s0 =	sadd.s32 $0x399000, s0;
	s16 =	smul.u32 $0x2F8, s11  }
0x7: {  	_ =	strace $0x8000004A;
	[dreg:$0x3] =	wrdreg s4;
	s4 =	ssub.s32 $0x2, s4  }
0x8: {  	[dreg:$0x4] =	wrdreg s0;
	s8 =	sshrl.u32 s4, $0x1;
	s7 =	sadd.s32 s6, s7  }
0x9: {  	s14 =	sshrl.u32 s10, $0x2;
	[dreg:$0x6] =	wrdreg s16;
	s12 =	ssub.s32 s4, s8  }
0xa: {  	[dreg:$0x5] =	wrdreg s7;
	s15 =	sadd.s32 s14, s1;
	s0 =	smax.u32 s12, $0x1  }
0xb: {  	s4 =	sshrl.u32 s13, $0x2;
	s2 =	sshrl.u32 s15, $0x3;
	[dreg:$0x7] =	wrdreg s0  }
0xc: {  	s17 =	sadd.s32 s4, s1;
	[dreg:$0x14] =	wrdreg s2  }
0xd: {  	s4 =	sadd.s32 $0x1800, s17;
	[dreg:$0x8] =	wrdreg s17  }
0xe: {  	s31 =	smul.u32 $0xC800, s11;
	s18 =	sadd.s32 $0x3000, s17;
	[dreg:$0x9] =	wrdreg s4  }
0xf: {  	s11 =	simm.s32 $0x40;
	s19 =	sadd.s32 $0x4800, s17;
	[dreg:$0xa] =	wrdreg s18  }
0x10: {  	s9 =	sor.u32 $0x500, s31;
	s20 =	sadd.s32 $0x6000, s17;
	[dreg:$0xb] =	wrdreg s19  }
0x11: {  	s10 =	sadd.s32 $0xA00, s31;
	s21 =	sadd.s32 $0x7800, s17;
	[dreg:$0xc] =	wrdreg s20  }
0x12: {  	s16 =	simm.s32 $0x2100;
	s22 =	sadd.s32 $0x9000, s17;
	[dreg:$0xd] =	wrdreg s21  }
0x13: {  	s7 =	simm.s32 $0x600;
	s23 =	sadd.s32 $0xA800, s17;
	[dreg:$0xe] =	wrdreg s22  }
0x14: {  	s8 =	simm.s32 $0x1;
	s24 =	sadd.s32 $0xC000, s17;
	[dreg:$0xf] =	wrdreg s23  }
0x15: {  	s14 =	simm.s32 $0x2000;
	s25 =	sadd.s32 $0xD800, s17;
	[dreg:$0x10] =	wrdreg s24  }
0x16: {  	s13 =	simm.s32 $0x0;
	s26 =	sadd.s32 $0xF000, s17;
	[dreg:$0x11] =	wrdreg s25  }
0x17: {  	s12 =	simm.s32 $0xC00;
	s28 =	sadd.s32 $0x10800, s17;
	[dreg:$0x12] =	wrdreg s26  }
0x18: {  	s15 =	simm.s32 $0x2200;
	s29 =	sadd.s32 $0x12000, s17;
	[dreg:$0x13] =	wrdreg s28  }
.Ltmp0:
0x19: {  	s30 =	sadd.s32 $0x13800, s17;
	[dreg:$0x15] =	wrdreg s29;
	(pc) =	sbr.rel .LBB2_1-.Ltmp0, $4  }
0x1a: {  	s31 =	sadd.s32 $0x15000, s17;
	s0 =	sadd.s32 $0x16800, s17;
	[dreg:$0x16] =	wrdreg s30  }
0x1b: {  	s2 =	simm.s32 $0x3;
	s17 =	simm.s32 $0x4200;
	[dreg:$0x17] =	wrdreg s31  }
0x1c: {  	v0 =	vimm.f32 $0.0e+00;
	[dreg:$0x18] =	wrdreg s0;
	s0 =	simm.s32 $0x5;
	s18 =	simm.s32 $0x2080  }
0x1d: {  	v1 =	vlaneseq.u32;
	v2 =	vimm.s32 $0x2F80;
	v3 =	vimm.s32 $0x0;
	s19 =	simm.s32 $0x2;
	s20 =	simm.s32 $0x2180;
	s21 =	simm.s32 $0x4  }
.LBB2_37:
0x1e: {  	s13 =	rddreg [dreg:$0x19]  }
0x1f: {  	s4 =	rddreg [dreg:$0x7];
	s13 =	sadd.s32 $0x1, s13  }
0x20: {  	p0 =	sne.s32 s13, s4  }
.Ltmp1:
0x21: {  	_ = 	snop;
	(pc) =	sbr.rel @!p0 .LBB2_38-.Ltmp1, $1  }
0x22: {  	_ =	sdelay $0x3  }
.LBB2_1:
0x23: {  	[dreg:$0x19] =	wrdreg s13;
	s13 =	simm.s32 $0x0;
	s22 =	simm.s32 $0x200  }
.LBB2_2:
0x24: {  	p0 =	sne.s32 s22, $0x5E00;
	[tilespmem:s13+$0x6270] =	vst v0  }
0x25: {  	[tilespmem:s13+$0x6200] =	vst v0  }
0x26: {  	[tilespmem:s13+$0x6210] =	vst v0  }
.Ltmp2:
0x27: {  	[tilespmem:s13+$0x6220] =	vst v0;
	(pc) =	sbr.rel @p0 .LBB2_2-.Ltmp2, $4  }
0x28: {  	[tilespmem:s13+$0x6230] =	vst v0  }
0x29: {  	[tilespmem:s13+$0x6240] =	vst v0  }
0x2a: {  	[tilespmem:s13+$0x6250] =	vst v0  }
0x2b: {  	[tilespmem:s13+$0x6260] =	vst v0;
	s13 =	sshra.s32 s22, $0x2;
	s22 =	sadd.s32 $0x200, s22  }
0x2c: {  	[tilespmem:s13+$0x6270] =	vst v0  }
0x2d: {  	[tilespmem:s13+$0x6200] =	vst v0  }
0x2e: {  	[tilespmem:s13+$0x6210] =	vst v0  }
.Ltmp3:
0x2f: {  	[tilespmem:s13+$0x6220] =	vst v0;
	(pc) =	sbr.rel .LBB2_4-.Ltmp3, $4  }
0x30: {  	[tilespmem:s13+$0x6230] =	vst v0  }
0x31: {  	[tilespmem:s13+$0x6240] =	vst v0  }
0x32: {  	[tilespmem:s13+$0x6250] =	vst v0  }
0x33: {  	[tilespmem:s13+$0x6260] =	vst v0;
	s22 =	simm.s32 $0x0  }
.LBB2_35:
0x34: {  	[sflag:s0] =	ssyncadd.s32 $0xFFFFE000  }
.LBB2_36:
0x35: {  	s4 =	rddreg [dreg:$0x6]  }
0x36: {  	s13 =	rddreg [dreg:$0x1b]  }
0x37: {  	s29 =	stileid.u32;
	[bflag:$0x0] =	sbarrier.arrive $0xFFFF;
	s4 =	sadd.s32 s4, s13  }
0x38: {  	s13 =	sshll.u32 s29, $0x6;
	s22 =	rddreg [dreg:$0x4];
	s4 =	sshll.u32 s4, $0x4  }
0x39: {  	s30 =	rddreg [dreg:$0x14];
	s13 =	sor.u32 $0x1C05, s13;
	s4 =	sadd.s32 s22, s4  }
0x3a: {  	[hbm:s4], [sflag:s13] =	dma.local [spmem:s30], $0x2F80  }
0x3b: {  	_ =	swait.ge [sflag:s0], $0x2F80  }
0x3c: {  	s31 =	rddreg [dreg:$0x1a]  }
0x3d: {  	s22 =	sadd.s32 $0x1, s31  }
0x3e: {  	p0 =	sne.s32 s22, $0x9  }
.Ltmp4:
0x3f: {  	_ = 	snop;
	(pc) =	sbr.rel @!p0 .LBB2_37-.Ltmp4, $3  }
0x40: {  	[sflag:s0] =	ssyncset.done $0x0  }
0x41: {  	[sflag:s0] =	ssyncadd.s32 $0xFFFFD080  }
0x42: {  	[bflag:$0x0] =	sbarrier.arrive $0xFFFF;
	_ =	sdelay $0x1  }
.LBB2_4:
0x43: {  	s4 =	rddreg [dreg:$0x8];
	s13 =	simm.s32 $0x6200  }
0x44: {  	[spmem:s4] =	stream.linear.scatter [tilespmem:s13], [sflag:$0x5], $0x1800, $0x38;
	[tilespmem:$0x1FA00] =	vst v63  }
0x45: {  	_ =	swait.ge [sflag:s0], $0x1800  }
0x46: {  	[sflag:s0] =	ssyncset.done $0x0  }
0x47: {  	s28 =	rddreg [dreg:$0x9];
	[sflag:s0] =	ssyncadd.s32 $0xFFFFE800  }
0x48: {  	[spmem:s28] =	stream.linear.scatter [tilespmem:s13], [sflag:$0x5], $0x1800, $0x38;
	[tilespmem:$0x1FA00] =	vst v63  }
0x49: {  	_ =	swait.ge [sflag:s0], $0x1800  }
0x4a: {  	[sflag:s0] =	ssyncset.done $0x0  }
0x4b: {  	s29 =	rddreg [dreg:$0xa];
	[sflag:s0] =	ssyncadd.s32 $0xFFFFE800  }
0x4c: {  	[spmem:s29] =	stream.linear.scatter [tilespmem:s13], [sflag:$0x5], $0x1800, $0x38;
	[tilespmem:$0x1FA00] =	vst v63  }
0x4d: {  	_ =	swait.ge [sflag:s0], $0x1800  }
0x4e: {  	[sflag:s0] =	ssyncset.done $0x0  }
0x4f: {  	s30 =	rddreg [dreg:$0xb];
	[sflag:s0] =	ssyncadd.s32 $0xFFFFE800  }
0x50: {  	[spmem:s30] =	stream.linear.scatter [tilespmem:s13], [sflag:$0x5], $0x1800, $0x38;
	[tilespmem:$0x1FA00] =	vst v63  }
0x51: {  	_ =	swait.ge [sflag:s0], $0x1800  }
0x52: {  	[sflag:s0] =	ssyncset.done $0x0  }
0x53: {  	s31 =	rddreg [dreg:$0xc];
	[sflag:s0] =	ssyncadd.s32 $0xFFFFE800  }
0x54: {  	[spmem:s31] =	stream.linear.scatter [tilespmem:s13], [sflag:$0x5], $0x1800, $0x38;
	[tilespmem:$0x1FA00] =	vst v63  }
0x55: {  	_ =	swait.ge [sflag:s0], $0x1800  }
0x56: {  	[sflag:s0] =	ssyncset.done $0x0  }
0x57: {  	s23 =	rddreg [dreg:$0xd];
	[sflag:s0] =	ssyncadd.s32 $0xFFFFE800  }
0x58: {  	[spmem:s23] =	stream.linear.scatter [tilespmem:s13], [sflag:$0x5], $0x1800, $0x38;
	[tilespmem:$0x1FA00] =	vst v63  }
0x59: {  	_ =	swait.ge [sflag:s0], $0x1800  }
0x5a: {  	[sflag:s0] =	ssyncset.done $0x0  }
0x5b: {  	s24 =	rddreg [dreg:$0xe];
	[sflag:s0] =	ssyncadd.s32 $0xFFFFE800  }
0x5c: {  	[spmem:s24] =	stream.linear.scatter [tilespmem:s13], [sflag:$0x5], $0x1800, $0x38;
	[tilespmem:$0x1FA00] =	vst v63  }
0x5d: {  	_ =	swait.ge [sflag:s0], $0x1800  }
0x5e: {  	[sflag:s0] =	ssyncset.done $0x0  }
0x5f: {  	s25 =	rddreg [dreg:$0xf];
	[sflag:s0] =	ssyncadd.s32 $0xFFFFE800  }
0x60: {  	[spmem:s25] =	stream.linear.scatter [tilespmem:s13], [sflag:$0x5], $0x1800, $0x38;
	[tilespmem:$0x1FA00] =	vst v63  }
0x61: {  	_ =	swait.ge [sflag:s0], $0x1800  }
0x62: {  	[sflag:s0] =	ssyncset.done $0x0  }
0x63: {  	s26 =	rddreg [dreg:$0x10];
	[sflag:s0] =	ssyncadd.s32 $0xFFFFE800  }
0x64: {  	[spmem:s26] =	stream.linear.scatter [tilespmem:s13], [sflag:$0x5], $0x1800, $0x38;
	[tilespmem:$0x1FA00] =	vst v63  }
0x65: {  	_ =	swait.ge [sflag:s0], $0x1800  }
0x66: {  	[sflag:s0] =	ssyncset.done $0x0  }
0x67: {  	s28 =	rddreg [dreg:$0x11];
	[sflag:s0] =	ssyncadd.s32 $0xFFFFE800  }
0x68: {  	[spmem:s28] =	stream.linear.scatter [tilespmem:s13], [sflag:$0x5], $0x1800, $0x38;
	[tilespmem:$0x1FA00] =	vst v63  }
0x69: {  	_ =	swait.ge [sflag:s0], $0x1800  }
0x6a: {  	[sflag:s0] =	ssyncset.done $0x0  }
0x6b: {  	s29 =	rddreg [dreg:$0x12];
	[sflag:s0] =	ssyncadd.s32 $0xFFFFE800  }
0x6c: {  	[spmem:s29] =	stream.linear.scatter [tilespmem:s13], [sflag:$0x5], $0x1800, $0x38;
	[tilespmem:$0x1FA00] =	vst v63  }
0x6d: {  	_ =	swait.ge [sflag:s0], $0x1800  }
0x6e: {  	[sflag:s0] =	ssyncset.done $0x0  }
0x6f: {  	s30 =	rddreg [dreg:$0x13];
	[sflag:s0] =	ssyncadd.s32 $0xFFFFE800  }
0x70: {  	[spmem:s30] =	stream.linear.scatter [tilespmem:s13], [sflag:$0x5], $0x1800, $0x38;
	[tilespmem:$0x1FA00] =	vst v63  }
0x71: {  	_ =	swait.ge [sflag:s0], $0x1800  }
0x72: {  	[sflag:s0] =	ssyncset.done $0x0  }
0x73: {  	s31 =	rddreg [dreg:$0x15];
	[sflag:s0] =	ssyncadd.s32 $0xFFFFE800  }
0x74: {  	[spmem:s31] =	stream.linear.scatter [tilespmem:s13], [sflag:$0x5], $0x1800, $0x38;
	[tilespmem:$0x1FA00] =	vst v63  }
0x75: {  	_ =	swait.ge [sflag:s0], $0x1800  }
0x76: {  	[sflag:s0] =	ssyncset.done $0x0  }
0x77: {  	s23 =	rddreg [dreg:$0x16];
	[sflag:s0] =	ssyncadd.s32 $0xFFFFE800  }
0x78: {  	[spmem:s23] =	stream.linear.scatter [tilespmem:s13], [sflag:$0x5], $0x1800, $0x38;
	[tilespmem:$0x1FA00] =	vst v63  }
0x79: {  	_ =	swait.ge [sflag:s0], $0x1800  }
0x7a: {  	[sflag:s0] =	ssyncset.done $0x0  }
0x7b: {  	s24 =	rddreg [dreg:$0x17];
	[sflag:s0] =	ssyncadd.s32 $0xFFFFE800  }
0x7c: {  	[spmem:s24] =	stream.linear.scatter [tilespmem:s13], [sflag:$0x5], $0x1800, $0x38;
	[tilespmem:$0x1FA00] =	vst v63  }
0x7d: {  	_ =	swait.ge [sflag:s0], $0x1800  }
0x7e: {  	[sflag:s0] =	ssyncset.done $0x0  }
0x7f: {  	s25 =	rddreg [dreg:$0x18];
	[sflag:s0] =	ssyncadd.s32 $0xFFFFE800  }
0x80: {  	[spmem:s25] =	stream.linear.scatter [tilespmem:s13], [sflag:$0x5], $0x1800, $0x38;
	[tilespmem:$0x1FA00] =	vst v63  }
0x81: {  	_ =	swait.ge [sflag:s0], $0x1800  }
0x82: {  	s26 =	sshll.u32 s22, $0x1;
	[dreg:$0x1a] =	wrdreg s22;
	[sflag:s0] =	ssyncset.done $0x0  }
.Ltmp5:
0x83: {  	s28 =	rddreg [dreg:$0x3];
	[sflag:s0] =	ssyncadd.s32 $0xFFFFE800;
	(pc) =	sbr.rel .LBB2_5-.Ltmp5, $4  }
0x84: {  	s13 =	sor.u32 s28, s26;
	[bflag:$0x0] =	sbarrier.arrive $0xFFFF  }
0x85: {  	s31 =	simm.s32 $0x0;
	s29 =	smul.u32 $0x2F80, s13;
	s30 =	rddreg [dreg:$0x5]  }
0x86: {  	[tilespmem:s12], [sflag:$0x3] =	stream.linear.gather [hbm4b:s30+s31], $0xA00, $0x38;
	[tilespmem:$0x1FA00] =	vst v63  }
0x87: {  	s24 =	simm.s32 $0x0;
	s26 =	simm.s32 $0x0;
	[dreg:$0x1b] =	wrdreg s29;
	v4 =	vmov s29  }
.LBB2_26:
0x88: {  	s29 =	simm.s32 $0x0;
	s30 =	simm.s32 $0x0;
	s23 =	simm.s32 $0x600  }
.LBB2_30:
0x89: {  	s4 =	sand.u32 $0xFFFFFF80, s22;
	s31 =	sand.u32 $0x70, s29  }
0x8a: {  	[tilespmem:s30+$0x0] =	vst @p0 v5;
	s4 =	sor.u32 s31, s4  }
0x8b: {  	v5 =	vld [tilespmem:s4+$0x600];
	_ =	sdelay $0x2  }
0x8c: {  	s22 =	sadd.s32 @p0 $0x10, s23  }
0x8d: {  	s25 =	smov.u32 @p0 s22  }
0x8e: {  	[tilespmem:s25+$0x0] =	vst v5  }
0x8f: {  	v5 =	vld [tilespmem:s4+$0x0];
	_ =	sdelay $0x2  }
0x90: {  	s4 =	sadd.s32 @p0 $0x10, s30  }
0x91: {  	s13 =	smov.u32 @p0 s4  }
0x92: {  	[tilespmem:s13+$0x0] =	vst v5  }
.LBB2_31:
0x93: {  	s24 =	sadd.s32 $0x1, s24  }
0x94: {  	p0 =	sne.s32 s24, $0x14  }
.Ltmp6:
0x95: {  	_ = 	snop;
	(pc) =	sbr.rel @!p0 .LBB2_32-.Ltmp6, $1  }
0x96: {  	_ =	sdelay $0x3  }
.LBB2_5:
0x97: {  	s13 =	smul.u32 $0xA00, s24;
	_ =	sdelay $0x1  }
0x98: {  	_ =	swait.ge [sflag:s2], $0xA00;
	s13 =	sadd.s32 s13, s9  }
0x99: {  	s22 =	simm.s32 $0x0;
	[sflag:s2] =	ssyncset.done $0x0;
	s13 =	sshrl.u32 s13, $0x2  }
0x9a: {  	s4 =	simm.s32 $0x1600;
	[sflag:s2] =	ssyncadd.s32 $0xFFFFF600;
	s13 =	sadd.s32 s6, s13  }
0x9b: {  	[tilespmem:s4], [sflag:$0x4] =	stream.linear.gather [hbm4b:s13+s22], $0xA00, $0x38;
	[tilespmem:$0x1FA00] =	vst v63  }
0x9c: {  	s25 =	sand.u32 $0x70, s22;
	s22 =	sand.u32 $0xF00, s22  }
0x9d: {  	s13 =	sor.u32 s25, s22  }
0x9e: {  	v5 =	vld [tilespmem:s13+$0xC00];
	_ =	sdelay $0x4  }
0x9f: {  	v5 =	vsub.s32 v5, v4  }
0xa0: {  	vm0 =	vlt.u32 v5, $0x2F80  }
0xa1: {  	v6 =	vsel vm0, $0x3F800000, v0  }
0xa2: {  	(xrf2) =	vadd.scan.msk.f32 $0xffff, v6;
	_ =	sdelay $0x9  }
0xa3: {  	v6 =	vmov s26;
	v7, _, _ =	vpop (xrf2)  }
0xa4: {  	v6 =	vadd.s32 $0xFFFFFFFF, v6;
	v8 =	vtrunc.f32 v7  }
0xa5: {  	v6 =	vbroadcast v6, $0x0;
	(v2sf) =	vpush v7, $0xF;
	v7 =	vcvt.f32.s32 v8;
	_ =	sdelay $0x1  }
0xa6: {  	v6 =	vadd.s32 v7, v6  }
0xa7: {  	v7 =	vld [tilespmem:s13+$0xC80];
	_ =	sdelay $0x2  }
0xa8: {  	s29 =	simm.s32 $0x10;
	s25 =	simm.s32 $0x20  }
0xa9: {  	s30 =	sand.u32 $0xF00, s25;
	s13 =	sand.u32 $0x70, s29;
	[tilespmem:v6+s7+$0x0] =	vst.idx.msk vm0, v5  }
0xaa: {  	s13 =	sor.u32 s13, s30;
	[tilespmem:v6+s3+$0x0] =	vst.idx.msk vm0, v7  }
0xab: {  	v5 =	vld [tilespmem:s13+$0xC00];
	_ =	sdelay $0x4  }
0xac: {  	v5 =	vsub.s32 v5, v4  }
0xad: {  	s31 =	spop (v2sf);
	vm0 =	vlt.u32 v5, $0x2F80  }
0xae: {  	s28 =	simm.s32 $0x20;
	s22 =	scvt.f32.s32 s31;
	v6 =	vsel vm0, $0x3F800000, v0  }
.LBB2_6:
0xaf: {  	p0 =	sne.s32 s28, $0x4F0  }
0xb0: {  	(xrf2) =	vadd.scan.msk.f32 $0xffff, v6;
	s26 =	sadd.s32 s22, s26;
	s22 =	smov.u32 s28;
	s28 =	sadd.s32 $0x10, s28  }
0xb1: {  	v6 =	vmov s26  }
0xb2: {  	v6 =	vadd.s32 $0xFFFFFFFF, v6;
	_ =	sdelay $0x7  }
0xb3: {  	v7, _, _ =	vpop (xrf2)  }
0xb4: {  	v8 =	vtrunc.f32 v7;
	(v2sf) =	vpush v7, $0xF  }
0xb5: {  	v6 =	vbroadcast v6, $0x0;
	v7 =	vcvt.f32.s32 v8;
	_ =	sdelay $0x1  }
0xb6: {  	v6 =	vadd.s32 v7, v6  }
0xb7: {  	v7 =	vld [tilespmem:s13+$0xC80];
	_ =	sdelay $0x2  }
0xb8: {  	s25 =	sadd.s32 $0x20, s25  }
0xb9: {  	s13 =	sand.u32 $0x70, s22;
	s22 =	sand.u32 $0xF00, s25;
	[tilespmem:v6+s7+$0x0] =	vst.idx.msk vm0, v5  }
0xba: {  	s13 =	sor.u32 s13, s22;
	[tilespmem:v6+s3+$0x0] =	vst.idx.msk vm0, v7  }
0xbb: {  	v5 =	vld [tilespmem:s13+$0xC00];
	_ =	sdelay $0x2  }
.Ltmp7:
0xbc: {  	(pc) =	sbr.rel @p0 .LBB2_6-.Ltmp7, $4  }
0xbd: {  	_ = 	snop  }
0xbe: {  	v5 =	vsub.s32 v5, v4;
	s22 =	spop (v2sf)  }
0xbf: {  	vm0 =	vlt.u32 v5, $0x2F80;
	s22 =	scvt.f32.s32 s22  }
0xc0: {  	v6 =	vsel vm0, $0x3F800000, v0  }
0xc1: {  	(xrf2) =	vadd.scan.msk.f32 $0xffff, v6;
	_ =	sdelay $0x9  }
0xc2: {  	v6, _, _ =	vpop (xrf2)  }
0xc3: {  	(v2sf) =	vpush v6, $0xF;
	_ =	sdelay $0xe  }
0xc4: {  	s23 =	spop (v2sf)  }
0xc5: {  	s23 =	scvt.f32.s32 s23  }
0xc6: {  	s22 =	sadd.s32 s22, s26  }
0xc7: {  	v7 =	vmov s22;
	s26 =	sadd.s32 s23, s22  }
0xc8: {  	v7 =	vadd.s32 $0xFFFFFFFF, v7;
	v6 =	vtrunc.f32 v6;
	s22 =	sand.u32 $0x7F, s26  }
0xc9: {  	v7 =	vbroadcast v7, $0x0;
	v6 =	vcvt.f32.s32 v6;
	s30 =	sshra.s32 s26, $0x1F;
	p1 =	slt.s32 s26, $0x1;
	p0 =	sne.s32 s22, $0x0  }
0xca: {  	s31 =	sshrl.u32 s30, $0x19;
	p0 =	por !p1, !p0  }
0xcb: {  	v6 =	vadd.s32 v6, v7;
	v7 =	vld [tilespmem:s13+$0xC80];
	s22 =	simm.s32 $0x1;
	s13 =	sadd.s32 s31, s26;
	p0 =	por !p0, !p0  }
0xcc: {  	s25 =	sshra.s32 s13, $0x7;
	s22 =	simm.s32 @!p0 $0x0  }
0xcd: {  	s28 =	ssub.s32 s25, s22  }
0xce: {  	p1 =	slt.s32 s28, $0x1  }
.Ltmp8:
0xcf: {  	_ = 	snop;
	(pc) =	sbr.rel @p1 .LBB2_11-.Ltmp8, $3  }
0xd0: {  	_ =	sdelay $0x1  }
0xd1: {  	[tilespmem:v6+s7+$0x0] =	vst.idx.msk vm0, v5  }
0xd2: {  	[tilespmem:v6+s3+$0x0] =	vst.idx.msk vm0, v7  }
0xd3: {  	s29 =	simm.s32 $0x40  }
0xd4: {  	v5 =	vld [tilespmem:s29+$0xFFFFFFC0];
	_ =	sdelay $0x4  }
0xd5: {  	s30 =	simm.s32 $0x640;
	[tilespmem:$0x2000] =	vst v5  }
0xd6: {  	v5 =	vld [tilespmem:s30+$0xFFFFFFC0];
	_ =	sdelay $0x4  }
0xd7: {  	[tilespmem:$0x2080] =	vst v5  }
0xd8: {  	v5 =	vld [tilespmem:s29+$0x0];
	_ =	sdelay $0x4  }
0xd9: {  	[tilespmem:$0x2100] =	vst v5  }
0xda: {  	v5 =	vld [tilespmem:s30+$0x0];
	_ =	sdelay $0x4  }
0xdb: {  	[tilespmem:$0x2180] =	vst v5  }
0xdc: {  	v5 =	vld [tilespmem:s29+$0xFFFFFFD0];
	_ =	sdelay $0x4  }
0xdd: {  	[tilespmem:$0x2010] =	vst v5  }
0xde: {  	v5 =	vld [tilespmem:s30+$0xFFFFFFD0];
	_ =	sdelay $0x4  }
0xdf: {  	[tilespmem:$0x2090] =	vst v5  }
0xe0: {  	v5 =	vld [tilespmem:s29+$0x10];
	_ =	sdelay $0x4  }
0xe1: {  	[tilespmem:$0x2110] =	vst v5  }
0xe2: {  	v5 =	vld [tilespmem:s30+$0x10];
	_ =	sdelay $0x4  }
0xe3: {  	[tilespmem:$0x2190] =	vst v5  }
0xe4: {  	v5 =	vld [tilespmem:s29+$0xFFFFFFE0];
	_ =	sdelay $0x4  }
0xe5: {  	[tilespmem:$0x2020] =	vst v5  }
0xe6: {  	v5 =	vld [tilespmem:s30+$0xFFFFFFE0];
	_ =	sdelay $0x4  }
0xe7: {  	[tilespmem:$0x20A0] =	vst v5  }
0xe8: {  	v5 =	vld [tilespmem:s29+$0x20];
	_ =	sdelay $0x4  }
0xe9: {  	[tilespmem:$0x2120] =	vst v5  }
0xea: {  	v5 =	vld [tilespmem:s30+$0x20];
	_ =	sdelay $0x4  }
0xeb: {  	[tilespmem:$0x21A0] =	vst v5  }
0xec: {  	v5 =	vld [tilespmem:s29+$0xFFFFFFF0];
	_ =	sdelay $0x4  }
0xed: {  	[tilespmem:$0x2030] =	vst v5  }
0xee: {  	v5 =	vld [tilespmem:s30+$0xFFFFFFF0];
	_ =	sdelay $0x4  }
0xef: {  	[tilespmem:$0x20B0] =	vst v5  }
0xf0: {  	v5 =	vld [tilespmem:s29+$0x30];
	_ =	sdelay $0x4  }
0xf1: {  	[tilespmem:$0x2130] =	vst v5  }
0xf2: {  	v5 =	vld [tilespmem:s30+$0x30];
	_ =	sdelay $0x4  }
0xf3: {  	[tilespmem:$0x21B0] =	vst v5  }
0xf4: {  	[tilespmem:s15], [sflag:$0x1] =	stream.indirect.gather [hbm4b:s5+s11], $0x80, s14, s11, $0xb8;
	[tilespmem:$0x1FA00] =	vst v63  }
0xf5: {  	_ = 	snop  }
0xf6: {  	[tilespmem:s17], [sflag:$0x2] =	stream.indirect.gather [hbm4b:s5+s11], $0x80, s16, s11, $0xb8;
	[tilespmem:$0x1FA00] =	vst v63  }
0xf7: {  	_ =	swait.ge [sflag:s8], $0x2000  }
0xf8: {  	[sflag:s8] =	ssyncset.done $0x0  }
0xf9: {  	[sflag:s8] =	ssyncadd.s32 $0xFFFFE000  }
0xfa: {  	[spmem:s1] =	stream.indirect.scatter.add.f32 [tilespmem:s15], [sflag:$0x5], $0x80, s18, s11, $0xb8;
	[tilespmem:$0x1FA00] =	vst v63  }
0xfb: {  	_ =	swait.ge [sflag:s0], $0x2000  }
0xfc: {  	[sflag:s0] =	ssyncset.done $0x0  }
0xfd: {  	[sflag:s0] =	ssyncadd.s32 $0xFFFFE000  }
0xfe: {  	p1 =	sne.s32 s28, $0x1;
	_ =	swait.ge [sflag:s19], $0x2000  }
.Ltmp9:
0xff: {  	[sflag:s19] =	ssyncset.done $0x0;
	(pc) =	sbr.rel @!p1 .LBB2_10-.Ltmp9, $4  }
0x100: {  	[sflag:s19] =	ssyncadd.s32 $0xFFFFE000  }
0x101: {  	[spmem:s1] =	stream.indirect.scatter.add.f32 [tilespmem:s17], [sflag:$0x5], $0x80, s20, s11, $0xb8;
	[tilespmem:$0x1FA00] =	vst v63  }
0x102: {  	_ =	swait.ge [sflag:s0], $0x2000  }
0x103: {  	s13 =	sadd.s32 $0xFFFFFFFF, s28;
	[sflag:s0] =	ssyncset.done $0x0  }
.LBB2_9:
0x104: {  	[sflag:s0] =	ssyncadd.s32 $0xFFFFE000;
	s30 =	sadd.s32 $0x80, s30;
	s29 =	sadd.s32 $0x80, s29  }
0x105: {  	p1 =	sne.s32 s13, $0x1;
	s13 =	sadd.s32 $0xFFFFFFFF, s13;
	v5 =	vld [tilespmem:s29+$0xFFFFFFC0];
	_ =	sdelay $0x4  }
0x106: {  	[tilespmem:$0x2000] =	vst v5  }
0x107: {  	v5 =	vld [tilespmem:s30+$0xFFFFFFC0];
	_ =	sdelay $0x4  }
0x108: {  	[tilespmem:$0x2080] =	vst v5  }
0x109: {  	v5 =	vld [tilespmem:s29+$0x0];
	_ =	sdelay $0x4  }
0x10a: {  	[tilespmem:$0x2100] =	vst v5  }
0x10b: {  	v5 =	vld [tilespmem:s30+$0x0];
	_ =	sdelay $0x4  }
0x10c: {  	[tilespmem:$0x2180] =	vst v5  }
0x10d: {  	v5 =	vld [tilespmem:s29+$0xFFFFFFD0];
	_ =	sdelay $0x4  }
0x10e: {  	[tilespmem:$0x2010] =	vst v5  }
0x10f: {  	v5 =	vld [tilespmem:s30+$0xFFFFFFD0];
	_ =	sdelay $0x4  }
0x110: {  	[tilespmem:$0x2090] =	vst v5  }
0x111: {  	v5 =	vld [tilespmem:s29+$0x10];
	_ =	sdelay $0x4  }
0x112: {  	[tilespmem:$0x2110] =	vst v5  }
0x113: {  	v5 =	vld [tilespmem:s30+$0x10];
	_ =	sdelay $0x4  }
0x114: {  	[tilespmem:$0x2190] =	vst v5  }
0x115: {  	v5 =	vld [tilespmem:s29+$0xFFFFFFE0];
	_ =	sdelay $0x4  }
0x116: {  	[tilespmem:$0x2020] =	vst v5  }
0x117: {  	v5 =	vld [tilespmem:s30+$0xFFFFFFE0];
	_ =	sdelay $0x4  }
0x118: {  	[tilespmem:$0x20A0] =	vst v5  }
0x119: {  	v5 =	vld [tilespmem:s29+$0x20];
	_ =	sdelay $0x4  }
0x11a: {  	[tilespmem:$0x2120] =	vst v5  }
0x11b: {  	v5 =	vld [tilespmem:s30+$0x20];
	_ =	sdelay $0x4  }
0x11c: {  	[tilespmem:$0x21A0] =	vst v5  }
0x11d: {  	v5 =	vld [tilespmem:s29+$0xFFFFFFF0];
	_ =	sdelay $0x4  }
0x11e: {  	[tilespmem:$0x2030] =	vst v5  }
0x11f: {  	v5 =	vld [tilespmem:s30+$0xFFFFFFF0];
	_ =	sdelay $0x4  }
0x120: {  	[tilespmem:$0x20B0] =	vst v5  }
0x121: {  	v5 =	vld [tilespmem:s29+$0x30];
	_ =	sdelay $0x4  }
0x122: {  	[tilespmem:$0x2130] =	vst v5  }
0x123: {  	v5 =	vld [tilespmem:s30+$0x30];
	_ =	sdelay $0x4  }
0x124: {  	[tilespmem:$0x21B0] =	vst v5  }
0x125: {  	[tilespmem:s15], [sflag:$0x1] =	stream.indirect.gather [hbm4b:s5+s11], $0x80, s14, s11, $0xb8;
	[tilespmem:$0x1FA00] =	vst v63  }
0x126: {  	_ = 	snop  }
0x127: {  	[tilespmem:s17], [sflag:$0x2] =	stream.indirect.gather [hbm4b:s5+s11], $0x80, s16, s11, $0xb8;
	[tilespmem:$0x1FA00] =	vst v63  }
0x128: {  	_ =	swait.ge [sflag:s8], $0x2000  }
0x129: {  	[sflag:s8] =	ssyncset.done $0x0  }
0x12a: {  	[sflag:s8] =	ssyncadd.s32 $0xFFFFE000  }
0x12b: {  	[spmem:s1] =	stream.indirect.scatter.add.f32 [tilespmem:s15], [sflag:$0x5], $0x80, s18, s11, $0xb8;
	[tilespmem:$0x1FA00] =	vst v63  }
0x12c: {  	_ =	swait.ge [sflag:s0], $0x2000  }
0x12d: {  	[sflag:s0] =	ssyncset.done $0x0  }
0x12e: {  	[sflag:s0] =	ssyncadd.s32 $0xFFFFE000  }
0x12f: {  	_ =	swait.ge [sflag:s19], $0x2000  }
.Ltmp10:
0x130: {  	[sflag:s19] =	ssyncset.done $0x0;
	(pc) =	sbr.rel @p1 .LBB2_9-.Ltmp10, $4  }
0x131: {  	[sflag:s19] =	ssyncadd.s32 $0xFFFFE000  }
0x132: {  	[spmem:s1] =	stream.indirect.scatter.add.f32 [tilespmem:s17], [sflag:$0x5], $0x80, s20, s11, $0xb8;
	[tilespmem:$0x1FA00] =	vst v63  }
0x133: {  	_ =	swait.ge [sflag:s0], $0x2000  }
0x134: {  	[sflag:s0] =	ssyncset.done $0x0  }
.LBB2_10:
0x135: {  	[sflag:s0] =	ssyncadd.s32 $0xFFFFE000  }
.LBB2_11:
0x136: {  	s13 =	sshll.u32 s28, $0x7  }
0x137: {  	s26 =	ssub.s32 s26, s13  }
0x138: {  	s13 =	sadd.s32 $0xF, s26  }
0x139: {  	s22 =	sand.u32 $0xF, s13  }
0x13a: {  	s31 =	sshra.s32 s13, $0x1F;
	p2 =	slt.s32 s13, $0x1;
	p1 =	sne.s32 s22, $0x0  }
0x13b: {  	s22 =	sshrl.u32 s31, $0x1C;
	p1 =	por !p2, !p1  }
0x13c: {  	s13 =	sadd.s32 s22, s13;
	s22 =	simm.s32 $0x1;
	p1 =	por !p1, !p1  }
0x13d: {  	s13 =	sshra.s32 s13, $0x4;
	s22 =	simm.s32 @!p1 $0x0  }
0x13e: {  	s23 =	ssub.s32 s13, s22  }
0x13f: {  	p1 =	slt.s32 s23, $0x1  }
.Ltmp11:
0x140: {  	_ = 	snop;
	(pc) =	sbr.rel @p1 .LBB2_18-.Ltmp11, $1  }
0x141: {  	_ =	sdelay $0x3  }
0x142: {  	p1 =	sne.s32 s23, $0x1  }
.Ltmp12:
0x143: {  	s13 =	simm.s32 $0xFFFFFFFF;
	(pc) =	sbr.rel @!p1 .LBB2_13-.Ltmp12, $4  }
0x144: {  	s13 =	simm.s32 @!p0 $0x0  }
0x145: {  	s22 =	sshll.u32 s25, $0x7;
	s13 =	sshll.u32 s13, $0x7  }
0x146: {  	s25 =	simm.s32 $0x600;
	s23 =	sadd.s32 $0xFFFFFFFF, s23;
	s28 =	sadd.s32 s13, s22  }
0x147: {  	p0 =	por $0x0, $0x0;
	s13 =	simm.s32 $0x0;
	s22 =	sadd.s32 $0x0, s28  }
0x148: {  	s22 =	sand.u32 $0xFFFFFF80, s22;
	s29 =	sand.u32 $0x70, s13  }
0x149: {  	s30 =	sor.u32 s29, s22  }
0x14a: {  	v5 =	vld [tilespmem:s30+$0x600];
	_ =	sdelay $0x3  }
0x14b: {  	p1 =	sne.s32 s23, $0x1  }
.Ltmp13:
0x14c: {  	[tilespmem:s25+$0x0] =	vst v5;
	(pc) =	sbr.rel @!p1 .LBB2_15-.Ltmp13, $3  }
0x14d: {  	v5 =	vld [tilespmem:s30+$0x0];
	_ =	sdelay $0x1  }
0x14e: {  	s31 =	sadd.s32 $0xFFFFFFFF, s23;
	p0 =	por $0x1, $0x1;
	s23 =	simm.s32 $0x600  }
0x14f: {  	s29 =	simm.s32 $0x10;
	s22 =	sadd.s32 $0x10, s28;
	s30 =	simm.s32 $0x0  }
.LBB2_16:
0x150: {  	p1 =	sne.s32 s31, $0x1;
	s22 =	sand.u32 $0xFFFFFF80, s22;
	s4 =	sand.u32 $0x70, s29  }
0x151: {  	s4 =	sor.u32 s4, s22;
	[tilespmem:s30+$0x0] =	vst v5  }
0x152: {  	v5 =	vld [tilespmem:s4+$0x600];
	_ =	sdelay $0x3  }
0x153: {  	s23 =	sadd.s32 $0x10, s23  }
.Ltmp14:
0x154: {  	[tilespmem:s23+$0x0] =	vst v5;
	(pc) =	sbr.rel @p1 .LBB2_16-.Ltmp14, $3  }
0x155: {  	v5 =	vld [tilespmem:s4+$0x0];
	_ =	sdelay $0x1  }
0x156: {  	s29 =	sadd.s32 $0x10, s29  }
0x157: {  	s31 =	sadd.s32 $0xFFFFFFFF, s31;
	s22 =	sadd.s32 s29, s28;
	s30 =	sadd.s32 $0x10, s30  }
.LBB2_17:
0x158: {  	s4 =	sand.u32 $0xFFFFFF80, s22;
	s31 =	sand.u32 $0x70, s29  }
0x159: {  	s4 =	sor.u32 s31, s4;
	[tilespmem:s30+$0x0] =	vst @p0 v5  }
0x15a: {  	v5 =	vld [tilespmem:s4+$0x600];
	_ =	sdelay $0x2  }
0x15b: {  	s22 =	sadd.s32 @p0 $0x10, s23  }
0x15c: {  	s25 =	smov.u32 @p0 s22  }
0x15d: {  	[tilespmem:s25+$0x0] =	vst v5  }
0x15e: {  	v5 =	vld [tilespmem:s4+$0x0];
	_ =	sdelay $0x2  }
0x15f: {  	s4 =	sadd.s32 @p0 $0x10, s30  }
0x160: {  	s13 =	smov.u32 @p0 s4  }
0x161: {  	[tilespmem:s13+$0x0] =	vst v5  }
.LBB2_18:
0x162: {  	s4 =	sshll.u32 s24, $0x1  }
0x163: {  	s4 =	smin.u32 s4, $0x25  }
0x164: {  	s4 =	smul.u32 $0x500, s4;
	_ =	sdelay $0x1  }
0x165: {  	_ =	swait.ge [sflag:s21], $0xA00;
	s4 =	sadd.s32 s4, s10  }
0x166: {  	[sflag:s21] =	ssyncset.done $0x0;
	s4 =	sshrl.u32 s4, $0x2  }
0x167: {  	s13 =	simm.s32 $0x0;
	[sflag:s21] =	ssyncadd.s32 $0xFFFFF600;
	s4 =	sadd.s32 s6, s4  }
0x168: {  	[tilespmem:s12], [sflag:$0x3] =	stream.linear.gather [hbm4b:s4+s13], $0xA00, $0x38;
	[tilespmem:$0x1FA00] =	vst v63  }
0x169: {  	s25 =	sand.u32 $0x70, s13;
	s13 =	sand.u32 $0xF00, s13  }
0x16a: {  	s4 =	sor.u32 s25, s13  }
0x16b: {  	v5 =	vld [tilespmem:s4+$0x1600];
	_ =	sdelay $0x4  }
0x16c: {  	v5 =	vsub.s32 v5, v4  }
0x16d: {  	vm0 =	vlt.u32 v5, $0x2F80  }
0x16e: {  	v6 =	vsel vm0, $0x3F800000, v0  }
0x16f: {  	(xrf2) =	vadd.scan.msk.f32 $0xffff, v6;
	_ =	sdelay $0x9  }
0x170: {  	v6 =	vmov s26;
	v7, _, _ =	vpop (xrf2)  }
0x171: {  	v6 =	vadd.s32 $0xFFFFFFFF, v6;
	v8 =	vtrunc.f32 v7  }
0x172: {  	v6 =	vbroadcast v6, $0x0;
	(v2sf) =	vpush v7, $0xF;
	v7 =	vcvt.f32.s32 v8;
	_ =	sdelay $0x1  }
0x173: {  	v6 =	vadd.s32 v7, v6  }
0x174: {  	v7 =	vld [tilespmem:s4+$0x1680];
	_ =	sdelay $0x2  }
0x175: {  	s29 =	simm.s32 $0x10;
	s25 =	simm.s32 $0x20  }
0x176: {  	s30 =	sand.u32 $0xF00, s25;
	s4 =	sand.u32 $0x70, s29;
	[tilespmem:v6+s7+$0x0] =	vst.idx.msk vm0, v5  }
0x177: {  	s13 =	sor.u32 s4, s30;
	[tilespmem:v6+s3+$0x0] =	vst.idx.msk vm0, v7  }
0x178: {  	v5 =	vld [tilespmem:s13+$0x1600];
	_ =	sdelay $0x4  }
0x179: {  	v5 =	vsub.s32 v5, v4  }
0x17a: {  	s31 =	spop (v2sf);
	vm0 =	vlt.u32 v5, $0x2F80  }
0x17b: {  	s28 =	simm.s32 $0x20;
	s22 =	scvt.f32.s32 s31;
	v6 =	vsel vm0, $0x3F800000, v0  }
.LBB2_19:
0x17c: {  	p0 =	sne.s32 s28, $0x4F0  }
0x17d: {  	(xrf2) =	vadd.scan.msk.f32 $0xffff, v6;
	s26 =	sadd.s32 s22, s26;
	s4 =	smov.u32 s28;
	s28 =	sadd.s32 $0x10, s28  }
0x17e: {  	v6 =	vmov s26  }
0x17f: {  	v6 =	vadd.s32 $0xFFFFFFFF, v6;
	_ =	sdelay $0x7  }
0x180: {  	v7, _, _ =	vpop (xrf2)  }
0x181: {  	v8 =	vtrunc.f32 v7;
	(v2sf) =	vpush v7, $0xF  }
0x182: {  	v6 =	vbroadcast v6, $0x0;
	v7 =	vcvt.f32.s32 v8;
	_ =	sdelay $0x1  }
0x183: {  	v6 =	vadd.s32 v7, v6  }
0x184: {  	v7 =	vld [tilespmem:s13+$0x1680];
	_ =	sdelay $0x2  }
0x185: {  	s25 =	sadd.s32 $0x20, s25  }
0x186: {  	s4 =	sand.u32 $0x70, s4;
	s13 =	sand.u32 $0xF00, s25;
	[tilespmem:v6+s7+$0x0] =	vst.idx.msk vm0, v5  }
0x187: {  	s13 =	sor.u32 s4, s13;
	[tilespmem:v6+s3+$0x0] =	vst.idx.msk vm0, v7  }
0x188: {  	v5 =	vld [tilespmem:s13+$0x1600];
	_ =	sdelay $0x2  }
.Ltmp15:
0x189: {  	(pc) =	sbr.rel @p0 .LBB2_19-.Ltmp15, $4  }
0x18a: {  	_ = 	snop  }
0x18b: {  	v5 =	vsub.s32 v5, v4;
	s4 =	spop (v2sf)  }
0x18c: {  	vm0 =	vlt.u32 v5, $0x2F80;
	s22 =	scvt.f32.s32 s4  }
0x18d: {  	v6 =	vsel vm0, $0x3F800000, v0  }
0x18e: {  	(xrf2) =	vadd.scan.msk.f32 $0xffff, v6;
	_ =	sdelay $0x9  }
0x18f: {  	v6, _, _ =	vpop (xrf2)  }
0x190: {  	(v2sf) =	vpush v6, $0xF;
	_ =	sdelay $0xe  }
0x191: {  	s30 =	spop (v2sf)  }
0x192: {  	s4 =	sadd.s32 s22, s26;
	s22 =	scvt.f32.s32 s30;
	_ =	sdelay $0x1  }
0x193: {  	v7 =	vmov s4;
	s26 =	sadd.s32 s22, s4  }
0x194: {  	v7 =	vadd.s32 $0xFFFFFFFF, v7;
	v6 =	vtrunc.f32 v6;
	s4 =	sand.u32 $0x7F, s26  }
0x195: {  	v7 =	vbroadcast v7, $0x0;
	v6 =	vcvt.f32.s32 v6;
	s31 =	sshra.s32 s26, $0x1F;
	p1 =	slt.s32 s26, $0x1;
	p0 =	sne.s32 s4, $0x0  }
0x196: {  	s4 =	sshrl.u32 s31, $0x19;
	p0 =	por !p1, !p0  }
0x197: {  	v6 =	vadd.s32 v6, v7;
	v7 =	vld [tilespmem:s13+$0x1680];
	s13 =	simm.s32 $0x1;
	s4 =	sadd.s32 s4, s26;
	p0 =	por !p0, !p0  }
0x198: {  	s25 =	sshra.s32 s4, $0x7;
	s13 =	simm.s32 @!p0 $0x0  }
0x199: {  	s28 =	ssub.s32 s25, s13  }
0x19a: {  	p1 =	slt.s32 s28, $0x1  }
.Ltmp16:
0x19b: {  	_ = 	snop;
	(pc) =	sbr.rel @p1 .LBB2_24-.Ltmp16, $3  }
0x19c: {  	_ =	sdelay $0x1  }
0x19d: {  	[tilespmem:v6+s7+$0x0] =	vst.idx.msk vm0, v5  }
0x19e: {  	[tilespmem:v6+s3+$0x0] =	vst.idx.msk vm0, v7  }
0x19f: {  	s29 =	simm.s32 $0x40  }
0x1a0: {  	v5 =	vld [tilespmem:s29+$0xFFFFFFC0];
	_ =	sdelay $0x4  }
0x1a1: {  	s30 =	simm.s32 $0x640;
	[tilespmem:$0x2000] =	vst v5  }
0x1a2: {  	v5 =	vld [tilespmem:s30+$0xFFFFFFC0];
	_ =	sdelay $0x4  }
0x1a3: {  	[tilespmem:$0x2080] =	vst v5  }
0x1a4: {  	v5 =	vld [tilespmem:s29+$0x0];
	_ =	sdelay $0x4  }
0x1a5: {  	[tilespmem:$0x2100] =	vst v5  }
0x1a6: {  	v5 =	vld [tilespmem:s30+$0x0];
	_ =	sdelay $0x4  }
0x1a7: {  	[tilespmem:$0x2180] =	vst v5  }
0x1a8: {  	v5 =	vld [tilespmem:s29+$0xFFFFFFD0];
	_ =	sdelay $0x4  }
0x1a9: {  	[tilespmem:$0x2010] =	vst v5  }
0x1aa: {  	v5 =	vld [tilespmem:s30+$0xFFFFFFD0];
	_ =	sdelay $0x4  }
0x1ab: {  	[tilespmem:$0x2090] =	vst v5  }
0x1ac: {  	v5 =	vld [tilespmem:s29+$0x10];
	_ =	sdelay $0x4  }
0x1ad: {  	[tilespmem:$0x2110] =	vst v5  }
0x1ae: {  	v5 =	vld [tilespmem:s30+$0x10];
	_ =	sdelay $0x4  }
0x1af: {  	[tilespmem:$0x2190] =	vst v5  }
0x1b0: {  	v5 =	vld [tilespmem:s29+$0xFFFFFFE0];
	_ =	sdelay $0x4  }
0x1b1: {  	[tilespmem:$0x2020] =	vst v5  }
0x1b2: {  	v5 =	vld [tilespmem:s30+$0xFFFFFFE0];
	_ =	sdelay $0x4  }
0x1b3: {  	[tilespmem:$0x20A0] =	vst v5  }
0x1b4: {  	v5 =	vld [tilespmem:s29+$0x20];
	_ =	sdelay $0x4  }
0x1b5: {  	[tilespmem:$0x2120] =	vst v5  }
0x1b6: {  	v5 =	vld [tilespmem:s30+$0x20];
	_ =	sdelay $0x4  }
0x1b7: {  	[tilespmem:$0x21A0] =	vst v5  }
0x1b8: {  	v5 =	vld [tilespmem:s29+$0xFFFFFFF0];
	_ =	sdelay $0x4  }
0x1b9: {  	[tilespmem:$0x2030] =	vst v5  }
0x1ba: {  	v5 =	vld [tilespmem:s30+$0xFFFFFFF0];
	_ =	sdelay $0x4  }
0x1bb: {  	[tilespmem:$0x20B0] =	vst v5  }
0x1bc: {  	v5 =	vld [tilespmem:s29+$0x30];
	_ =	sdelay $0x4  }
0x1bd: {  	[tilespmem:$0x2130] =	vst v5  }
0x1be: {  	v5 =	vld [tilespmem:s30+$0x30];
	_ =	sdelay $0x4  }
0x1bf: {  	[tilespmem:$0x21B0] =	vst v5  }
0x1c0: {  	[tilespmem:s15], [sflag:$0x1] =	stream.indirect.gather [hbm4b:s5+s11], $0x80, s14, s11, $0xb8;
	[tilespmem:$0x1FA00] =	vst v63  }
0x1c1: {  	_ = 	snop  }
0x1c2: {  	[tilespmem:s17], [sflag:$0x2] =	stream.indirect.gather [hbm4b:s5+s11], $0x80, s16, s11, $0xb8;
	[tilespmem:$0x1FA00] =	vst v63  }
0x1c3: {  	_ =	swait.ge [sflag:s8], $0x2000  }
0x1c4: {  	[sflag:s8] =	ssyncset.done $0x0  }
0x1c5: {  	[sflag:s8] =	ssyncadd.s32 $0xFFFFE000  }
0x1c6: {  	[spmem:s1] =	stream.indirect.scatter.add.f32 [tilespmem:s15], [sflag:$0x5], $0x80, s18, s11, $0xb8;
	[tilespmem:$0x1FA00] =	vst v63  }
0x1c7: {  	_ =	swait.ge [sflag:s0], $0x2000  }
0x1c8: {  	[sflag:s0] =	ssyncset.done $0x0  }
0x1c9: {  	[sflag:s0] =	ssyncadd.s32 $0xFFFFE000  }
0x1ca: {  	p1 =	sne.s32 s28, $0x1;
	_ =	swait.ge [sflag:s19], $0x2000  }
.Ltmp17:
0x1cb: {  	[sflag:s19] =	ssyncset.done $0x0;
	(pc) =	sbr.rel @!p1 .LBB2_23-.Ltmp17, $4  }
0x1cc: {  	[sflag:s19] =	ssyncadd.s32 $0xFFFFE000  }
0x1cd: {  	[spmem:s1] =	stream.indirect.scatter.add.f32 [tilespmem:s17], [sflag:$0x5], $0x80, s20, s11, $0xb8;
	[tilespmem:$0x1FA00] =	vst v63  }
0x1ce: {  	_ =	swait.ge [sflag:s0], $0x2000  }
0x1cf: {  	s13 =	sadd.s32 $0xFFFFFFFF, s28;
	[sflag:s0] =	ssyncset.done $0x0  }
.LBB2_22:
0x1d0: {  	[sflag:s0] =	ssyncadd.s32 $0xFFFFE000;
	s30 =	sadd.s32 $0x80, s30;
	s29 =	sadd.s32 $0x80, s29  }
0x1d1: {  	p1 =	sne.s32 s13, $0x1;
	s13 =	sadd.s32 $0xFFFFFFFF, s13;
	v5 =	vld [tilespmem:s29+$0xFFFFFFC0];
	_ =	sdelay $0x4  }
0x1d2: {  	[tilespmem:$0x2000] =	vst v5  }
0x1d3: {  	v5 =	vld [tilespmem:s30+$0xFFFFFFC0];
	_ =	sdelay $0x4  }
0x1d4: {  	[tilespmem:$0x2080] =	vst v5  }
0x1d5: {  	v5 =	vld [tilespmem:s29+$0x0];
	_ =	sdelay $0x4  }
0x1d6: {  	[tilespmem:$0x2100] =	vst v5  }
0x1d7: {  	v5 =	vld [tilespmem:s30+$0x0];
	_ =	sdelay $0x4  }
0x1d8: {  	[tilespmem:$0x2180] =	vst v5  }
0x1d9: {  	v5 =	vld [tilespmem:s29+$0xFFFFFFD0];
	_ =	sdelay $0x4  }
0x1da: {  	[tilespmem:$0x2010] =	vst v5  }
0x1db: {  	v5 =	vld [tilespmem:s30+$0xFFFFFFD0];
	_ =	sdelay $0x4  }
0x1dc: {  	[tilespmem:$0x2090] =	vst v5  }
0x1dd: {  	v5 =	vld [tilespmem:s29+$0x10];
	_ =	sdelay $0x4  }
0x1de: {  	[tilespmem:$0x2110] =	vst v5  }
0x1df: {  	v5 =	vld [tilespmem:s30+$0x10];
	_ =	sdelay $0x4  }
0x1e0: {  	[tilespmem:$0x2190] =	vst v5  }
0x1e1: {  	v5 =	vld [tilespmem:s29+$0xFFFFFFE0];
	_ =	sdelay $0x4  }
0x1e2: {  	[tilespmem:$0x2020] =	vst v5  }
0x1e3: {  	v5 =	vld [tilespmem:s30+$0xFFFFFFE0];
	_ =	sdelay $0x4  }
0x1e4: {  	[tilespmem:$0x20A0] =	vst v5  }
0x1e5: {  	v5 =	vld [tilespmem:s29+$0x20];
	_ =	sdelay $0x4  }
0x1e6: {  	[tilespmem:$0x2120] =	vst v5  }
0x1e7: {  	v5 =	vld [tilespmem:s30+$0x20];
	_ =	sdelay $0x4  }
0x1e8: {  	[tilespmem:$0x21A0] =	vst v5  }
0x1e9: {  	v5 =	vld [tilespmem:s29+$0xFFFFFFF0];
	_ =	sdelay $0x4  }
0x1ea: {  	[tilespmem:$0x2030] =	vst v5  }
0x1eb: {  	v5 =	vld [tilespmem:s30+$0xFFFFFFF0];
	_ =	sdelay $0x4  }
0x1ec: {  	[tilespmem:$0x20B0] =	vst v5  }
0x1ed: {  	v5 =	vld [tilespmem:s29+$0x30];
	_ =	sdelay $0x4  }
0x1ee: {  	[tilespmem:$0x2130] =	vst v5  }
0x1ef: {  	v5 =	vld [tilespmem:s30+$0x30];
	_ =	sdelay $0x4  }
0x1f0: {  	[tilespmem:$0x21B0] =	vst v5  }
0x1f1: {  	[tilespmem:s15], [sflag:$0x1] =	stream.indirect.gather [hbm4b:s5+s11], $0x80, s14, s11, $0xb8;
	[tilespmem:$0x1FA00] =	vst v63  }
0x1f2: {  	_ = 	snop  }
0x1f3: {  	[tilespmem:s17], [sflag:$0x2] =	stream.indirect.gather [hbm4b:s5+s11], $0x80, s16, s11, $0xb8;
	[tilespmem:$0x1FA00] =	vst v63  }
0x1f4: {  	_ =	swait.ge [sflag:s8], $0x2000  }
0x1f5: {  	[sflag:s8] =	ssyncset.done $0x0  }
0x1f6: {  	[sflag:s8] =	ssyncadd.s32 $0xFFFFE000  }
0x1f7: {  	[spmem:s1] =	stream.indirect.scatter.add.f32 [tilespmem:s15], [sflag:$0x5], $0x80, s18, s11, $0xb8;
	[tilespmem:$0x1FA00] =	vst v63  }
0x1f8: {  	_ =	swait.ge [sflag:s0], $0x2000  }
0x1f9: {  	[sflag:s0] =	ssyncset.done $0x0  }
0x1fa: {  	[sflag:s0] =	ssyncadd.s32 $0xFFFFE000  }
0x1fb: {  	_ =	swait.ge [sflag:s19], $0x2000  }
.Ltmp18:
0x1fc: {  	[sflag:s19] =	ssyncset.done $0x0;
	(pc) =	sbr.rel @p1 .LBB2_22-.Ltmp18, $4  }
0x1fd: {  	[sflag:s19] =	ssyncadd.s32 $0xFFFFE000  }
0x1fe: {  	[spmem:s1] =	stream.indirect.scatter.add.f32 [tilespmem:s17], [sflag:$0x5], $0x80, s20, s11, $0xb8;
	[tilespmem:$0x1FA00] =	vst v63  }
0x1ff: {  	_ =	swait.ge [sflag:s0], $0x2000  }
0x200: {  	[sflag:s0] =	ssyncset.done $0x0  }
.LBB2_23:
0x201: {  	[sflag:s0] =	ssyncadd.s32 $0xFFFFE000  }
.LBB2_24:
0x202: {  	s4 =	sshll.u32 s28, $0x7  }
0x203: {  	s26 =	ssub.s32 s26, s4  }
0x204: {  	s4 =	sadd.s32 $0xF, s26  }
0x205: {  	s13 =	sand.u32 $0xF, s4  }
0x206: {  	s31 =	sshra.s32 s4, $0x1F;
	p2 =	slt.s32 s4, $0x1;
	p1 =	sne.s32 s13, $0x0  }
0x207: {  	s13 =	sshrl.u32 s31, $0x1C;
	p1 =	por !p2, !p1  }
0x208: {  	s4 =	sadd.s32 s13, s4;
	s13 =	simm.s32 $0x1;
	p1 =	por !p1, !p1  }
0x209: {  	s4 =	sshra.s32 s4, $0x4;
	s13 =	simm.s32 @!p1 $0x0  }
0x20a: {  	s23 =	ssub.s32 s4, s13  }
0x20b: {  	p1 =	slt.s32 s23, $0x1  }
.Ltmp19:
0x20c: {  	_ = 	snop;
	(pc) =	sbr.rel @p1 .LBB2_31-.Ltmp19, $1  }
0x20d: {  	_ =	sdelay $0x3  }
0x20e: {  	p1 =	sne.s32 s23, $0x1  }
.Ltmp20:
0x20f: {  	s4 =	simm.s32 $0xFFFFFFFF;
	(pc) =	sbr.rel @!p1 .LBB2_26-.Ltmp20, $4  }
0x210: {  	s4 =	simm.s32 @!p0 $0x0  }
0x211: {  	s13 =	sshll.u32 s25, $0x7;
	s4 =	sshll.u32 s4, $0x7  }
0x212: {  	s25 =	simm.s32 $0x600;
	s23 =	sadd.s32 $0xFFFFFFFF, s23;
	s28 =	sadd.s32 s4, s13  }
0x213: {  	p0 =	por $0x0, $0x0;
	s13 =	simm.s32 $0x0;
	s22 =	sadd.s32 $0x0, s28  }
0x214: {  	s4 =	sand.u32 $0xFFFFFF80, s22;
	s22 =	sand.u32 $0x70, s13  }
0x215: {  	s4 =	sor.u32 s22, s4  }
0x216: {  	v5 =	vld [tilespmem:s4+$0x600];
	_ =	sdelay $0x3  }
0x217: {  	p1 =	sne.s32 s23, $0x1  }
.Ltmp21:
0x218: {  	[tilespmem:s25+$0x0] =	vst v5;
	(pc) =	sbr.rel @!p1 .LBB2_28-.Ltmp21, $3  }
0x219: {  	v5 =	vld [tilespmem:s4+$0x0];
	_ =	sdelay $0x1  }
0x21a: {  	s29 =	simm.s32 $0x10;
	s31 =	sadd.s32 $0xFFFFFFFF, s23;
	p0 =	por $0x1, $0x1  }
0x21b: {  	s30 =	simm.s32 $0x0;
	s23 =	simm.s32 $0x600;
	s22 =	sadd.s32 $0x10, s28  }
.LBB2_29:
0x21c: {  	p1 =	sne.s32 s31, $0x1;
	s4 =	sand.u32 $0xFFFFFF80, s22;
	s22 =	sand.u32 $0x70, s29  }
0x21d: {  	s4 =	sor.u32 s22, s4;
	[tilespmem:s30+$0x0] =	vst v5  }
0x21e: {  	v5 =	vld [tilespmem:s4+$0x600];
	_ =	sdelay $0x3  }
0x21f: {  	s23 =	sadd.s32 $0x10, s23  }
.Ltmp22:
0x220: {  	[tilespmem:s23+$0x0] =	vst v5;
	(pc) =	sbr.rel @p1 .LBB2_29-.Ltmp22, $3  }
0x221: {  	v5 =	vld [tilespmem:s4+$0x0];
	_ =	sdelay $0x1  }
0x222: {  	s29 =	sadd.s32 $0x10, s29  }
0x223: {  	s31 =	sadd.s32 $0xFFFFFFFF, s31;
	s22 =	sadd.s32 s29, s28;
	s30 =	sadd.s32 $0x10, s30  }
.Ltmp23:
0x224: {  	_ = 	snop;
	(pc) =	sbr.rel .LBB2_30-.Ltmp23, $1  }
0x225: {  	_ =	sdelay $0x3  }
.LBB2_13:
.Ltmp24:
0x226: {  	(pc) =	sbr.rel .LBB2_17-.Ltmp24, $2  }
0x227: {  	_ =	sdelay $0x2  }
0x228: {  	s29 =	simm.s32 $0x0;
	s30 =	simm.s32 $0x0;
	s23 =	simm.s32 $0x600  }
.LBB2_15:
.Ltmp25:
0x229: {  	(pc) =	sbr.rel .LBB2_17-.Ltmp25, $2  }
0x22a: {  	_ =	sdelay $0x2  }
0x22b: {  	s30 =	simm.s32 $0x0;
	s23 =	simm.s32 $0x600  }
.LBB2_28:
.Ltmp26:
0x22c: {  	(pc) =	sbr.rel .LBB2_30-.Ltmp26, $2  }
0x22d: {  	_ =	sdelay $0x2  }
0x22e: {  	s30 =	simm.s32 $0x0;
	s23 =	simm.s32 $0x600  }
.LBB2_32:
0x22f: {  	v4 =	vadd.s32 s26, v1  }
0x230: {  	s4 =	sadd.s32 $0x10, s26  }
0x231: {  	_ =	swait.ge [sflag:s2], $0xA00;
	v5 =	vadd.s32 s4, v1  }
0x232: {  	s23 =	sadd.s32 $0x20, s26;
	[sflag:s2] =	ssyncset.done $0x0  }
0x233: {  	v6 =	vadd.s32 s23, v1;
	[sflag:s2] =	ssyncadd.s32 $0xFFFFF600  }
0x234: {  	s24 =	sadd.s32 $0x30, s26;
	[tilespmem:v4+s7+$0x0] =	vst.idx.msk $0xffff, v2  }
0x235: {  	[tilespmem:v4+s3+$0x0] =	vst.idx.msk $0xffff, v3;
	v4 =	vadd.s32 s24, v1  }
0x236: {  	s25 =	sadd.s32 $0x40, s26;
	[tilespmem:v5+s7+$0x0] =	vst.idx.msk $0xffff, v2  }
0x237: {  	s30 =	sadd.s32 $0x7F, s26;
	[tilespmem:v5+s3+$0x0] =	vst.idx.msk $0xffff, v3;
	v5 =	vadd.s32 s25, v1  }
0x238: {  	s28 =	sadd.s32 $0x50, s26;
	s13 =	sadd.s32 $0x70, s26;
	s22 =	sand.u32 $0x7F, s30;
	[tilespmem:v6+s7+$0x0] =	vst.idx.msk $0xffff, v2  }
0x239: {  	v63 =	vadd.s32 s28, v1;
	s31 =	sshra.s32 s30, $0x1F;
	p1 =	slt.s32 s30, $0x1;
	p0 =	sne.s32 s22, $0x0;
	[tilespmem:v6+s3+$0x0] =	vst.idx.msk $0xffff, v3  }
0x23a: {  	s29 =	sadd.s32 $0x60, s26;
	v7 =	vadd.s32 s13, v1;
	s13 =	sshrl.u32 s31, $0x19;
	p0 =	por !p1, !p0;
	[tilespmem:v4+s7+$0x0] =	vst.idx.msk $0xffff, v2  }
0x23b: {  	s4 =	sadd.s32 s13, s30;
	s13 =	simm.s32 $0x1;
	p0 =	por !p0, !p0;
	[tilespmem:v4+s3+$0x0] =	vst.idx.msk $0xffff, v3;
	v4 =	vadd.s32 s29, v1  }
0x23c: {  	s4 =	sshra.s32 s4, $0x7;
	s13 =	simm.s32 @!p0 $0x0;
	[tilespmem:v5+s7+$0x0] =	vst.idx.msk $0xffff, v2  }
0x23d: {  	s13 =	ssub.s32 s4, s13;
	[tilespmem:v5+s3+$0x0] =	vst.idx.msk $0xffff, v3  }
0x23e: {  	p0 =	slt.s32 s13, $0x1;
	[tilespmem:v63+s7+$0x0] =	vst.idx.msk $0xffff, v2  }
.Ltmp27:
0x23f: {  	[tilespmem:v63+s3+$0x0] =	vst.idx.msk $0xffff, v3;
	(pc) =	sbr.rel @p0 .LBB2_36-.Ltmp27, $4  }
0x240: {  	[tilespmem:v4+s7+$0x0] =	vst.idx.msk $0xffff, v2  }
0x241: {  	[tilespmem:v4+s3+$0x0] =	vst.idx.msk $0xffff, v3  }
0x242: {  	[tilespmem:v7+s7+$0x0] =	vst.idx.msk $0xffff, v2  }
0x243: {  	[tilespmem:v7+s3+$0x0] =	vst.idx.msk $0xffff, v3  }
0x244: {  	s24 =	simm.s32 $0x40  }
0x245: {  	v4 =	vld [tilespmem:s24+$0xFFFFFFC0];
	_ =	sdelay $0x4  }
0x246: {  	s25 =	simm.s32 $0x640;
	[tilespmem:$0x2000] =	vst v4  }
0x247: {  	v4 =	vld [tilespmem:s25+$0xFFFFFFC0];
	_ =	sdelay $0x4  }
0x248: {  	[tilespmem:$0x2080] =	vst v4  }
0x249: {  	v4 =	vld [tilespmem:s24+$0x0];
	_ =	sdelay $0x4  }
0x24a: {  	[tilespmem:$0x2100] =	vst v4  }
0x24b: {  	v4 =	vld [tilespmem:s25+$0x0];
	_ =	sdelay $0x4  }
0x24c: {  	[tilespmem:$0x2180] =	vst v4  }
0x24d: {  	v4 =	vld [tilespmem:s24+$0xFFFFFFD0];
	_ =	sdelay $0x4  }
0x24e: {  	[tilespmem:$0x2010] =	vst v4  }
0x24f: {  	v4 =	vld [tilespmem:s25+$0xFFFFFFD0];
	_ =	sdelay $0x4  }
0x250: {  	[tilespmem:$0x2090] =	vst v4  }
0x251: {  	v4 =	vld [tilespmem:s24+$0x10];
	_ =	sdelay $0x4  }
0x252: {  	[tilespmem:$0x2110] =	vst v4  }
0x253: {  	v4 =	vld [tilespmem:s25+$0x10];
	_ =	sdelay $0x4  }
0x254: {  	[tilespmem:$0x2190] =	vst v4  }
0x255: {  	v4 =	vld [tilespmem:s24+$0xFFFFFFE0];
	_ =	sdelay $0x4  }
0x256: {  	[tilespmem:$0x2020] =	vst v4  }
0x257: {  	v4 =	vld [tilespmem:s25+$0xFFFFFFE0];
	_ =	sdelay $0x4  }
0x258: {  	[tilespmem:$0x20A0] =	vst v4  }
0x259: {  	v4 =	vld [tilespmem:s24+$0x20];
	_ =	sdelay $0x4  }
0x25a: {  	[tilespmem:$0x2120] =	vst v4  }
0x25b: {  	v4 =	vld [tilespmem:s25+$0x20];
	_ =	sdelay $0x4  }
0x25c: {  	[tilespmem:$0x21A0] =	vst v4  }
0x25d: {  	v4 =	vld [tilespmem:s24+$0xFFFFFFF0];
	_ =	sdelay $0x4  }
0x25e: {  	[tilespmem:$0x2030] =	vst v4  }
0x25f: {  	v4 =	vld [tilespmem:s25+$0xFFFFFFF0];
	_ =	sdelay $0x4  }
0x260: {  	[tilespmem:$0x20B0] =	vst v4  }
0x261: {  	v4 =	vld [tilespmem:s24+$0x30];
	_ =	sdelay $0x4  }
0x262: {  	[tilespmem:$0x2130] =	vst v4  }
0x263: {  	v4 =	vld [tilespmem:s25+$0x30];
	_ =	sdelay $0x4  }
0x264: {  	[tilespmem:$0x21B0] =	vst v4  }
0x265: {  	[tilespmem:s15], [sflag:$0x1] =	stream.indirect.gather [hbm4b:s5+s11], $0x80, s14, s11, $0xb8;
	[tilespmem:$0x1FA00] =	vst v63  }
0x266: {  	_ = 	snop  }
0x267: {  	[tilespmem:s17], [sflag:$0x2] =	stream.indirect.gather [hbm4b:s5+s11], $0x80, s16, s11, $0xb8;
	[tilespmem:$0x1FA00] =	vst v63  }
0x268: {  	_ =	swait.ge [sflag:s8], $0x2000  }
0x269: {  	[sflag:s8] =	ssyncset.done $0x0  }
0x26a: {  	[sflag:s8] =	ssyncadd.s32 $0xFFFFE000  }
0x26b: {  	[spmem:s1] =	stream.indirect.scatter.add.f32 [tilespmem:s15], [sflag:$0x5], $0x80, s18, s11, $0xb8;
	[tilespmem:$0x1FA00] =	vst v63  }
0x26c: {  	_ =	swait.ge [sflag:s0], $0x2000  }
0x26d: {  	[sflag:s0] =	ssyncset.done $0x0  }
0x26e: {  	[sflag:s0] =	ssyncadd.s32 $0xFFFFE000  }
0x26f: {  	p0 =	sne.s32 s13, $0x1;
	_ =	swait.ge [sflag:s19], $0x2000  }
.Ltmp28:
0x270: {  	[sflag:s19] =	ssyncset.done $0x0;
	(pc) =	sbr.rel @!p0 .LBB2_35-.Ltmp28, $4  }
0x271: {  	[sflag:s19] =	ssyncadd.s32 $0xFFFFE000  }
0x272: {  	[spmem:s1] =	stream.indirect.scatter.add.f32 [tilespmem:s17], [sflag:$0x5], $0x80, s20, s11, $0xb8;
	[tilespmem:$0x1FA00] =	vst v63  }
0x273: {  	_ =	swait.ge [sflag:s0], $0x2000  }
0x274: {  	s13 =	sadd.s32 $0xFFFFFFFF, s13;
	[sflag:s0] =	ssyncset.done $0x0  }
.LBB2_34:
0x275: {  	[sflag:s0] =	ssyncadd.s32 $0xFFFFE000;
	s25 =	sadd.s32 $0x80, s25;
	s24 =	sadd.s32 $0x80, s24  }
0x276: {  	p0 =	sne.s32 s13, $0x1;
	s13 =	sadd.s32 $0xFFFFFFFF, s13;
	v4 =	vld [tilespmem:s24+$0xFFFFFFC0];
	_ =	sdelay $0x4  }
0x277: {  	[tilespmem:$0x2000] =	vst v4  }
0x278: {  	v4 =	vld [tilespmem:s25+$0xFFFFFFC0];
	_ =	sdelay $0x4  }
0x279: {  	[tilespmem:$0x2080] =	vst v4  }
0x27a: {  	v4 =	vld [tilespmem:s24+$0x0];
	_ =	sdelay $0x4  }
0x27b: {  	[tilespmem:$0x2100] =	vst v4  }
0x27c: {  	v4 =	vld [tilespmem:s25+$0x0];
	_ =	sdelay $0x4  }
0x27d: {  	[tilespmem:$0x2180] =	vst v4  }
0x27e: {  	v4 =	vld [tilespmem:s24+$0xFFFFFFD0];
	_ =	sdelay $0x4  }
0x27f: {  	[tilespmem:$0x2010] =	vst v4  }
0x280: {  	v4 =	vld [tilespmem:s25+$0xFFFFFFD0];
	_ =	sdelay $0x4  }
0x281: {  	[tilespmem:$0x2090] =	vst v4  }
0x282: {  	v4 =	vld [tilespmem:s24+$0x10];
	_ =	sdelay $0x4  }
0x283: {  	[tilespmem:$0x2110] =	vst v4  }
0x284: {  	v4 =	vld [tilespmem:s25+$0x10];
	_ =	sdelay $0x4  }
0x285: {  	[tilespmem:$0x2190] =	vst v4  }
0x286: {  	v4 =	vld [tilespmem:s24+$0xFFFFFFE0];
	_ =	sdelay $0x4  }
0x287: {  	[tilespmem:$0x2020] =	vst v4  }
0x288: {  	v4 =	vld [tilespmem:s25+$0xFFFFFFE0];
	_ =	sdelay $0x4  }
0x289: {  	[tilespmem:$0x20A0] =	vst v4  }
0x28a: {  	v4 =	vld [tilespmem:s24+$0x20];
	_ =	sdelay $0x4  }
0x28b: {  	[tilespmem:$0x2120] =	vst v4  }
0x28c: {  	v4 =	vld [tilespmem:s25+$0x20];
	_ =	sdelay $0x4  }
0x28d: {  	[tilespmem:$0x21A0] =	vst v4  }
0x28e: {  	v4 =	vld [tilespmem:s24+$0xFFFFFFF0];
	_ =	sdelay $0x4  }
0x28f: {  	[tilespmem:$0x2030] =	vst v4  }
0x290: {  	v4 =	vld [tilespmem:s25+$0xFFFFFFF0];
	_ =	sdelay $0x4  }
0x291: {  	[tilespmem:$0x20B0] =	vst v4  }
0x292: {  	v4 =	vld [tilespmem:s24+$0x30];
	_ =	sdelay $0x4  }
0x293: {  	[tilespmem:$0x2130] =	vst v4  }
0x294: {  	v4 =	vld [tilespmem:s25+$0x30];
	_ =	sdelay $0x4  }
0x295: {  	[tilespmem:$0x21B0] =	vst v4  }
0x296: {  	[tilespmem:s15], [sflag:$0x1] =	stream.indirect.gather [hbm4b:s5+s11], $0x80, s14, s11, $0xb8;
	[tilespmem:$0x1FA00] =	vst v63  }
0x297: {  	_ = 	snop  }
0x298: {  	[tilespmem:s17], [sflag:$0x2] =	stream.indirect.gather [hbm4b:s5+s11], $0x80, s16, s11, $0xb8;
	[tilespmem:$0x1FA00] =	vst v63  }
0x299: {  	_ =	swait.ge [sflag:s8], $0x2000  }
0x29a: {  	[sflag:s8] =	ssyncset.done $0x0  }
0x29b: {  	[sflag:s8] =	ssyncadd.s32 $0xFFFFE000  }
0x29c: {  	[spmem:s1] =	stream.indirect.scatter.add.f32 [tilespmem:s15], [sflag:$0x5], $0x80, s18, s11, $0xb8;
	[tilespmem:$0x1FA00] =	vst v63  }
0x29d: {  	_ =	swait.ge [sflag:s0], $0x2000  }
0x29e: {  	[sflag:s0] =	ssyncset.done $0x0  }
0x29f: {  	[sflag:s0] =	ssyncadd.s32 $0xFFFFE000  }
0x2a0: {  	_ =	swait.ge [sflag:s19], $0x2000  }
.Ltmp29:
0x2a1: {  	[sflag:s19] =	ssyncset.done $0x0;
	(pc) =	sbr.rel @p0 .LBB2_34-.Ltmp29, $4  }
0x2a2: {  	[sflag:s19] =	ssyncadd.s32 $0xFFFFE000  }
0x2a3: {  	[spmem:s1] =	stream.indirect.scatter.add.f32 [tilespmem:s17], [sflag:$0x5], $0x80, s20, s11, $0xb8;
	[tilespmem:$0x1FA00] =	vst v63  }
0x2a4: {  	_ =	swait.ge [sflag:s0], $0x2000  }
0x2a5: {  	[sflag:s0] =	ssyncset.done $0x0  }
.Ltmp30:
0x2a6: {  	_ = 	snop;
	(pc) =	sbr.rel .LBB2_35-.Ltmp30, $1  }
0x2a7: {  	_ =	sdelay $0x3  }
.LBB2_38:
0x2a8: {  	_ =	sfence.sel $0x180000  }
0x2a9: {  	[bflag:$0x0] =	sbarrier.arrive $0xFFFF  }
0x2aa: {  	_ =	strace $0x9000004A  }
0x2ab: {  	s0 =	stileid.u32;
	[bflag:$0x2] =	sbarrier.arrive $0xFFFF  }
0x2ac: {  	p0 =	sne.s32 s0, $0x0;
	s0 =	rddreg [dreg:$0x2]  }
0x2ad: {  	s0 =	sadd.s32 @!p0 $0x100000, s0  }
0x2ae: {  	[sflag:s0] =	ssyncadd.tile.s32 @!p0 $0x1;
	_ =	shalt  }
.Lfunc_end2:
_tile_overlayer_lowered:
.L_overlay_start_2:
0x2af: {  	(tag) =	ssettag $0x2  }
0x2b0: {  	s0 =	rddreg [dreg:$0x0];
	s2 =	stileid.u32  }
0x2b1: {  	s1 =	rddreg [dreg:$0x1];
	p0 =	sne.s32 s2, $0x0  }
0x2b2: {  	s3 =	rddreg [dreg:$0x2];
	[bflag:$0x3] =	sbarrier.arrive $0xFFFF;
	s2 =	simm.s32 @!p0 $0x1C05  }
0x2b3: {  	[timem:s3], [sflag:s2] =	dma.local @!p0 [hbm:s0], s1  }
0x2b4: {  	s0 =	simm.s32 @!p0 $0x5  }
0x2b5: {  	_ =	swait.ge @!p0 [sflag:s0], s1  }
0x2b6: {  	s1 =	ssub.s32 @!p0 $0x0, s1;
	[sflag:s0] =	ssyncset.done @!p0 $0x0  }
0x2b7: {  	[sflag:s0] =	ssyncadd.s32 @!p0 s1  }
0x2b8: {  	[bflag:$0x3] =	sbarrier.arrive $0xFFFF  }
0x2b9: {  	_ =	shalt  }

</sc_bundles>
